<compile_context>
chip_gen: v7x
topology: tpu7x:2x2x1
jax: 0.10.2.dev20260603
libtpu: 0.0.44.dev20260713+nightly
codegen_flags: <defaults>
</compile_context>

<pallas_src>
import functools

import jax
import jax.numpy as jnp
from jax import lax
from jax.experimental import pallas as pl
from jax.experimental.pallas import tpu as pltpu
from jax.experimental.pallas import tpu_sc as plsc

HEADS = 8
CDIM = 16
LANES = HEADS * CDIM
SCALE_LIN = 32.0 / 8.0
SCALE_ATT = 32.0 / 4.0
NEG_SLOPE = 0.2

NC = 2
NS = 16
CH = 96
ZR = 12



def _dot_t(a, b):
    return lax.dot_general(a, b, (((1,), (1,)), ((), ())),
                           preferred_element_type=jnp.float32,
                           precision=lax.Precision.HIGHEST)


def _node_transform(xp_like, Wb, A, B, asrc_f, adst_f, Asrc, Bsrc, Adst, Bdst):
    xp = _dot_t(xp_like, Wb)
    u = _dot_t(xp_like, A)
    xp = xp + _dot_t(u, B) * SCALE_LIN
    lor_d = lax.dot_general(Bsrc, Asrc, (((1,), (0,)), ((), ())),
                            preferred_element_type=jnp.float32,
                            precision=lax.Precision.HIGHEST) * SCALE_ATT
    lor_s = lax.dot_general(Bdst, Adst, (((1,), (0,)), ((), ())),
                            preferred_element_type=jnp.float32,
                            precision=lax.Precision.HIGHEST) * SCALE_ATT
    aeff_d = asrc_f + jnp.concatenate([lor_d] * HEADS, axis=1)
    aeff_s = adst_f + jnp.concatenate([lor_s] * HEADS, axis=1)
    rr = lax.broadcasted_iota(jnp.int32, (LANES, CDIM), 0)
    cc = lax.broadcasted_iota(jnp.int32, (LANES, CDIM), 1)
    ssum = jnp.where((rr // CDIM) == cc, 1.0, 0.0).astype(jnp.float32)
    sA = jnp.dot(xp * aeff_d, ssum, preferred_element_type=jnp.float32,
                 precision=lax.Precision.HIGHEST)
    sB = jnp.dot(xp * aeff_s, ssum, preferred_element_type=jnp.float32,
                 precision=lax.Precision.HIGHEST)
    return xp, sA, sB


def _tc1_body(x_ref, Wb_ref, A_ref, B_ref, asrc_ref, adst_ref,
              Asrc_ref, Bsrc_ref, Adst_ref, Bdst_ref,
              xp_ref, sA_ref, sB_ref):
    xp, sA, sB = _node_transform(
        x_ref[...], Wb_ref[...], A_ref[...], B_ref[...],
        asrc_ref[...], adst_ref[...], Asrc_ref[...], Bsrc_ref[...],
        Adst_ref[...], Bdst_ref[...])
    xp_ref[...] = xp
    sA_ref[...] = sA
    sB_ref[...] = sB


def _expand_mat():
    hh = lax.broadcasted_iota(jnp.int32, (CDIM, LANES), 0)
    rr = lax.broadcasted_iota(jnp.int32, (CDIM, LANES), 1)
    return jnp.where(hh == (rr // CDIM), 1.0, 0.0).astype(jnp.float32)


def _tc2_body(msg_ref, den_ref, x_ref, bias1_ref, Wb_ref, A_ref, B_ref,
              asrc_ref, adst_ref, Asrc_ref, Bsrc_ref, Adst_ref, Bdst_ref,
              xp_ref, sA_ref, sB_ref):
    msg = msg_ref[0] + msg_ref[1]
    den = den_ref[0] + den_ref[1]
    rden = 1.0 / (den + 1e-16)
    out1 = msg * jnp.dot(rden, _expand_mat(),
                         preferred_element_type=jnp.float32,
                         precision=lax.Precision.HIGHEST) + bias1_ref[...]
    h = jnp.where(out1 > 0, out1, jnp.exp(out1) - 1.0) + x_ref[...]
    xp, sA, sB = _node_transform(
        h, Wb_ref[...], A_ref[...], B_ref[...],
        asrc_ref[...], adst_ref[...], Asrc_ref[...], Bsrc_ref[...],
        Adst_ref[...], Bdst_ref[...])
    xp_ref[...] = xp
    sA_ref[...] = sA
    sB_ref[...] = sB


def _tc3_body(msg_ref, den_ref, bias2_ref, out_ref):
    msg = msg_ref[0] + msg_ref[1]
    den = den_ref[0] + den_ref[1]
    rden = 1.0 / (den + 1e-16)
    q = msg * jnp.dot(rden, _expand_mat(), preferred_element_type=jnp.float32,
                      precision=lax.Precision.HIGHEST)
    rr = lax.broadcasted_iota(jnp.int32, (LANES, CDIM), 0)
    cc = lax.broadcasted_iota(jnp.int32, (LANES, CDIM), 1)
    meanm = jnp.where((rr % CDIM) == cc, 1.0 / HEADS, 0.0).astype(jnp.float32)
    out_ref[...] = jnp.dot(q, meanm, preferred_element_type=jnp.float32,
                           precision=lax.Precision.HIGHEST) + bias2_ref[...]


def _full_spec(shape):
    nd = len(shape)
    return pl.BlockSpec(shape, lambda i: (0,) * nd)


def _tc_node1(x_pad, Wb, A, B, asrc_f, adst_f, Asrc, Bsrc, Adst, Bdst,
              npad, blk):
    grid = (npad // blk,)
    return pl.pallas_call(
        _tc1_body,
        grid=grid,
        in_specs=[
            pl.BlockSpec((blk, LANES), lambda i: (i, 0)),
            _full_spec(Wb.shape), _full_spec(A.shape), _full_spec(B.shape),
            _full_spec(asrc_f.shape), _full_spec(adst_f.shape),
            _full_spec(Asrc.shape), _full_spec(Bsrc.shape),
            _full_spec(Adst.shape), _full_spec(Bdst.shape),
        ],
        out_specs=[
            pl.BlockSpec((blk, LANES), lambda i: (i, 0)),
            pl.BlockSpec((blk, CDIM), lambda i: (i, 0)),
            pl.BlockSpec((blk, CDIM), lambda i: (i, 0)),
        ],
        out_shape=[
            jax.ShapeDtypeStruct((npad, LANES), jnp.float32),
            jax.ShapeDtypeStruct((npad, CDIM), jnp.float32),
            jax.ShapeDtypeStruct((npad, CDIM), jnp.float32),
        ],
    )(x_pad, Wb, A, B, asrc_f, adst_f, Asrc, Bsrc, Adst, Bdst)


def _tc_mid(msg_p, den_p, x_pad, bias1_f, Wb, A, B, asrc_f, adst_f,
            Asrc, Bsrc, Adst, Bdst, npad, blk):
    grid = (npad // blk,)
    return pl.pallas_call(
        _tc2_body,
        grid=grid,
        in_specs=[
            pl.BlockSpec((NC, blk, LANES), lambda i: (0, i, 0)),
            pl.BlockSpec((NC, blk, CDIM), lambda i: (0, i, 0)),
            pl.BlockSpec((blk, LANES), lambda i: (i, 0)),
            _full_spec(bias1_f.shape),
            _full_spec(Wb.shape), _full_spec(A.shape), _full_spec(B.shape),
            _full_spec(asrc_f.shape), _full_spec(adst_f.shape),
            _full_spec(Asrc.shape), _full_spec(Bsrc.shape),
            _full_spec(Adst.shape), _full_spec(Bdst.shape),
        ],
        out_specs=[
            pl.BlockSpec((blk, LANES), lambda i: (i, 0)),
            pl.BlockSpec((blk, CDIM), lambda i: (i, 0)),
            pl.BlockSpec((blk, CDIM), lambda i: (i, 0)),
        ],
        out_shape=[
            jax.ShapeDtypeStruct((npad, LANES), jnp.float32),
            jax.ShapeDtypeStruct((npad, CDIM), jnp.float32),
            jax.ShapeDtypeStruct((npad, CDIM), jnp.float32),
        ],
    )(msg_p, den_p, x_pad, bias1_f, Wb, A, B, asrc_f, adst_f,
      Asrc, Bsrc, Adst, Bdst)


def _tc_final(msg_p, den_p, bias2_f, npad, blk):
    grid = (npad // blk,)
    return pl.pallas_call(
        _tc3_body,
        grid=grid,
        in_specs=[
            pl.BlockSpec((NC, blk, LANES), lambda i: (0, i, 0)),
            pl.BlockSpec((NC, blk, CDIM), lambda i: (0, i, 0)),
            _full_spec(bias2_f.shape),
        ],
        out_specs=pl.BlockSpec((blk, CDIM), lambda i: (i, 0)),
        out_shape=jax.ShapeDtypeStruct((npad, CDIM), jnp.float32),
    )(msg_p, den_p, bias2_f)



def _sc_edge(xp, sA, sB, packed2d, npad, k_chunks):
    rows_per_sub = npad // NS
    mesh = plsc.VectorSubcoreMesh(core_axis_name="c", subcore_axis_name="s")
    out_type = [
        jax.ShapeDtypeStruct((NC, npad, LANES), jnp.float32),
        jax.ShapeDtypeStruct((NC, npad, CDIM), jnp.float32),
    ]
    scratch = [
        pltpu.VMEM((12, CH), jnp.int32),
        pltpu.VMEM((2, CH), jnp.int32),
        pltpu.VMEM((2, CH), jnp.int32),
        pltpu.VMEM((2 * CH, LANES), jnp.float32),
        pltpu.VMEM((2 * CH, CDIM), jnp.float32),
        pltpu.VMEM((2 * CH, CDIM), jnp.float32),
        pltpu.VMEM((CH, CDIM), jnp.float32),
        pltpu.VMEM((ZR, LANES), jnp.float32),
        pltpu.VMEM((ZR, CDIM), jnp.float32),
        pltpu.VMEM_SHARED((npad, LANES), jnp.float32),
        pltpu.VMEM_SHARED((npad, CDIM), jnp.float32),
        pltpu.SemaphoreType.DMA,
        pltpu.SemaphoreType.DMA,
    ]

    @functools.partial(pl.kernel, out_type=out_type, mesh=mesh,
                       scratch_types=scratch,
                       compiler_params=pltpu.CompilerParams(
                           use_tc_tiling_on_sc=False))
    def body(xp_hbm, sA_hbm, sB_hbm, pk_hbm, msg_out, den_out,
             pk_v, src_v, dst_v, xp_rows, a_rows, b_rows, ex_rows,
             zbuf, zbuf16, msg_acc, den_acc, sem, sem2):
        cid = lax.axis_index("c")
        sid = lax.axis_index("s")
        wid = cid * NS + sid
        base_row = sid * rows_per_sub

        def zfill(i, carry):
            for j in range(HEADS):
                zbuf[i, pl.ds(j * 16, 16)] = jnp.zeros((16,), jnp.float32)
            zbuf16[i, :] = jnp.zeros((16,), jnp.float32)
            return carry
        lax.fori_loop(0, ZR, zfill, 0)

        def zcopy(t, carry):
            r = base_row + t * ZR
            pltpu.async_copy(zbuf, msg_acc.at[pl.ds(r, ZR)], sem)
            pltpu.async_copy(zbuf16, den_acc.at[pl.ds(r, ZR)], sem)
            return carry
        lax.fori_loop(0, rows_per_sub // ZR, zcopy, 0)

        def zdrain(t, carry):
            r = base_row + t * ZR
            pltpu.make_async_copy(zbuf, msg_acc.at[pl.ds(r, ZR)], sem).wait()
            pltpu.make_async_copy(zbuf16, den_acc.at[pl.ds(r, ZR)],
                                  sem).wait()
            return carry
        lax.fori_loop(0, rows_per_sub // ZR, zdrain, 0)
        plsc.subcore_barrier()

        row0 = wid * k_chunks

        def ring(k, carry):
            s = k % 2

            @pl.when((k >= 2) & (k <= k_chunks + 1))
            def _drain_scatter():
                pltpu.make_async_copy(
                    ex_rows, den_acc.at[dst_v.at[s]], sem2).wait()
                pltpu.make_async_copy(
                    xp_rows.at[pl.ds(s * CH, CH)],
                    msg_acc.at[dst_v.at[s]], sem2).wait()

            @pl.when(k < k_chunks)
            def _fire_gather():
                @pl.when(k % 12 == 0)
                def _refill_idx():
                    pltpu.sync_copy(pk_hbm.at[pl.ds(row0 + k, 12)], pk_v)
                for t in range(CH // 16):
                    v = pk_v[k % 12, pl.ds(t * 16, 16)]
                    src_v[s, pl.ds(t * 16, 16)] = v & 16383
                    dst_v[s, pl.ds(t * 16, 16)] = v >> 14
                pltpu.async_copy(xp_hbm.at[src_v.at[s]],
                                 xp_rows.at[pl.ds(s * CH, CH)], sem)
                pltpu.async_copy(sA_hbm.at[dst_v.at[s]],
                                 a_rows.at[pl.ds(s * CH, CH)], sem)
                pltpu.async_copy(sB_hbm.at[src_v.at[s]],
                                 b_rows.at[pl.ds(s * CH, CH)], sem)

            @pl.when((k >= 1) & (k <= k_chunks))
            def _compute():
                p = 1 - s
                pltpu.make_async_copy(xp_hbm.at[src_v.at[p]],
                                      xp_rows.at[pl.ds(p * CH, CH)],
                                      sem).wait()
                pltpu.make_async_copy(sA_hbm.at[dst_v.at[p]],
                                      a_rows.at[pl.ds(p * CH, CH)],
                                      sem).wait()
                pltpu.make_async_copy(sB_hbm.at[src_v.at[p]],
                                      b_rows.at[pl.ds(p * CH, CH)],
                                      sem).wait()
                base = p * CH

                @plsc.parallel_loop(0, CH, 1, unroll=4)
                def _edges(e):
                    i = base + e
                    v = a_rows[i, :] + b_rows[i, :]
                    v = jnp.where(v >= 0, v, NEG_SLOPE * v)
                    v = jnp.exp(v)
                    ex_rows[e, :] = v
                    for h in range(HEADS):
                        bro = v.at[jnp.full((16,), h, jnp.int32)].get(
                            mode="promise_in_bounds")
                        xp_rows[i, pl.ds(h * 16, 16)] = (
                            xp_rows[i, pl.ds(h * 16, 16)] * bro)

                pltpu.async_copy(ex_rows, den_acc.at[dst_v.at[p]], sem2,
                                 add=True)
                pltpu.async_copy(xp_rows.at[pl.ds(p * CH, CH)],
                                 msg_acc.at[dst_v.at[p]], sem2, add=True)
            return carry
        lax.fori_loop(0, k_chunks + 2, ring, 0)
        plsc.subcore_barrier()

        def wout(t, carry):
            r = base_row + t * ZR
            pltpu.async_copy(msg_acc.at[pl.ds(r, ZR)],
                             msg_out.at[cid, pl.ds(r, ZR)], sem)
            pltpu.async_copy(den_acc.at[pl.ds(r, ZR)],
                             den_out.at[cid, pl.ds(r, ZR)], sem)
            return carry
        lax.fori_loop(0, rows_per_sub // ZR, wout, 0)

        def wdrain(t, carry):
            r = base_row + t * ZR
            pltpu.make_async_copy(msg_acc.at[pl.ds(r, ZR)],
                                  msg_out.at[cid, pl.ds(r, ZR)], sem).wait()
            pltpu.make_async_copy(den_acc.at[pl.ds(r, ZR)],
                                  den_out.at[cid, pl.ds(r, ZR)], sem).wait()
            return carry
        lax.fori_loop(0, rows_per_sub // ZR, wdrain, 0)

    return body(xp, sA, sB, packed2d)



def kernel(x, edge_index, Wb1, A1, B1, att_src1, att_dst1, Asrc1, Bsrc1,
           Adst1, Bdst1, bias1, Wb2, A2, B2, att_src2, att_dst2, Asrc2,
           Bsrc2, Adst2, Bdst2, bias2):
    n = x.shape[0]
    e_raw = edge_index.shape[1]
    gran = NS * ZR
    npad = ((n + 1 + gran - 1) // gran) * gran
    blk = npad // 8
    assert npad <= 16384

    ep = e_raw + n
    per_round = NC * NS * CH
    k_chunks = (ep + per_round - 1) // per_round
    k_chunks = ((k_chunks + 11) // 12) * 12
    epad = k_chunks * per_round
    pad_e = epad - ep

    loops = jnp.arange(n, dtype=jnp.int32)
    src = jnp.concatenate([edge_index[0].astype(jnp.int32), loops,
                           jnp.zeros((pad_e,), jnp.int32)])
    dst = jnp.concatenate([edge_index[1].astype(jnp.int32), loops,
                           jnp.full((pad_e,), n, jnp.int32)])
    packed2d = (dst * 16384 + src).reshape(-1, CH)

    x_pad = jnp.pad(x, ((0, npad - n), (0, 0)))
    asrc1_f = att_src1.reshape(1, LANES)
    adst1_f = att_dst1.reshape(1, LANES)
    asrc2_f = att_src2.reshape(1, LANES)
    adst2_f = att_dst2.reshape(1, LANES)
    bias1_f = bias1.reshape(1, LANES)
    bias2_f = bias2.reshape(1, CDIM)

    xp1, sA1, sB1 = _tc_node1(x_pad, Wb1, A1, B1, asrc1_f, adst1_f,
                              Asrc1, Bsrc1, Adst1, Bdst1, npad, blk)
    msg1, den1 = _sc_edge(xp1, sA1, sB1, packed2d, npad, k_chunks)
    xp2, sA2, sB2 = _tc_mid(msg1, den1, x_pad, bias1_f, Wb2, A2, B2,
                            asrc2_f, adst2_f, Asrc2, Bsrc2, Adst2, Bdst2,
                            npad, blk)
    msg2, den2 = _sc_edge(xp2, sA2, sB2, packed2d, npad, k_chunks)
    out = _tc_final(msg2, den2, bias2_f, npad, blk)
    return out[:n]

# --- scband reference (transcript-rebuilt; emitter-appended) ---
"""Pipeline reference for scband-lo-ragat-40578851013028 (READ-ONLY COPY).

The authoritative reference and input builder live on the scoring server;
editing this copy changes nothing except your own understanding.
"""

import jax, jax.numpy as jnp
import numpy as np

N = 10000
E = 320000
IN_DIM = 128
HEADS = 8
C1 = 16
C2 = 16
RANK = 8
RANK_ATT = 4
SCALE_LIN = 32.0 / 8.0
SCALE_ATT = 32.0 / 4.0
NEG_SLOPE = 0.2


def setup_inputs(seed: int = 0) -> dict:
    key = jax.random.key(seed)
    ks = jax.random.split(key, 4)
    inp = {}
    inp['x'] = jax.random.normal(ks[0], (N, IN_DIM), dtype=jnp.float32)
    inp['edge_index'] = jax.random.randint(ks[1], (2, E), 0, N, dtype=jnp.int32)
    layer_cfg = [(ks[2], IN_DIM, C1, True), (ks[3], HEADS * C1, C2, False)]
    for li, (kk, in_dim, c, concat) in enumerate(layer_cfg, start=1):
        sub = jax.random.split(kk, 10)
        hc = HEADS * c
        s = 0.1
        inp['Wb%d' % li] = jax.random.normal(sub[0], (hc, in_dim), dtype=jnp.float32) * s
        inp['A%d' % li] = jax.random.normal(sub[1], (RANK, in_dim), dtype=jnp.float32) * s
        inp['B%d' % li] = jax.random.normal(sub[2], (hc, RANK), dtype=jnp.float32) * s
        inp['att_src%d' % li] = jax.random.normal(sub[3], (HEADS, c), dtype=jnp.float32) * s
        inp['att_dst%d' % li] = jax.random.normal(sub[4], (HEADS, c), dtype=jnp.float32) * s
        inp['Asrc%d' % li] = jax.random.normal(sub[5], (RANK_ATT, c), dtype=jnp.float32) * s
        inp['Bsrc%d' % li] = jax.random.normal(sub[6], (1, RANK_ATT), dtype=jnp.float32) * s
        inp['Adst%d' % li] = jax.random.normal(sub[7], (RANK_ATT, c), dtype=jnp.float32) * s
        inp['Bdst%d' % li] = jax.random.normal(sub[8], (1, RANK_ATT), dtype=jnp.float32) * s
        inp['bias%d' % li] = jax.random.normal(sub[9], (hc if concat else c,), dtype=jnp.float32) * s
    return inp


def _lora_linear(x, Wb, A, B):
    # base frozen weight + low-rank update (LoRALayer.forward)
    return x @ Wb.T + (x @ A.T) @ B.T * SCALE_LIN


def _att_score(xe, a_vec, Aa, Ba):
    # per-head attention score: frozen GAT att vector + LoRA adapter (rank//2)
    base = jnp.einsum('ehc,hc->eh', xe, a_vec)
    lo = jnp.einsum('ehc,rc->ehr', xe, Aa)
    lo = jnp.einsum('ehr,or->eho', lo, Ba)[..., 0] * SCALE_ATT
    return base + lo


def _segment_softmax(alpha, index, n):
    amax = jax.lax.stop_gradient(jax.ops.segment_max(alpha, index, num_segments=n))
    amax = jnp.where(jnp.isfinite(amax), amax, 0.0)
    ex = jnp.exp(alpha - amax[index])
    denom = jax.ops.segment_sum(ex, index, num_segments=n)
    return ex / (denom[index] + 1e-16)


def _gat_layer(x, edge_index, Wb, A, B, att_src, att_dst, Asrc, Bsrc, Adst, Bdst, bias, c, concat):
    n = x.shape[0]
    xp = _lora_linear(x, Wb, A, B).reshape(n, HEADS, c)
    loops = jnp.arange(n, dtype=edge_index.dtype)
    ei = jnp.concatenate([edge_index, jnp.stack([loops, loops])], axis=1)
    src, dst = ei[0], ei[1]
    x_j = xp[src]
    x_i = xp[dst]
    alpha = _att_score(x_i, att_src, Asrc, Bsrc) + _att_score(x_j, att_dst, Adst, Bdst)
    alpha = jnp.where(alpha >= 0, alpha, NEG_SLOPE * alpha)
    alpha = _segment_softmax(alpha, dst, n)
    msg = x_j * alpha[..., None]
    out = jax.ops.segment_sum(msg, dst, num_segments=n)
    if concat:
        out = out.reshape(n, HEADS * c)
    else:
        out = out.mean(axis=1)
    return out + bias


def reference(x, edge_index, Wb1, A1, B1, att_src1, att_dst1, Asrc1, Bsrc1, Adst1, Bdst1, bias1, Wb2, A2, B2, att_src2, att_dst2, Asrc2, Bsrc2, Adst2, Bdst2, bias2):
    h = _gat_layer(x, edge_index, Wb1, A1, B1, att_src1, att_dst1, Asrc1, Bsrc1, Adst1, Bdst1, bias1, C1, True)
    h = jax.nn.elu(h)
    if h.shape == x.shape:
        h = h + x
    out = _gat_layer(h, edge_index, Wb2, A2, B2, att_src2, att_dst2, Asrc2, Bsrc2, Adst2, Bdst2, bias2, C2, False)
    return out

if __name__ == "__main__":
    import jax
    _d = setup_inputs()
    print(jax.jit(kernel)(*tuple(_d.values())))

</pallas_src>

<mosaic_0001>
#map = affine_map<(d0, d1) -> (0, 0)>
#map1 = affine_map<(d0, d1) -> (0, 0, 0)>
module attributes {stable_mosaic.version = 14 : i64} {
  func.func @body(%arg0: i32, %arg1: i32, %arg2: memref<10176x128xf32, #tpu.memory_space<hbm>>, %arg3: memref<10176x16xf32, #tpu.memory_space<hbm>>, %arg4: memref<10176x16xf32, #tpu.memory_space<hbm>>, %arg5: memref<3456x96xi32, #tpu.memory_space<hbm>>, %arg6: memref<2x10176x128xf32, #tpu.memory_space<hbm>>, %arg7: memref<2x10176x16xf32, #tpu.memory_space<hbm>>, %arg8: memref<12x96xi32, #tpu.memory_space<vmem>>, %arg9: memref<2x96xi32, #tpu.memory_space<vmem>>, %arg10: memref<2x96xi32, #tpu.memory_space<vmem>>, %arg11: memref<192x128xf32, #tpu.memory_space<vmem>>, %arg12: memref<192x16xf32, #tpu.memory_space<vmem>>, %arg13: memref<192x16xf32, #tpu.memory_space<vmem>>, %arg14: memref<96x16xf32, #tpu.memory_space<vmem>>, %arg15: memref<12x128xf32, #tpu.memory_space<vmem>>, %arg16: memref<12x16xf32, #tpu.memory_space<vmem>>, %arg17: memref<10176x128xf32, #tpu.memory_space<vmem_shared>>, %arg18: memref<10176x16xf32, #tpu.memory_space<vmem_shared>>, %arg19: memref<!tpu.dma_semaphore, #tpu.memory_space<semaphore_mem>>, %arg20: memref<!tpu.dma_semaphore, #tpu.memory_space<semaphore_mem>>) attributes {dimension_semantics = [#tpu.dimension_semantics<core_parallel>, #tpu.dimension_semantics<subcore_parallel>], iteration_bounds = array<i64: 2, 16>, scalar_prefetch = 0 : i64, scratch_operands = 13 : i64, tpu.core_type = #tpu.core_type<sc_vector_subcore>, window_params = [{transform_indices = #map}, {transform_indices = #map}, {transform_indices = #map}, {transform_indices = #map}, {transform_indices = #map1}, {transform_indices = #map1}]} {
    %mul3A = arith.constant 16 : i32
    %mul3A_0 = arith.muli %arg0, %mul3A : i32
    %add3A = arith.addi %mul3A_0, %arg1 : i32
    %mul3A_1 = arith.constant 636 : i32
    %mul3A_2 = arith.muli %arg1, %mul3A_1 : i32
    %scan3A = arith.constant 0 : i32
    %scan3A_3 = arith.constant 0 : i32
    %scan3A_4 = arith.constant 12 : i32
    %scan3A_5 = arith.addi %scan3A_3, %scan3A_4 : i32
    %scan3A_6 = arith.constant 1 : i32
    scf.for %scan3A_41 = %scan3A_3 to %scan3A_5 step %scan3A_6  : i32 {
      %broadcast_in_dim3A = arith.constant 0.000000e+00 : f32
      %broadcast_in_dim3A_42 = vector.broadcast %broadcast_in_dim3A : f32 to vector<16xf32>
      %swap3A = arith.index_cast %scan3A_41 : i32 to index
      %swap3A_43 = arith.constant 0 : index
      %swap3A_44 = tpu.vector_load %arg15[%swap3A, %swap3A_43] {strides = array<i32>} : memref<12x128xf32, #tpu.memory_space<vmem>>, vector<1x16xf32>,
      %swap3A_45 = vector.shape_cast %swap3A_44 : vector<1x16xf32> to vector<16xf32>
      %swap3A_46 = vector.shape_cast %broadcast_in_dim3A_42 : vector<16xf32> to vector<1x16xf32>
      tpu.vector_store %arg15[%swap3A, %swap3A_43], %swap3A_46 {strides = array<i32>} : memref<12x128xf32, #tpu.memory_space<vmem>>, vector<1x16xf32>,
      %broadcast_in_dim3A_47 = arith.constant 0.000000e+00 : f32
      %broadcast_in_dim3A_48 = vector.broadcast %broadcast_in_dim3A_47 : f32 to vector<16xf32>
      %swap3A_49 = arith.index_cast %scan3A_41 : i32 to index
      %swap3A_50 = arith.constant 16 : index
      %swap3A_51 = tpu.vector_load %arg15[%swap3A_49, %swap3A_50] {strides = array<i32>} : memref<12x128xf32, #tpu.memory_space<vmem>>, vector<1x16xf32>,
      %swap3A_52 = vector.shape_cast %swap3A_51 : vector<1x16xf32> to vector<16xf32>
      %swap3A_53 = vector.shape_cast %broadcast_in_dim3A_48 : vector<16xf32> to vector<1x16xf32>
      tpu.vector_store %arg15[%swap3A_49, %swap3A_50], %swap3A_53 {strides = array<i32>} : memref<12x128xf32, #tpu.memory_space<vmem>>, vector<1x16xf32>,
      %broadcast_in_dim3A_54 = arith.constant 0.000000e+00 : f32
      %broadcast_in_dim3A_55 = vector.broadcast %broadcast_in_dim3A_54 : f32 to vector<16xf32>
      %swap3A_56 = arith.index_cast %scan3A_41 : i32 to index
      %swap3A_57 = arith.constant 32 : index
      %swap3A_58 = tpu.vector_load %arg15[%swap3A_56, %swap3A_57] {strides = array<i32>} : memref<12x128xf32, #tpu.memory_space<vmem>>, vector<1x16xf32>,
      %swap3A_59 = vector.shape_cast %swap3A_58 : vector<1x16xf32> to vector<16xf32>
      %swap3A_60 = vector.shape_cast %broadcast_in_dim3A_55 : vector<16xf32> to vector<1x16xf32>
      tpu.vector_store %arg15[%swap3A_56, %swap3A_57], %swap3A_60 {strides = array<i32>} : memref<12x128xf32, #tpu.memory_space<vmem>>, vector<1x16xf32>,
      %broadcast_in_dim3A_61 = arith.constant 0.000000e+00 : f32
      %broadcast_in_dim3A_62 = vector.broadcast %broadcast_in_dim3A_61 : f32 to vector<16xf32>
      %swap3A_63 = arith.index_cast %scan3A_41 : i32 to index
      %swap3A_64 = arith.constant 48 : index
      %swap3A_65 = tpu.vector_load %arg15[%swap3A_63, %swap3A_64] {strides = array<i32>} : memref<12x128xf32, #tpu.memory_space<vmem>>, vector<1x16xf32>,
      %swap3A_66 = vector.shape_cast %swap3A_65 : vector<1x16xf32> to vector<16xf32>
      %swap3A_67 = vector.shape_cast %broadcast_in_dim3A_62 : vector<16xf32> to vector<1x16xf32>
      tpu.vector_store %arg15[%swap3A_63, %swap3A_64], %swap3A_67 {strides = array<i32>} : memref<12x128xf32, #tpu.memory_space<vmem>>, vector<1x16xf32>,
      %broadcast_in_dim3A_68 = arith.constant 0.000000e+00 : f32
      %broadcast_in_dim3A_69 = vector.broadcast %broadcast_in_dim3A_68 : f32 to vector<16xf32>
      %swap3A_70 = arith.index_cast %scan3A_41 : i32 to index
      %swap3A_71 = arith.constant 64 : index
      %swap3A_72 = tpu.vector_load %arg15[%swap3A_70, %swap3A_71] {strides = array<i32>} : memref<12x128xf32, #tpu.memory_space<vmem>>, vector<1x16xf32>,
      %swap3A_73 = vector.shape_cast %swap3A_72 : vector<1x16xf32> to vector<16xf32>
      %swap3A_74 = vector.shape_cast %broadcast_in_dim3A_69 : vector<16xf32> to vector<1x16xf32>
      tpu.vector_store %arg15[%swap3A_70, %swap3A_71], %swap3A_74 {strides = array<i32>} : memref<12x128xf32, #tpu.memory_space<vmem>>, vector<1x16xf32>,
      %broadcast_in_dim3A_75 = arith.constant 0.000000e+00 : f32
      %broadcast_in_dim3A_76 = vector.broadcast %broadcast_in_dim3A_75 : f32 to vector<16xf32>
      %swap3A_77 = arith.index_cast %scan3A_41 : i32 to index
      %swap3A_78 = arith.constant 80 : index
      %swap3A_79 = tpu.vector_load %arg15[%swap3A_77, %swap3A_78] {strides = array<i32>} : memref<12x128xf32, #tpu.memory_space<vmem>>, vector<1x16xf32>,
      %swap3A_80 = vector.shape_cast %swap3A_79 : vector<1x16xf32> to vector<16xf32>
      %swap3A_81 = vector.shape_cast %broadcast_in_dim3A_76 : vector<16xf32> to vector<1x16xf32>
      tpu.vector_store %arg15[%swap3A_77, %swap3A_78], %swap3A_81 {strides = array<i32>} : memref<12x128xf32, #tpu.memory_space<vmem>>, vector<1x16xf32>,
      %broadcast_in_dim3A_82 = arith.constant 0.000000e+00 : f32
      %broadcast_in_dim3A_83 = vector.broadcast %broadcast_in_dim3A_82 : f32 to vector<16xf32>
      %swap3A_84 = arith.index_cast %scan3A_41 : i32 to index
      %swap3A_85 = arith.constant 96 : index
      %swap3A_86 = tpu.vector_load %arg15[%swap3A_84, %swap3A_85] {strides = array<i32>} : memref<12x128xf32, #tpu.memory_space<vmem>>, vector<1x16xf32>,
      %swap3A_87 = vector.shape_cast %swap3A_86 : vector<1x16xf32> to vector<16xf32>
      %swap3A_88 = vector.shape_cast %broadcast_in_dim3A_83 : vector<16xf32> to vector<1x16xf32>
      tpu.vector_store %arg15[%swap3A_84, %swap3A_85], %swap3A_88 {strides = array<i32>} : memref<12x128xf32, #tpu.memory_space<vmem>>, vector<1x16xf32>,
      %broadcast_in_dim3A_89 = arith.constant 0.000000e+00 : f32
      %broadcast_in_dim3A_90 = vector.broadcast %broadcast_in_dim3A_89 : f32 to vector<16xf32>
      %swap3A_91 = arith.index_cast %scan3A_41 : i32 to index
      %swap3A_92 = arith.constant 112 : index
      %swap3A_93 = tpu.vector_load %arg15[%swap3A_91, %swap3A_92] {strides = array<i32>} : memref<12x128xf32, #tpu.memory_space<vmem>>, vector<1x16xf32>,
      %swap3A_94 = vector.shape_cast %swap3A_93 : vector<1x16xf32> to vector<16xf32>
      %swap3A_95 = vector.shape_cast %broadcast_in_dim3A_90 : vector<16xf32> to vector<1x16xf32>
      tpu.vector_store %arg15[%swap3A_91, %swap3A_92], %swap3A_95 {strides = array<i32>} : memref<12x128xf32, #tpu.memory_space<vmem>>, vector<1x16xf32>,
      %broadcast_in_dim3A_96 = arith.constant 0.000000e+00 : f32
      %broadcast_in_dim3A_97 = vector.broadcast %broadcast_in_dim3A_96 : f32 to vector<16xf32>
      %swap3A_98 = arith.index_cast %scan3A_41 : i32 to index
      %swap3A_99 = arith.constant 0 : index
      %swap3A_100 = tpu.vector_load %arg16[%swap3A_98, %swap3A_99] {strides = array<i32>} : memref<12x16xf32, #tpu.memory_space<vmem>>, vector<1x16xf32>,
      %swap3A_101 = vector.shape_cast %swap3A_100 : vector<1x16xf32> to vector<16xf32>
      %swap3A_102 = vector.shape_cast %broadcast_in_dim3A_97 : vector<16xf32> to vector<1x16xf32>
      tpu.vector_store %arg16[%swap3A_98, %swap3A_99], %swap3A_102 {strides = array<i32>} : memref<12x16xf32, #tpu.memory_space<vmem>>, vector<1x16xf32>,
    }
    %scan3A_7 = arith.constant 12 : i32
    %scan3A_8 = arith.constant 0 : i32
    %scan3A_9 = arith.constant 0 : i32
    %scan3A_10 = arith.constant 53 : i32
    %scan3A_11 = arith.addi %scan3A_9, %scan3A_10 : i32
    %scan3A_12 = arith.constant 1 : i32
    scf.for %scan3A_41 = %scan3A_9 to %scan3A_11 step %scan3A_12  : i32 {
      %mul3A_42 = arith.constant 12 : i32
      %mul3A_43 = arith.muli %scan3A_41, %mul3A_42 : i32
      %add3A_44 = arith.addi %mul3A_2, %mul3A_43 : i32
      %dma_start3A = arith.constant 0 : i32
      %dma_start3A_45 = tpu.memref_slice %arg17[%add3A_44, %dma_start3A] : memref<10176x128xf32, #tpu.memory_space<vmem_shared>> -> memref<12x128xf32, #tpu.memory_space<vmem_shared>>
      %dma_start3A_46 = arith.constant 0 : i32
      %dma_start3A_47 = tpu.memref_slice %arg17[%add3A_44, %dma_start3A_46] : memref<10176x128xf32, #tpu.memory_space<vmem_shared>> -> memref<12x128xf32, #tpu.memory_space<vmem_shared>>
      tpu.enqueue_dma source(%arg15 : memref<12x128xf32, #tpu.memory_space<vmem>>) target(%dma_start3A_47 : memref<12x128xf32, #tpu.memory_space<vmem_shared>>) target_semaphore(%arg19 : memref<!tpu.dma_semaphore, #tpu.memory_space<semaphore_mem>>)
      %dma_start3A_48 = arith.constant 0 : i32
      %dma_start3A_49 = tpu.memref_slice %arg18[%add3A_44, %dma_start3A_48] : memref<10176x16xf32, #tpu.memory_space<vmem_shared>> -> memref<12x16xf32, #tpu.memory_space<vmem_shared>>
      %dma_start3A_50 = arith.constant 0 : i32
      %dma_start3A_51 = tpu.memref_slice %arg18[%add3A_44, %dma_start3A_50] : memref<10176x16xf32, #tpu.memory_space<vmem_shared>> -> memref<12x16xf32, #tpu.memory_space<vmem_shared>>
      tpu.enqueue_dma source(%arg16 : memref<12x16xf32, #tpu.memory_space<vmem>>) target(%dma_start3A_51 : memref<12x16xf32, #tpu.memory_space<vmem_shared>>) target_semaphore(%arg19 : memref<!tpu.dma_semaphore, #tpu.memory_space<semaphore_mem>>)
    }
    %scan3A_13 = arith.constant 53 : i32
    %scan3A_14 = arith.constant 0 : i32
    %scan3A_15 = arith.constant 0 : i32
    %scan3A_16 = arith.constant 53 : i32
    %scan3A_17 = arith.addi %scan3A_15, %scan3A_16 : i32
    %scan3A_18 = arith.constant 1 : i32
    scf.for %scan3A_41 = %scan3A_15 to %scan3A_17 step %scan3A_18  : i32 {
      %mul3A_42 = arith.constant 12 : i32
      %mul3A_43 = arith.muli %scan3A_41, %mul3A_42 : i32
      %add3A_44 = arith.addi %mul3A_2, %mul3A_43 : i32
      %dma_wait3A = arith.constant 0 : i32
      %dma_wait3A_45 = tpu.memref_slice %arg17[%add3A_44, %dma_wait3A] : memref<10176x128xf32, #tpu.memory_space<vmem_shared>> -> memref<12x128xf32, #tpu.memory_space<vmem_shared>>
      %dma_wait3A_46 = arith.constant 0 : i32
      %dma_wait3A_47 = tpu.memref_slice %arg17[%add3A_44, %dma_wait3A_46] : memref<10176x128xf32, #tpu.memory_space<vmem_shared>> -> memref<12x128xf32, #tpu.memory_space<vmem_shared>>
      tpu.wait_dma2 semaphore(%arg19 : memref<!tpu.dma_semaphore, #tpu.memory_space<semaphore_mem>>) src(%arg15 : memref<12x128xf32, #tpu.memory_space<vmem>>) dst(%dma_wait3A_47 : memref<12x128xf32, #tpu.memory_space<vmem_shared>>)
      %dma_wait3A_48 = arith.constant 0 : i32
      %dma_wait3A_49 = tpu.memref_slice %arg18[%add3A_44, %dma_wait3A_48] : memref<10176x16xf32, #tpu.memory_space<vmem_shared>> -> memref<12x16xf32, #tpu.memory_space<vmem_shared>>
      %dma_wait3A_50 = arith.constant 0 : i32
      %dma_wait3A_51 = tpu.memref_slice %arg18[%add3A_44, %dma_wait3A_50] : memref<10176x16xf32, #tpu.memory_space<vmem_shared>> -> memref<12x16xf32, #tpu.memory_space<vmem_shared>>
      tpu.wait_dma2 semaphore(%arg19 : memref<!tpu.dma_semaphore, #tpu.memory_space<semaphore_mem>>) src(%arg16 : memref<12x16xf32, #tpu.memory_space<vmem>>) dst(%dma_wait3A_51 : memref<12x16xf32, #tpu.memory_space<vmem_shared>>)
    }
    %scan3A_19 = arith.constant 53 : i32
    %barrier3A = arith.constant 0 : index
    tpu.barrier barrier_id(%barrier3A)
    %mul3A_20 = arith.constant 108 : i32
    %mul3A_21 = arith.muli %add3A, %mul3A_20 : i32
    %scan3A_22 = arith.constant 0 : i32
    %scan3A_23 = arith.constant 0 : i32
    %scan3A_24 = arith.constant 110 : i32
    %scan3A_25 = arith.addi %scan3A_23, %scan3A_24 : i32
    %scan3A_26 = arith.constant 1 : i32
    scf.for %scan3A_41 = %scan3A_23 to %scan3A_25 step %scan3A_26  : i32 {
      %jit3A = arith.constant 2 : i32
      %eq3A = arith.constant 0 : i32
      %eq3A_42 = arith.cmpi eq, %jit3A, %eq3A : i32
      %jit3A_43 = arith.constant 1 : i32
      %select_n3A = arith.select %eq3A_42, %jit3A_43, %jit3A : i32
      %rem3A = arith.remsi %scan3A_41, %select_n3A : i32
      %ne3A = arith.constant 0 : i32
      %ne3A_44 = arith.cmpi ne, %rem3A, %ne3A : i32
      %lt3A = arith.constant 0 : i32
      %lt3A_45 = arith.cmpi slt, %rem3A, %lt3A : i32
      %lt3A_46 = arith.constant 0 : i32
      %lt3A_47 = arith.cmpi slt, %select_n3A, %lt3A_46 : i32
      %ne3A_48 = arith.xori %lt3A_45, %lt3A_47 : i1
      %and3A = arith.andi %ne3A_48, %ne3A_44 : i1
      %add3A_49 = arith.addi %rem3A, %select_n3A : i32
      %select_n3A_50 = arith.select %and3A, %add3A_49, %rem3A : i32
      %ge3A = arith.constant 2 : i32
      %ge3A_51 = arith.cmpi sge, %scan3A_41, %ge3A : i32
      %le3A = arith.constant 109 : i32
      %le3A_52 = arith.cmpi sle, %scan3A_41, %le3A : i32
      %and3A_53 = arith.andi %ge3A_51, %le3A_52 : i1
      %convert_element_type3A = arith.extui %and3A_53 : i1 to i32
      %cond3A = arith.constant 0 : i32
      %cond3A_54 = arith.cmpi ne, %convert_element_type3A, %cond3A : i32
      scf.if %cond3A_54 {
        %dma_wait3A = arith.constant 0 : i32
        %dma_wait3A_68 = tpu.memref_slice %arg10[%select_n3A_50, %dma_wait3A] : memref<2x96xi32, #tpu.memory_space<vmem>> -> memref<1x96xi32, #tpu.memory_space<vmem>>
        %dma_wait3A_69 = tpu.memref_squeeze %dma_wait3A_68 : memref<1x96xi32, #tpu.memory_space<vmem>> -> memref<96xi32, #tpu.memory_space<vmem>>
        %dma_wait3A_70 = arith.constant 0 : i32
        %dma_wait3A_71 = arith.constant 0 : i32
        %dma_wait3A_72 = tpu.memref_slice %arg18[%dma_wait3A_70, %dma_wait3A_71] : memref<10176x16xf32, #tpu.memory_space<vmem_shared>> -> memref<10176x16xf32, #tpu.memory_space<vmem_shared>>
        tpu.wait_indirect_dma semaphore(%arg20 : memref<!tpu.dma_semaphore, #tpu.memory_space<semaphore_mem>>) src(%arg14 : memref<96x16xf32, #tpu.memory_space<vmem>>) dst(%dma_wait3A_72 : memref<10176x16xf32, #tpu.memory_space<vmem_shared>>)
        %mul3A_73 = arith.constant 96 : i32
        %mul3A_74 = arith.muli %select_n3A_50, %mul3A_73 : i32
        %dma_wait3A_75 = arith.constant 0 : i32
        %dma_wait3A_76 = tpu.memref_slice %arg11[%mul3A_74, %dma_wait3A_75] : memref<192x128xf32, #tpu.memory_space<vmem>> -> memref<96x128xf32, #tpu.memory_space<vmem>>
        %dma_wait3A_77 = arith.constant 0 : i32
        %dma_wait3A_78 = tpu.memref_slice %arg10[%select_n3A_50, %dma_wait3A_77] : memref<2x96xi32, #tpu.memory_space<vmem>> -> memref<1x96xi32, #tpu.memory_space<vmem>>
        %dma_wait3A_79 = tpu.memref_squeeze %dma_wait3A_78 : memref<1x96xi32, #tpu.memory_space<vmem>> -> memref<96xi32, #tpu.memory_space<vmem>>
        %dma_wait3A_80 = arith.constant 0 : i32
        %dma_wait3A_81 = arith.constant 0 : i32
        %dma_wait3A_82 = tpu.memref_slice %arg17[%dma_wait3A_80, %dma_wait3A_81] : memref<10176x128xf32, #tpu.memory_space<vmem_shared>> -> memref<10176x128xf32, #tpu.memory_space<vmem_shared>>
        tpu.wait_indirect_dma semaphore(%arg20 : memref<!tpu.dma_semaphore, #tpu.memory_space<semaphore_mem>>) src(%dma_wait3A_76 : memref<96x128xf32, #tpu.memory_space<vmem>>) dst(%dma_wait3A_82 : memref<10176x128xf32, #tpu.memory_space<vmem_shared>>)
      } else {
      }
      %lt3A_55 = arith.constant 108 : i32
      %lt3A_56 = arith.cmpi slt, %scan3A_41, %lt3A_55 : i32
      %convert_element_type3A_57 = arith.extui %lt3A_56 : i1 to i32
      %cond3A_58 = arith.constant 0 : i32
      %cond3A_59 = arith.cmpi ne, %convert_element_type3A_57, %cond3A_58 : i32
      scf.if %cond3A_59 {
        %jit3A_68 = arith.constant 12 : i32
        %eq3A_69 = arith.constant 0 : i32
        %eq3A_70 = arith.cmpi eq, %jit3A_68, %eq3A_69 : i32
        %jit3A_71 = arith.constant 1 : i32
        %select_n3A_72 = arith.select %eq3A_70, %jit3A_71, %jit3A_68 : i32
        %rem3A_73 = arith.remsi %scan3A_41, %select_n3A_72 : i32
        %ne3A_74 = arith.constant 0 : i32
        %ne3A_75 = arith.cmpi ne, %rem3A_73, %ne3A_74 : i32
        %lt3A_76 = arith.constant 0 : i32
        %lt3A_77 = arith.cmpi slt, %rem3A_73, %lt3A_76 : i32
        %lt3A_78 = arith.constant 0 : i32
        %lt3A_79 = arith.cmpi slt, %select_n3A_72, %lt3A_78 : i32
        %ne3A_80 = arith.xori %lt3A_77, %lt3A_79 : i1
        %and3A_81 = arith.andi %ne3A_80, %ne3A_75 : i1
        %add3A_82 = arith.addi %rem3A_73, %select_n3A_72 : i32
        %select_n3A_83 = arith.select %and3A_81, %add3A_82, %rem3A_73 : i32
        %eq3A_84 = arith.constant 0 : i32
        %eq3A_85 = arith.cmpi eq, %select_n3A_83, %eq3A_84 : i32
        %convert_element_type3A_86 = arith.extui %eq3A_85 : i1 to i32
        %cond3A_87 = arith.constant 0 : i32
        %cond3A_88 = arith.cmpi ne, %convert_element_type3A_86, %cond3A_87 : i32
        scf.if %cond3A_88 {
          %add3A_331 = arith.addi %mul3A_21, %scan3A_41 : i32
          "tpu.region"() ({
            %run_scoped3A = tpu.sem_alloc : memref<!tpu.dma_semaphore, #tpu.memory_space<semaphore_mem>>
            %dma_start3A_332 = arith.constant 0 : i32
            %dma_start3A_333 = tpu.memref_slice %arg5[%add3A_331, %dma_start3A_332] : memref<3456x96xi32, #tpu.memory_space<hbm>> -> memref<12x96xi32, #tpu.memory_space<hbm>>
            %dma_start3A_334 = arith.constant 0 : i32
            %dma_start3A_335 = tpu.memref_slice %arg5[%add3A_331, %dma_start3A_334] : memref<3456x96xi32, #tpu.memory_space<hbm>> -> memref<12x96xi32, #tpu.memory_space<hbm>>
            tpu.enqueue_dma source(%dma_start3A_335 : memref<12x96xi32, #tpu.memory_space<hbm>>) target(%arg8 : memref<12x96xi32, #tpu.memory_space<vmem>>) target_semaphore(%run_scoped3A : memref<!tpu.dma_semaphore, #tpu.memory_space<semaphore_mem>>)
            %dma_wait3A = arith.constant 0 : i32
            %dma_wait3A_336 = tpu.memref_slice %arg5[%add3A_331, %dma_wait3A] : memref<3456x96xi32, #tpu.memory_space<hbm>> -> memref<12x96xi32, #tpu.memory_space<hbm>>
            %dma_wait3A_337 = arith.constant 0 : i32
            %dma_wait3A_338 = tpu.memref_slice %arg5[%add3A_331, %dma_wait3A_337] : memref<3456x96xi32, #tpu.memory_space<hbm>> -> memref<12x96xi32, #tpu.memory_space<hbm>>
            tpu.wait_dma2 semaphore(%run_scoped3A : memref<!tpu.dma_semaphore, #tpu.memory_space<semaphore_mem>>) src(%dma_wait3A_338 : memref<12x96xi32, #tpu.memory_space<hbm>>) dst(%arg8 : memref<12x96xi32, #tpu.memory_space<vmem>>)
            tpu.yield
          }) : () -> ()
        } else {
        }
        %jit3A_89 = arith.constant 12 : i32
        %eq3A_90 = arith.constant 0 : i32
        %eq3A_91 = arith.cmpi eq, %jit3A_89, %eq3A_90 : i32
        %jit3A_92 = arith.constant 1 : i32
        %select_n3A_93 = arith.select %eq3A_91, %jit3A_92, %jit3A_89 : i32
        %rem3A_94 = arith.remsi %scan3A_41, %select_n3A_93 : i32
        %ne3A_95 = arith.constant 0 : i32
        %ne3A_96 = arith.cmpi ne, %rem3A_94, %ne3A_95 : i32
        %lt3A_97 = arith.constant 0 : i32
        %lt3A_98 = arith.cmpi slt, %rem3A_94, %lt3A_97 : i32
        %lt3A_99 = arith.constant 0 : i32
        %lt3A_100 = arith.cmpi slt, %select_n3A_93, %lt3A_99 : i32
        %ne3A_101 = arith.xori %lt3A_98, %lt3A_100 : i1
        %and3A_102 = arith.andi %ne3A_101, %ne3A_96 : i1
        %add3A_103 = arith.addi %rem3A_94, %select_n3A_93 : i32
        %select_n3A_104 = arith.select %and3A_102, %add3A_103, %rem3A_94 : i32
        %get3A = arith.index_cast %select_n3A_104 : i32 to index
        %get3A_105 = arith.constant 0 : index
        %get3A_106 = tpu.vector_load %arg8[%get3A, %get3A_105] {strides = array<i32>} : memref<12x96xi32, #tpu.memory_space<vmem>>, vector<1x16xi32>,
        %get3A_107 = vector.shape_cast %get3A_106 : vector<1x16xi32> to vector<16xi32>
        %and3A_108 = arith.constant 16383 : i32
        %and3A_109 = vector.broadcast %and3A_108 : i32 to vector<16xi32>
        %and3A_110 = arith.andi %get3A_107, %and3A_109 : vector<16xi32>
        %swap3A = arith.index_cast %select_n3A_50 : i32 to index
        %swap3A_111 = arith.constant 0 : index
        %swap3A_112 = tpu.vector_load %arg9[%swap3A, %swap3A_111] {strides = array<i32>} : memref<2x96xi32, #tpu.memory_space<vmem>>, vector<1x16xi32>,
        %swap3A_113 = vector.shape_cast %swap3A_112 : vector<1x16xi32> to vector<16xi32>
        %swap3A_114 = vector.shape_cast %and3A_110 : vector<16xi32> to vector<1x16xi32>
        tpu.vector_store %arg9[%swap3A, %swap3A_111], %swap3A_114 {strides = array<i32>} : memref<2x96xi32, #tpu.memory_space<vmem>>, vector<1x16xi32>,
        %shift_right_arithmetic3A = arith.constant 14 : i32
        %shift_right_arithmetic3A_115 = vector.broadcast %shift_right_arithmetic3A : i32 to vector<16xi32>
        %shift_right_arithmetic3A_116 = arith.shrsi %get3A_107, %shift_right_arithmetic3A_115 : vector<16xi32>
        %swap3A_117 = arith.index_cast %select_n3A_50 : i32 to index
        %swap3A_118 = arith.constant 0 : index
        %swap3A_119 = tpu.vector_load %arg10[%swap3A_117, %swap3A_118] {strides = array<i32>} : memref<2x96xi32, #tpu.memory_space<vmem>>, vector<1x16xi32>,
        %swap3A_120 = vector.shape_cast %swap3A_119 : vector<1x16xi32> to vector<16xi32>
        %swap3A_121 = vector.shape_cast %shift_right_arithmetic3A_116 : vector<16xi32> to vector<1x16xi32>
        tpu.vector_store %arg10[%swap3A_117, %swap3A_118], %swap3A_121 {strides = array<i32>} : memref<2x96xi32, #tpu.memory_space<vmem>>, vector<1x16xi32>,
        %jit3A_122 = arith.constant 12 : i32
        %eq3A_123 = arith.constant 0 : i32
        %eq3A_124 = arith.cmpi eq, %jit3A_122, %eq3A_123 : i32
        %jit3A_125 = arith.constant 1 : i32
        %select_n3A_126 = arith.select %eq3A_124, %jit3A_125, %jit3A_122 : i32
        %rem3A_127 = arith.remsi %scan3A_41, %select_n3A_126 : i32
        %ne3A_128 = arith.constant 0 : i32
        %ne3A_129 = arith.cmpi ne, %rem3A_127, %ne3A_128 : i32
        %lt3A_130 = arith.constant 0 : i32
        %lt3A_131 = arith.cmpi slt, %rem3A_127, %lt3A_130 : i32
        %lt3A_132 = arith.constant 0 : i32
        %lt3A_133 = arith.cmpi slt, %select_n3A_126, %lt3A_132 : i32
        %ne3A_134 = arith.xori %lt3A_131, %lt3A_133 : i1
        %and3A_135 = arith.andi %ne3A_134, %ne3A_129 : i1
        %add3A_136 = arith.addi %rem3A_127, %select_n3A_126 : i32
        %select_n3A_137 = arith.select %and3A_135, %add3A_136, %rem3A_127 : i32
        %get3A_138 = arith.index_cast %select_n3A_137 : i32 to index
        %get3A_139 = arith.constant 16 : index
        %get3A_140 = tpu.vector_load %arg8[%get3A_138, %get3A_139] {strides = array<i32>} : memref<12x96xi32, #tpu.memory_space<vmem>>, vector<1x16xi32>,
        %get3A_141 = vector.shape_cast %get3A_140 : vector<1x16xi32> to vector<16xi32>
        %and3A_142 = arith.constant 16383 : i32
        %and3A_143 = vector.broadcast %and3A_142 : i32 to vector<16xi32>
        %and3A_144 = arith.andi %get3A_141, %and3A_143 : vector<16xi32>
        %swap3A_145 = arith.index_cast %select_n3A_50 : i32 to index
        %swap3A_146 = arith.constant 16 : index
        %swap3A_147 = tpu.vector_load %arg9[%swap3A_145, %swap3A_146] {strides = array<i32>} : memref<2x96xi32, #tpu.memory_space<vmem>>, vector<1x16xi32>,
        %swap3A_148 = vector.shape_cast %swap3A_147 : vector<1x16xi32> to vector<16xi32>
        %swap3A_149 = vector.shape_cast %and3A_144 : vector<16xi32> to vector<1x16xi32>
        tpu.vector_store %arg9[%swap3A_145, %swap3A_146], %swap3A_149 {strides = array<i32>} : memref<2x96xi32, #tpu.memory_space<vmem>>, vector<1x16xi32>,
        %shift_right_arithmetic3A_150 = arith.constant 14 : i32
        %shift_right_arithmetic3A_151 = vector.broadcast %shift_right_arithmetic3A_150 : i32 to vector<16xi32>
        %shift_right_arithmetic3A_152 = arith.shrsi %get3A_141, %shift_right_arithmetic3A_151 : vector<16xi32>
        %swap3A_153 = arith.index_cast %select_n3A_50 : i32 to index
        %swap3A_154 = arith.constant 16 : index
        %swap3A_155 = tpu.vector_load %arg10[%swap3A_153, %swap3A_154] {strides = array<i32>} : memref<2x96xi32, #tpu.memory_space<vmem>>, vector<1x16xi32>,
        %swap3A_156 = vector.shape_cast %swap3A_155 : vector<1x16xi32> to vector<16xi32>
        %swap3A_157 = vector.shape_cast %shift_right_arithmetic3A_152 : vector<16xi32> to vector<1x16xi32>
        tpu.vector_store %arg10[%swap3A_153, %swap3A_154], %swap3A_157 {strides = array<i32>} : memref<2x96xi32, #tpu.memory_space<vmem>>, vector<1x16xi32>,
        %jit3A_158 = arith.constant 12 : i32
        %eq3A_159 = arith.constant 0 : i32
        %eq3A_160 = arith.cmpi eq, %jit3A_158, %eq3A_159 : i32
        %jit3A_161 = arith.constant 1 : i32
        %select_n3A_162 = arith.select %eq3A_160, %jit3A_161, %jit3A_158 : i32
        %rem3A_163 = arith.remsi %scan3A_41, %select_n3A_162 : i32
        %ne3A_164 = arith.constant 0 : i32
        %ne3A_165 = arith.cmpi ne, %rem3A_163, %ne3A_164 : i32
        %lt3A_166 = arith.constant 0 : i32
        %lt3A_167 = arith.cmpi slt, %rem3A_163, %lt3A_166 : i32
        %lt3A_168 = arith.constant 0 : i32
        %lt3A_169 = arith.cmpi slt, %select_n3A_162, %lt3A_168 : i32
        %ne3A_170 = arith.xori %lt3A_167, %lt3A_169 : i1
        %and3A_171 = arith.andi %ne3A_170, %ne3A_165 : i1
        %add3A_172 = arith.addi %rem3A_163, %select_n3A_162 : i32
        %select_n3A_173 = arith.select %and3A_171, %add3A_172, %rem3A_163 : i32
        %get3A_174 = arith.index_cast %select_n3A_173 : i32 to index
        %get3A_175 = arith.constant 32 : index
        %get3A_176 = tpu.vector_load %arg8[%get3A_174, %get3A_175] {strides = array<i32>} : memref<12x96xi32, #tpu.memory_space<vmem>>, vector<1x16xi32>,
        %get3A_177 = vector.shape_cast %get3A_176 : vector<1x16xi32> to vector<16xi32>
        %and3A_178 = arith.constant 16383 : i32
        %and3A_179 = vector.broadcast %and3A_178 : i32 to vector<16xi32>
        %and3A_180 = arith.andi %get3A_177, %and3A_179 : vector<16xi32>
        %swap3A_181 = arith.index_cast %select_n3A_50 : i32 to index
        %swap3A_182 = arith.constant 32 : index
        %swap3A_183 = tpu.vector_load %arg9[%swap3A_181, %swap3A_182] {strides = array<i32>} : memref<2x96xi32, #tpu.memory_space<vmem>>, vector<1x16xi32>,
        %swap3A_184 = vector.shape_cast %swap3A_183 : vector<1x16xi32> to vector<16xi32>
        %swap3A_185 = vector.shape_cast %and3A_180 : vector<16xi32> to vector<1x16xi32>
        tpu.vector_store %arg9[%swap3A_181, %swap3A_182], %swap3A_185 {strides = array<i32>} : memref<2x96xi32, #tpu.memory_space<vmem>>, vector<1x16xi32>,
        %shift_right_arithmetic3A_186 = arith.constant 14 : i32
        %shift_right_arithmetic3A_187 = vector.broadcast %shift_right_arithmetic3A_186 : i32 to vector<16xi32>
        %shift_right_arithmetic3A_188 = arith.shrsi %get3A_177, %shift_right_arithmetic3A_187 : vector<16xi32>
        %swap3A_189 = arith.index_cast %select_n3A_50 : i32 to index
        %swap3A_190 = arith.constant 32 : index
        %swap3A_191 = tpu.vector_load %arg10[%swap3A_189, %swap3A_190] {strides = array<i32>} : memref<2x96xi32, #tpu.memory_space<vmem>>, vector<1x16xi32>,
        %swap3A_192 = vector.shape_cast %swap3A_191 : vector<1x16xi32> to vector<16xi32>
        %swap3A_193 = vector.shape_cast %shift_right_arithmetic3A_188 : vector<16xi32> to vector<1x16xi32>
        tpu.vector_store %arg10[%swap3A_189, %swap3A_190], %swap3A_193 {strides = array<i32>} : memref<2x96xi32, #tpu.memory_space<vmem>>, vector<1x16xi32>,
        %jit3A_194 = arith.constant 12 : i32
        %eq3A_195 = arith.constant 0 : i32
        %eq3A_196 = arith.cmpi eq, %jit3A_194, %eq3A_195 : i32
        %jit3A_197 = arith.constant 1 : i32
        %select_n3A_198 = arith.select %eq3A_196, %jit3A_197, %jit3A_194 : i32
        %rem3A_199 = arith.remsi %scan3A_41, %select_n3A_198 : i32
        %ne3A_200 = arith.constant 0 : i32
        %ne3A_201 = arith.cmpi ne, %rem3A_199, %ne3A_200 : i32
        %lt3A_202 = arith.constant 0 : i32
        %lt3A_203 = arith.cmpi slt, %rem3A_199, %lt3A_202 : i32
        %lt3A_204 = arith.constant 0 : i32
        %lt3A_205 = arith.cmpi slt, %select_n3A_198, %lt3A_204 : i32
        %ne3A_206 = arith.xori %lt3A_203, %lt3A_205 : i1
        %and3A_207 = arith.andi %ne3A_206, %ne3A_201 : i1
        %add3A_208 = arith.addi %rem3A_199, %select_n3A_198 : i32
        %select_n3A_209 = arith.select %and3A_207, %add3A_208, %rem3A_199 : i32
        %get3A_210 = arith.index_cast %select_n3A_209 : i32 to index
        %get3A_211 = arith.constant 48 : index
        %get3A_212 = tpu.vector_load %arg8[%get3A_210, %get3A_211] {strides = array<i32>} : memref<12x96xi32, #tpu.memory_space<vmem>>, vector<1x16xi32>,
        %get3A_213 = vector.shape_cast %get3A_212 : vector<1x16xi32> to vector<16xi32>
        %and3A_214 = arith.constant 16383 : i32
        %and3A_215 = vector.broadcast %and3A_214 : i32 to vector<16xi32>
        %and3A_216 = arith.andi %get3A_213, %and3A_215 : vector<16xi32>
        %swap3A_217 = arith.index_cast %select_n3A_50 : i32 to index
        %swap3A_218 = arith.constant 48 : index
        %swap3A_219 = tpu.vector_load %arg9[%swap3A_217, %swap3A_218] {strides = array<i32>} : memref<2x96xi32, #tpu.memory_space<vmem>>, vector<1x16xi32>,
        %swap3A_220 = vector.shape_cast %swap3A_219 : vector<1x16xi32> to vector<16xi32>
        %swap3A_221 = vector.shape_cast %and3A_216 : vector<16xi32> to vector<1x16xi32>
        tpu.vector_store %arg9[%swap3A_217, %swap3A_218], %swap3A_221 {strides = array<i32>} : memref<2x96xi32, #tpu.memory_space<vmem>>, vector<1x16xi32>,
        %shift_right_arithmetic3A_222 = arith.constant 14 : i32
        %shift_right_arithmetic3A_223 = vector.broadcast %shift_right_arithmetic3A_222 : i32 to vector<16xi32>
        %shift_right_arithmetic3A_224 = arith.shrsi %get3A_213, %shift_right_arithmetic3A_223 : vector<16xi32>
        %swap3A_225 = arith.index_cast %select_n3A_50 : i32 to index
        %swap3A_226 = arith.constant 48 : index
        %swap3A_227 = tpu.vector_load %arg10[%swap3A_225, %swap3A_226] {strides = array<i32>} : memref<2x96xi32, #tpu.memory_space<vmem>>, vector<1x16xi32>,
        %swap3A_228 = vector.shape_cast %swap3A_227 : vector<1x16xi32> to vector<16xi32>
        %swap3A_229 = vector.shape_cast %shift_right_arithmetic3A_224 : vector<16xi32> to vector<1x16xi32>
        tpu.vector_store %arg10[%swap3A_225, %swap3A_226], %swap3A_229 {strides = array<i32>} : memref<2x96xi32, #tpu.memory_space<vmem>>, vector<1x16xi32>,
        %jit3A_230 = arith.constant 12 : i32
        %eq3A_231 = arith.constant 0 : i32
        %eq3A_232 = arith.cmpi eq, %jit3A_230, %eq3A_231 : i32
        %jit3A_233 = arith.constant 1 : i32
        %select_n3A_234 = arith.select %eq3A_232, %jit3A_233, %jit3A_230 : i32
        %rem3A_235 = arith.remsi %scan3A_41, %select_n3A_234 : i32
        %ne3A_236 = arith.constant 0 : i32
        %ne3A_237 = arith.cmpi ne, %rem3A_235, %ne3A_236 : i32
        %lt3A_238 = arith.constant 0 : i32
        %lt3A_239 = arith.cmpi slt, %rem3A_235, %lt3A_238 : i32
        %lt3A_240 = arith.constant 0 : i32
        %lt3A_241 = arith.cmpi slt, %select_n3A_234, %lt3A_240 : i32
        %ne3A_242 = arith.xori %lt3A_239, %lt3A_241 : i1
        %and3A_243 = arith.andi %ne3A_242, %ne3A_237 : i1
        %add3A_244 = arith.addi %rem3A_235, %select_n3A_234 : i32
        %select_n3A_245 = arith.select %and3A_243, %add3A_244, %rem3A_235 : i32
        %get3A_246 = arith.index_cast %select_n3A_245 : i32 to index
        %get3A_247 = arith.constant 64 : index
        %get3A_248 = tpu.vector_load %arg8[%get3A_246, %get3A_247] {strides = array<i32>} : memref<12x96xi32, #tpu.memory_space<vmem>>, vector<1x16xi32>,
        %get3A_249 = vector.shape_cast %get3A_248 : vector<1x16xi32> to vector<16xi32>
        %and3A_250 = arith.constant 16383 : i32
        %and3A_251 = vector.broadcast %and3A_250 : i32 to vector<16xi32>
        %and3A_252 = arith.andi %get3A_249, %and3A_251 : vector<16xi32>
        %swap3A_253 = arith.index_cast %select_n3A_50 : i32 to index
        %swap3A_254 = arith.constant 64 : index
        %swap3A_255 = tpu.vector_load %arg9[%swap3A_253, %swap3A_254] {strides = array<i32>} : memref<2x96xi32, #tpu.memory_space<vmem>>, vector<1x16xi32>,
        %swap3A_256 = vector.shape_cast %swap3A_255 : vector<1x16xi32> to vector<16xi32>
        %swap3A_257 = vector.shape_cast %and3A_252 : vector<16xi32> to vector<1x16xi32>
        tpu.vector_store %arg9[%swap3A_253, %swap3A_254], %swap3A_257 {strides = array<i32>} : memref<2x96xi32, #tpu.memory_space<vmem>>, vector<1x16xi32>,
        %shift_right_arithmetic3A_258 = arith.constant 14 : i32
        %shift_right_arithmetic3A_259 = vector.broadcast %shift_right_arithmetic3A_258 : i32 to vector<16xi32>
        %shift_right_arithmetic3A_260 = arith.shrsi %get3A_249, %shift_right_arithmetic3A_259 : vector<16xi32>
        %swap3A_261 = arith.index_cast %select_n3A_50 : i32 to index
        %swap3A_262 = arith.constant 64 : index
        %swap3A_263 = tpu.vector_load %arg10[%swap3A_261, %swap3A_262] {strides = array<i32>} : memref<2x96xi32, #tpu.memory_space<vmem>>, vector<1x16xi32>,
        %swap3A_264 = vector.shape_cast %swap3A_263 : vector<1x16xi32> to vector<16xi32>
        %swap3A_265 = vector.shape_cast %shift_right_arithmetic3A_260 : vector<16xi32> to vector<1x16xi32>
        tpu.vector_store %arg10[%swap3A_261, %swap3A_262], %swap3A_265 {strides = array<i32>} : memref<2x96xi32, #tpu.memory_space<vmem>>, vector<1x16xi32>,
        %jit3A_266 = arith.constant 12 : i32
        %eq3A_267 = arith.constant 0 : i32
        %eq3A_268 = arith.cmpi eq, %jit3A_266, %eq3A_267 : i32
        %jit3A_269 = arith.constant 1 : i32
        %select_n3A_270 = arith.select %eq3A_268, %jit3A_269, %jit3A_266 : i32
        %rem3A_271 = arith.remsi %scan3A_41, %select_n3A_270 : i32
        %ne3A_272 = arith.constant 0 : i32
        %ne3A_273 = arith.cmpi ne, %rem3A_271, %ne3A_272 : i32
        %lt3A_274 = arith.constant 0 : i32
        %lt3A_275 = arith.cmpi slt, %rem3A_271, %lt3A_274 : i32
        %lt3A_276 = arith.constant 0 : i32
        %lt3A_277 = arith.cmpi slt, %select_n3A_270, %lt3A_276 : i32
        %ne3A_278 = arith.xori %lt3A_275, %lt3A_277 : i1
        %and3A_279 = arith.andi %ne3A_278, %ne3A_273 : i1
        %add3A_280 = arith.addi %rem3A_271, %select_n3A_270 : i32
        %select_n3A_281 = arith.select %and3A_279, %add3A_280, %rem3A_271 : i32
        %get3A_282 = arith.index_cast %select_n3A_281 : i32 to index
        %get3A_283 = arith.constant 80 : index
        %get3A_284 = tpu.vector_load %arg8[%get3A_282, %get3A_283] {strides = array<i32>} : memref<12x96xi32, #tpu.memory_space<vmem>>, vector<1x16xi32>,
        %get3A_285 = vector.shape_cast %get3A_284 : vector<1x16xi32> to vector<16xi32>
        %and3A_286 = arith.constant 16383 : i32
        %and3A_287 = vector.broadcast %and3A_286 : i32 to vector<16xi32>
        %and3A_288 = arith.andi %get3A_285, %and3A_287 : vector<16xi32>
        %swap3A_289 = arith.index_cast %select_n3A_50 : i32 to index
        %swap3A_290 = arith.constant 80 : index
        %swap3A_291 = tpu.vector_load %arg9[%swap3A_289, %swap3A_290] {strides = array<i32>} : memref<2x96xi32, #tpu.memory_space<vmem>>, vector<1x16xi32>,
        %swap3A_292 = vector.shape_cast %swap3A_291 : vector<1x16xi32> to vector<16xi32>
        %swap3A_293 = vector.shape_cast %and3A_288 : vector<16xi32> to vector<1x16xi32>
        tpu.vector_store %arg9[%swap3A_289, %swap3A_290], %swap3A_293 {strides = array<i32>} : memref<2x96xi32, #tpu.memory_space<vmem>>, vector<1x16xi32>,
        %shift_right_arithmetic3A_294 = arith.constant 14 : i32
        %shift_right_arithmetic3A_295 = vector.broadcast %shift_right_arithmetic3A_294 : i32 to vector<16xi32>
        %shift_right_arithmetic3A_296 = arith.shrsi %get3A_285, %shift_right_arithmetic3A_295 : vector<16xi32>
        %swap3A_297 = arith.index_cast %select_n3A_50 : i32 to index
        %swap3A_298 = arith.constant 80 : index
        %swap3A_299 = tpu.vector_load %arg10[%swap3A_297, %swap3A_298] {strides = array<i32>} : memref<2x96xi32, #tpu.memory_space<vmem>>, vector<1x16xi32>,
        %swap3A_300 = vector.shape_cast %swap3A_299 : vector<1x16xi32> to vector<16xi32>
        %swap3A_301 = vector.shape_cast %shift_right_arithmetic3A_296 : vector<16xi32> to vector<1x16xi32>
        tpu.vector_store %arg10[%swap3A_297, %swap3A_298], %swap3A_301 {strides = array<i32>} : memref<2x96xi32, #tpu.memory_space<vmem>>, vector<1x16xi32>,
        %mul3A_302 = arith.constant 96 : i32
        %mul3A_303 = arith.muli %select_n3A_50, %mul3A_302 : i32
        %dma_start3A = arith.constant 0 : i32
        %dma_start3A_304 = tpu.memref_slice %arg11[%mul3A_303, %dma_start3A] : memref<192x128xf32, #tpu.memory_space<vmem>> -> memref<96x128xf32, #tpu.memory_space<vmem>>
        %dma_start3A_305 = arith.constant 0 : i32
        %dma_start3A_306 = tpu.memref_slice %arg9[%select_n3A_50, %dma_start3A_305] : memref<2x96xi32, #tpu.memory_space<vmem>> -> memref<1x96xi32, #tpu.memory_space<vmem>>
        %dma_start3A_307 = tpu.memref_squeeze %dma_start3A_306 : memref<1x96xi32, #tpu.memory_space<vmem>> -> memref<96xi32, #tpu.memory_space<vmem>>
        %dma_start3A_308 = arith.constant 0 : i32
        %dma_start3A_309 = arith.constant 0 : i32
        %dma_start3A_310 = tpu.memref_slice %arg2[%dma_start3A_308, %dma_start3A_309] : memref<10176x128xf32, #tpu.memory_space<hbm>> -> memref<10176x128xf32, #tpu.memory_space<hbm>>
        tpu.enqueue_indirect_dma source(%dma_start3A_310 : memref<10176x128xf32, #tpu.memory_space<hbm>>) target(%dma_start3A_304 : memref<96x128xf32, #tpu.memory_space<vmem>>) offsets(%dma_start3A_307 : memref<96xi32, #tpu.memory_space<vmem>>) semaphore(%arg19 : memref<!tpu.dma_semaphore, #tpu.memory_space<semaphore_mem>>)
        %mul3A_311 = arith.constant 96 : i32
        %mul3A_312 = arith.muli %select_n3A_50, %mul3A_311 : i32
        %dma_start3A_313 = arith.constant 0 : i32
        %dma_start3A_314 = tpu.memref_slice %arg12[%mul3A_312, %dma_start3A_313] : memref<192x16xf32, #tpu.memory_space<vmem>> -> memref<96x16xf32, #tpu.memory_space<vmem>>
        %dma_start3A_315 = arith.constant 0 : i32
        %dma_start3A_316 = tpu.memref_slice %arg10[%select_n3A_50, %dma_start3A_315] : memref<2x96xi32, #tpu.memory_space<vmem>> -> memref<1x96xi32, #tpu.memory_space<vmem>>
        %dma_start3A_317 = tpu.memref_squeeze %dma_start3A_316 : memref<1x96xi32, #tpu.memory_space<vmem>> -> memref<96xi32, #tpu.memory_space<vmem>>
        %dma_start3A_318 = arith.constant 0 : i32
        %dma_start3A_319 = arith.constant 0 : i32
        %dma_start3A_320 = tpu.memref_slice %arg3[%dma_start3A_318, %dma_start3A_319] : memref<10176x16xf32, #tpu.memory_space<hbm>> -> memref<10176x16xf32, #tpu.memory_space<hbm>>
        tpu.enqueue_indirect_dma source(%dma_start3A_320 : memref<10176x16xf32, #tpu.memory_space<hbm>>) target(%dma_start3A_314 : memref<96x16xf32, #tpu.memory_space<vmem>>) offsets(%dma_start3A_317 : memref<96xi32, #tpu.memory_space<vmem>>) semaphore(%arg19 : memref<!tpu.dma_semaphore, #tpu.memory_space<semaphore_mem>>)
        %mul3A_321 = arith.constant 96 : i32
        %mul3A_322 = arith.muli %select_n3A_50, %mul3A_321 : i32
        %dma_start3A_323 = arith.constant 0 : i32
        %dma_start3A_324 = tpu.memref_slice %arg13[%mul3A_322, %dma_start3A_323] : memref<192x16xf32, #tpu.memory_space<vmem>> -> memref<96x16xf32, #tpu.memory_space<vmem>>
        %dma_start3A_325 = arith.constant 0 : i32
        %dma_start3A_326 = tpu.memref_slice %arg9[%select_n3A_50, %dma_start3A_325] : memref<2x96xi32, #tpu.memory_space<vmem>> -> memref<1x96xi32, #tpu.memory_space<vmem>>
        %dma_start3A_327 = tpu.memref_squeeze %dma_start3A_326 : memref<1x96xi32, #tpu.memory_space<vmem>> -> memref<96xi32, #tpu.memory_space<vmem>>
        %dma_start3A_328 = arith.constant 0 : i32
        %dma_start3A_329 = arith.constant 0 : i32
        %dma_start3A_330 = tpu.memref_slice %arg4[%dma_start3A_328, %dma_start3A_329] : memref<10176x16xf32, #tpu.memory_space<hbm>> -> memref<10176x16xf32, #tpu.memory_space<hbm>>
        tpu.enqueue_indirect_dma source(%dma_start3A_330 : memref<10176x16xf32, #tpu.memory_space<hbm>>) target(%dma_start3A_324 : memref<96x16xf32, #tpu.memory_space<vmem>>) offsets(%dma_start3A_327 : memref<96xi32, #tpu.memory_space<vmem>>) semaphore(%arg19 : memref<!tpu.dma_semaphore, #tpu.memory_space<semaphore_mem>>)
      } else {
      }
      %ge3A_60 = arith.constant 1 : i32
      %ge3A_61 = arith.cmpi sge, %scan3A_41, %ge3A_60 : i32
      %le3A_62 = arith.constant 108 : i32
      %le3A_63 = arith.cmpi sle, %scan3A_41, %le3A_62 : i32
      %and3A_64 = arith.andi %ge3A_61, %le3A_63 : i1
      %convert_element_type3A_65 = arith.extui %and3A_64 : i1 to i32
      %cond3A_66 = arith.constant 0 : i32
      %cond3A_67 = arith.cmpi ne, %convert_element_type3A_65, %cond3A_66 : i32
      scf.if %cond3A_67 {
        %sub3A = arith.constant 1 : i32
        %sub3A_68 = arith.subi %sub3A, %select_n3A_50 : i32
        %mul3A_69 = arith.constant 96 : i32
        %mul3A_70 = arith.muli %sub3A_68, %mul3A_69 : i32
        %dma_wait3A = arith.constant 0 : i32
        %dma_wait3A_71 = tpu.memref_slice %arg11[%mul3A_70, %dma_wait3A] : memref<192x128xf32, #tpu.memory_space<vmem>> -> memref<96x128xf32, #tpu.memory_space<vmem>>
        %dma_wait3A_72 = arith.constant 0 : i32
        %dma_wait3A_73 = tpu.memref_slice %arg9[%sub3A_68, %dma_wait3A_72] : memref<2x96xi32, #tpu.memory_space<vmem>> -> memref<1x96xi32, #tpu.memory_space<vmem>>
        %dma_wait3A_74 = tpu.memref_squeeze %dma_wait3A_73 : memref<1x96xi32, #tpu.memory_space<vmem>> -> memref<96xi32, #tpu.memory_space<vmem>>
        %dma_wait3A_75 = arith.constant 0 : i32
        %dma_wait3A_76 = arith.constant 0 : i32
        %dma_wait3A_77 = tpu.memref_slice %arg2[%dma_wait3A_75, %dma_wait3A_76] : memref<10176x128xf32, #tpu.memory_space<hbm>> -> memref<10176x128xf32, #tpu.memory_space<hbm>>
        tpu.wait_indirect_dma semaphore(%arg19 : memref<!tpu.dma_semaphore, #tpu.memory_space<semaphore_mem>>) src(%dma_wait3A_77 : memref<10176x128xf32, #tpu.memory_space<hbm>>) dst(%dma_wait3A_71 : memref<96x128xf32, #tpu.memory_space<vmem>>)
        %mul3A_78 = arith.constant 96 : i32
        %mul3A_79 = arith.muli %sub3A_68, %mul3A_78 : i32
        %dma_wait3A_80 = arith.constant 0 : i32
        %dma_wait3A_81 = tpu.memref_slice %arg12[%mul3A_79, %dma_wait3A_80] : memref<192x16xf32, #tpu.memory_space<vmem>> -> memref<96x16xf32, #tpu.memory_space<vmem>>
        %dma_wait3A_82 = arith.constant 0 : i32
        %dma_wait3A_83 = tpu.memref_slice %arg10[%sub3A_68, %dma_wait3A_82] : memref<2x96xi32, #tpu.memory_space<vmem>> -> memref<1x96xi32, #tpu.memory_space<vmem>>
        %dma_wait3A_84 = tpu.memref_squeeze %dma_wait3A_83 : memref<1x96xi32, #tpu.memory_space<vmem>> -> memref<96xi32, #tpu.memory_space<vmem>>
        %dma_wait3A_85 = arith.constant 0 : i32
        %dma_wait3A_86 = arith.constant 0 : i32
        %dma_wait3A_87 = tpu.memref_slice %arg3[%dma_wait3A_85, %dma_wait3A_86] : memref<10176x16xf32, #tpu.memory_space<hbm>> -> memref<10176x16xf32, #tpu.memory_space<hbm>>
        tpu.wait_indirect_dma semaphore(%arg19 : memref<!tpu.dma_semaphore, #tpu.memory_space<semaphore_mem>>) src(%dma_wait3A_87 : memref<10176x16xf32, #tpu.memory_space<hbm>>) dst(%dma_wait3A_81 : memref<96x16xf32, #tpu.memory_space<vmem>>)
        %mul3A_88 = arith.constant 96 : i32
        %mul3A_89 = arith.muli %sub3A_68, %mul3A_88 : i32
        %dma_wait3A_90 = arith.constant 0 : i32
        %dma_wait3A_91 = tpu.memref_slice %arg13[%mul3A_89, %dma_wait3A_90] : memref<192x16xf32, #tpu.memory_space<vmem>> -> memref<96x16xf32, #tpu.memory_space<vmem>>
        %dma_wait3A_92 = arith.constant 0 : i32
        %dma_wait3A_93 = tpu.memref_slice %arg9[%sub3A_68, %dma_wait3A_92] : memref<2x96xi32, #tpu.memory_space<vmem>> -> memref<1x96xi32, #tpu.memory_space<vmem>>
        %dma_wait3A_94 = tpu.memref_squeeze %dma_wait3A_93 : memref<1x96xi32, #tpu.memory_space<vmem>> -> memref<96xi32, #tpu.memory_space<vmem>>
        %dma_wait3A_95 = arith.constant 0 : i32
        %dma_wait3A_96 = arith.constant 0 : i32
        %dma_wait3A_97 = tpu.memref_slice %arg4[%dma_wait3A_95, %dma_wait3A_96] : memref<10176x16xf32, #tpu.memory_space<hbm>> -> memref<10176x16xf32, #tpu.memory_space<hbm>>
        tpu.wait_indirect_dma semaphore(%arg19 : memref<!tpu.dma_semaphore, #tpu.memory_space<semaphore_mem>>) src(%dma_wait3A_97 : memref<10176x16xf32, #tpu.memory_space<hbm>>) dst(%dma_wait3A_91 : memref<96x16xf32, #tpu.memory_space<vmem>>)
        %mul3A_98 = arith.constant 96 : i32
        %mul3A_99 = arith.muli %sub3A_68, %mul3A_98 : i32
        %parallel_loop3A = arith.constant 0 : i32
        %parallel_loop3A_100 = arith.constant 96 : i32
        %parallel_loop3A_101 = arith.constant 1 : i32
        scf.for %parallel_loop3A_117 = %parallel_loop3A to %parallel_loop3A_100 step %parallel_loop3A_101  : i32 {
          %parallel_loop3A_118 = arith.addi %mul3A_99, %parallel_loop3A_117 : i32
          %parallel_loop3A_119 = arith.index_cast %parallel_loop3A_118 : i32 to index
          %parallel_loop3A_120 = arith.constant 0 : index
          %parallel_loop3A_121 = tpu.vector_load %arg12[%parallel_loop3A_119, %parallel_loop3A_120] {strides = array<i32>} : memref<192x16xf32, #tpu.memory_space<vmem>>, vector<1x16xf32>,
          %parallel_loop3A_122 = vector.shape_cast %parallel_loop3A_121 : vector<1x16xf32> to vector<16xf32>
          %parallel_loop3A_123 = arith.index_cast %parallel_loop3A_118 : i32 to index
          %parallel_loop3A_124 = arith.constant 0 : index
          %parallel_loop3A_125 = tpu.vector_load %arg13[%parallel_loop3A_123, %parallel_loop3A_124] {strides = array<i32>} : memref<192x16xf32, #tpu.memory_space<vmem>>, vector<1x16xf32>,
          %parallel_loop3A_126 = vector.shape_cast %parallel_loop3A_125 : vector<1x16xf32> to vector<16xf32>
          %parallel_loop3A_127 = arith.addf %parallel_loop3A_122, %parallel_loop3A_126 : vector<16xf32>
          %parallel_loop3A_128 = arith.constant 0.000000e+00 : f32
          %parallel_loop3A_129 = vector.broadcast %parallel_loop3A_128 : f32 to vector<16xf32>
          %parallel_loop3A_130 = arith.cmpf oge, %parallel_loop3A_127, %parallel_loop3A_129 : vector<16xf32>
          %parallel_loop3A_131 = arith.constant 2.000000e-01 : f32
          %parallel_loop3A_132 = vector.broadcast %parallel_loop3A_131 : f32 to vector<16xf32>
          %parallel_loop3A_133 = arith.mulf %parallel_loop3A_132, %parallel_loop3A_127 : vector<16xf32>
          %parallel_loop3A_134 = arith.select %parallel_loop3A_130, %parallel_loop3A_127, %parallel_loop3A_133 : vector<16xi1>, vector<16xf32>
          %parallel_loop3A_135 = math.exp %parallel_loop3A_134 : vector<16xf32>
          %parallel_loop3A_136 = arith.index_cast %parallel_loop3A_117 : i32 to index
          %parallel_loop3A_137 = arith.constant 0 : index
          %parallel_loop3A_138 = tpu.vector_load %arg14[%parallel_loop3A_136, %parallel_loop3A_137] {strides = array<i32>} : memref<96x16xf32, #tpu.memory_space<vmem>>, vector<1x16xf32>,
          %parallel_loop3A_139 = vector.shape_cast %parallel_loop3A_138 : vector<1x16xf32> to vector<16xf32>
          %parallel_loop3A_140 = vector.shape_cast %parallel_loop3A_135 : vector<16xf32> to vector<1x16xf32>
          tpu.vector_store %arg14[%parallel_loop3A_136, %parallel_loop3A_137], %parallel_loop3A_140 {strides = array<i32>} : memref<96x16xf32, #tpu.memory_space<vmem>>, vector<1x16xf32>,
          %parallel_loop3A_141 = arith.constant 0 : i32
          %parallel_loop3A_142 = vector.broadcast %parallel_loop3A_141 : i32 to vector<16xi32>
          %parallel_loop3A_143 = arith.constant 0 : i32
          %parallel_loop3A_144 = vector.broadcast %parallel_loop3A_143 : i32 to vector<16xi32>
          %parallel_loop3A_145 = arith.cmpi slt, %parallel_loop3A_142, %parallel_loop3A_144 : vector<16xi32>
          %parallel_loop3A_146 = arith.constant 16 : i32
          %parallel_loop3A_147 = vector.broadcast %parallel_loop3A_146 : i32 to vector<16xi32>
          %parallel_loop3A_148 = arith.addi %parallel_loop3A_142, %parallel_loop3A_147 : vector<16xi32>
          %parallel_loop3A_149 = arith.select %parallel_loop3A_145, %parallel_loop3A_148, %parallel_loop3A_142 : vector<16xi1>, vector<16xi32>
          %parallel_loop3A_150 = vector.shape_cast %parallel_loop3A_149 : vector<16xi32> to vector<16x1xi32>
          %parallel_loop3A_151 = vector.shape_cast %parallel_loop3A_150 : vector<16x1xi32> to vector<16xi32>
          %parallel_loop3A_152 = tpu.dynamic_gather %parallel_loop3A_135[%parallel_loop3A_151] in [0] : vector<16xf32>, vector<16xi32> -> vector<16xf32>
          %parallel_loop3A_153 = arith.index_cast %parallel_loop3A_118 : i32 to index
          %parallel_loop3A_154 = arith.constant 0 : index
          %parallel_loop3A_155 = tpu.vector_load %arg11[%parallel_loop3A_153, %parallel_loop3A_154] {strides = array<i32>} : memref<192x128xf32, #tpu.memory_space<vmem>>, vector<1x16xf32>,
          %parallel_loop3A_156 = vector.shape_cast %parallel_loop3A_155 : vector<1x16xf32> to vector<16xf32>
          %parallel_loop3A_157 = arith.mulf %parallel_loop3A_156, %parallel_loop3A_152 : vector<16xf32>
          %parallel_loop3A_158 = arith.index_cast %parallel_loop3A_118 : i32 to index
          %parallel_loop3A_159 = arith.constant 0 : index
          %parallel_loop3A_160 = tpu.vector_load %arg11[%parallel_loop3A_158, %parallel_loop3A_159] {strides = array<i32>} : memref<192x128xf32, #tpu.memory_space<vmem>>, vector<1x16xf32>,
          %parallel_loop3A_161 = vector.shape_cast %parallel_loop3A_160 : vector<1x16xf32> to vector<16xf32>
          %parallel_loop3A_162 = vector.shape_cast %parallel_loop3A_157 : vector<16xf32> to vector<1x16xf32>
          tpu.vector_store %arg11[%parallel_loop3A_158, %parallel_loop3A_159], %parallel_loop3A_162 {strides = array<i32>} : memref<192x128xf32, #tpu.memory_space<vmem>>, vector<1x16xf32>,
          %parallel_loop3A_163 = arith.constant 1 : i32
          %parallel_loop3A_164 = vector.broadcast %parallel_loop3A_163 : i32 to vector<16xi32>
          %parallel_loop3A_165 = arith.constant 0 : i32
          %parallel_loop3A_166 = vector.broadcast %parallel_loop3A_165 : i32 to vector<16xi32>
          %parallel_loop3A_167 = arith.cmpi slt, %parallel_loop3A_164, %parallel_loop3A_166 : vector<16xi32>
          %parallel_loop3A_168 = arith.constant 16 : i32
          %parallel_loop3A_169 = vector.broadcast %parallel_loop3A_168 : i32 to vector<16xi32>
          %parallel_loop3A_170 = arith.addi %parallel_loop3A_164, %parallel_loop3A_169 : vector<16xi32>
          %parallel_loop3A_171 = arith.select %parallel_loop3A_167, %parallel_loop3A_170, %parallel_loop3A_164 : vector<16xi1>, vector<16xi32>
          %parallel_loop3A_172 = vector.shape_cast %parallel_loop3A_171 : vector<16xi32> to vector<16x1xi32>
          %parallel_loop3A_173 = vector.shape_cast %parallel_loop3A_172 : vector<16x1xi32> to vector<16xi32>
          %parallel_loop3A_174 = tpu.dynamic_gather %parallel_loop3A_135[%parallel_loop3A_173] in [0] : vector<16xf32>, vector<16xi32> -> vector<16xf32>
          %parallel_loop3A_175 = arith.index_cast %parallel_loop3A_118 : i32 to index
          %parallel_loop3A_176 = arith.constant 16 : index
          %parallel_loop3A_177 = tpu.vector_load %arg11[%parallel_loop3A_175, %parallel_loop3A_176] {strides = array<i32>} : memref<192x128xf32, #tpu.memory_space<vmem>>, vector<1x16xf32>,
          %parallel_loop3A_178 = vector.shape_cast %parallel_loop3A_177 : vector<1x16xf32> to vector<16xf32>
          %parallel_loop3A_179 = arith.mulf %parallel_loop3A_178, %parallel_loop3A_174 : vector<16xf32>
          %parallel_loop3A_180 = arith.index_cast %parallel_loop3A_118 : i32 to index
          %parallel_loop3A_181 = arith.constant 16 : index
          %parallel_loop3A_182 = tpu.vector_load %arg11[%parallel_loop3A_180, %parallel_loop3A_181] {strides = array<i32>} : memref<192x128xf32, #tpu.memory_space<vmem>>, vector<1x16xf32>,
          %parallel_loop3A_183 = vector.shape_cast %parallel_loop3A_182 : vector<1x16xf32> to vector<16xf32>
          %parallel_loop3A_184 = vector.shape_cast %parallel_loop3A_179 : vector<16xf32> to vector<1x16xf32>
          tpu.vector_store %arg11[%parallel_loop3A_180, %parallel_loop3A_181], %parallel_loop3A_184 {strides = array<i32>} : memref<192x128xf32, #tpu.memory_space<vmem>>, vector<1x16xf32>,
          %parallel_loop3A_185 = arith.constant 2 : i32
          %parallel_loop3A_186 = vector.broadcast %parallel_loop3A_185 : i32 to vector<16xi32>
          %parallel_loop3A_187 = arith.constant 0 : i32
          %parallel_loop3A_188 = vector.broadcast %parallel_loop3A_187 : i32 to vector<16xi32>
          %parallel_loop3A_189 = arith.cmpi slt, %parallel_loop3A_186, %parallel_loop3A_188 : vector<16xi32>
          %parallel_loop3A_190 = arith.constant 16 : i32
          %parallel_loop3A_191 = vector.broadcast %parallel_loop3A_190 : i32 to vector<16xi32>
          %parallel_loop3A_192 = arith.addi %parallel_loop3A_186, %parallel_loop3A_191 : vector<16xi32>
          %parallel_loop3A_193 = arith.select %parallel_loop3A_189, %parallel_loop3A_192, %parallel_loop3A_186 : vector<16xi1>, vector<16xi32>
          %parallel_loop3A_194 = vector.shape_cast %parallel_loop3A_193 : vector<16xi32> to vector<16x1xi32>
          %parallel_loop3A_195 = vector.shape_cast %parallel_loop3A_194 : vector<16x1xi32> to vector<16xi32>
          %parallel_loop3A_196 = tpu.dynamic_gather %parallel_loop3A_135[%parallel_loop3A_195] in [0] : vector<16xf32>, vector<16xi32> -> vector<16xf32>
          %parallel_loop3A_197 = arith.index_cast %parallel_loop3A_118 : i32 to index
          %parallel_loop3A_198 = arith.constant 32 : index
          %parallel_loop3A_199 = tpu.vector_load %arg11[%parallel_loop3A_197, %parallel_loop3A_198] {strides = array<i32>} : memref<192x128xf32, #tpu.memory_space<vmem>>, vector<1x16xf32>,
          %parallel_loop3A_200 = vector.shape_cast %parallel_loop3A_199 : vector<1x16xf32> to vector<16xf32>
          %parallel_loop3A_201 = arith.mulf %parallel_loop3A_200, %parallel_loop3A_196 : vector<16xf32>
          %parallel_loop3A_202 = arith.index_cast %parallel_loop3A_118 : i32 to index
          %parallel_loop3A_203 = arith.constant 32 : index
          %parallel_loop3A_204 = tpu.vector_load %arg11[%parallel_loop3A_202, %parallel_loop3A_203] {strides = array<i32>} : memref<192x128xf32, #tpu.memory_space<vmem>>, vector<1x16xf32>,
          %parallel_loop3A_205 = vector.shape_cast %parallel_loop3A_204 : vector<1x16xf32> to vector<16xf32>
          %parallel_loop3A_206 = vector.shape_cast %parallel_loop3A_201 : vector<16xf32> to vector<1x16xf32>
          tpu.vector_store %arg11[%parallel_loop3A_202, %parallel_loop3A_203], %parallel_loop3A_206 {strides = array<i32>} : memref<192x128xf32, #tpu.memory_space<vmem>>, vector<1x16xf32>,
          %parallel_loop3A_207 = arith.constant 3 : i32
          %parallel_loop3A_208 = vector.broadcast %parallel_loop3A_207 : i32 to vector<16xi32>
          %parallel_loop3A_209 = arith.constant 0 : i32
          %parallel_loop3A_210 = vector.broadcast %parallel_loop3A_209 : i32 to vector<16xi32>
          %parallel_loop3A_211 = arith.cmpi slt, %parallel_loop3A_208, %parallel_loop3A_210 : vector<16xi32>
          %parallel_loop3A_212 = arith.constant 16 : i32
          %parallel_loop3A_213 = vector.broadcast %parallel_loop3A_212 : i32 to vector<16xi32>
          %parallel_loop3A_214 = arith.addi %parallel_loop3A_208, %parallel_loop3A_213 : vector<16xi32>
          %parallel_loop3A_215 = arith.select %parallel_loop3A_211, %parallel_loop3A_214, %parallel_loop3A_208 : vector<16xi1>, vector<16xi32>
          %parallel_loop3A_216 = vector.shape_cast %parallel_loop3A_215 : vector<16xi32> to vector<16x1xi32>
          %parallel_loop3A_217 = vector.shape_cast %parallel_loop3A_216 : vector<16x1xi32> to vector<16xi32>
          %parallel_loop3A_218 = tpu.dynamic_gather %parallel_loop3A_135[%parallel_loop3A_217] in [0] : vector<16xf32>, vector<16xi32> -> vector<16xf32>
          %parallel_loop3A_219 = arith.index_cast %parallel_loop3A_118 : i32 to index
          %parallel_loop3A_220 = arith.constant 48 : index
          %parallel_loop3A_221 = tpu.vector_load %arg11[%parallel_loop3A_219, %parallel_loop3A_220] {strides = array<i32>} : memref<192x128xf32, #tpu.memory_space<vmem>>, vector<1x16xf32>,
          %parallel_loop3A_222 = vector.shape_cast %parallel_loop3A_221 : vector<1x16xf32> to vector<16xf32>
          %parallel_loop3A_223 = arith.mulf %parallel_loop3A_222, %parallel_loop3A_218 : vector<16xf32>
          %parallel_loop3A_224 = arith.index_cast %parallel_loop3A_118 : i32 to index
          %parallel_loop3A_225 = arith.constant 48 : index
          %parallel_loop3A_226 = tpu.vector_load %arg11[%parallel_loop3A_224, %parallel_loop3A_225] {strides = array<i32>} : memref<192x128xf32, #tpu.memory_space<vmem>>, vector<1x16xf32>,
          %parallel_loop3A_227 = vector.shape_cast %parallel_loop3A_226 : vector<1x16xf32> to vector<16xf32>
          %parallel_loop3A_228 = vector.shape_cast %parallel_loop3A_223 : vector<16xf32> to vector<1x16xf32>
          tpu.vector_store %arg11[%parallel_loop3A_224, %parallel_loop3A_225], %parallel_loop3A_228 {strides = array<i32>} : memref<192x128xf32, #tpu.memory_space<vmem>>, vector<1x16xf32>,
          %parallel_loop3A_229 = arith.constant 4 : i32
          %parallel_loop3A_230 = vector.broadcast %parallel_loop3A_229 : i32 to vector<16xi32>
          %parallel_loop3A_231 = arith.constant 0 : i32
          %parallel_loop3A_232 = vector.broadcast %parallel_loop3A_231 : i32 to vector<16xi32>
          %parallel_loop3A_233 = arith.cmpi slt, %parallel_loop3A_230, %parallel_loop3A_232 : vector<16xi32>
          %parallel_loop3A_234 = arith.constant 16 : i32
          %parallel_loop3A_235 = vector.broadcast %parallel_loop3A_234 : i32 to vector<16xi32>
          %parallel_loop3A_236 = arith.addi %parallel_loop3A_230, %parallel_loop3A_235 : vector<16xi32>
          %parallel_loop3A_237 = arith.select %parallel_loop3A_233, %parallel_loop3A_236, %parallel_loop3A_230 : vector<16xi1>, vector<16xi32>
          %parallel_loop3A_238 = vector.shape_cast %parallel_loop3A_237 : vector<16xi32> to vector<16x1xi32>
          %parallel_loop3A_239 = vector.shape_cast %parallel_loop3A_238 : vector<16x1xi32> to vector<16xi32>
          %parallel_loop3A_240 = tpu.dynamic_gather %parallel_loop3A_135[%parallel_loop3A_239] in [0] : vector<16xf32>, vector<16xi32> -> vector<16xf32>
          %parallel_loop3A_241 = arith.index_cast %parallel_loop3A_118 : i32 to index
          %parallel_loop3A_242 = arith.constant 64 : index
          %parallel_loop3A_243 = tpu.vector_load %arg11[%parallel_loop3A_241, %parallel_loop3A_242] {strides = array<i32>} : memref<192x128xf32, #tpu.memory_space<vmem>>, vector<1x16xf32>,
          %parallel_loop3A_244 = vector.shape_cast %parallel_loop3A_243 : vector<1x16xf32> to vector<16xf32>
          %parallel_loop3A_245 = arith.mulf %parallel_loop3A_244, %parallel_loop3A_240 : vector<16xf32>
          %parallel_loop3A_246 = arith.index_cast %parallel_loop3A_118 : i32 to index
          %parallel_loop3A_247 = arith.constant 64 : index
          %parallel_loop3A_248 = tpu.vector_load %arg11[%parallel_loop3A_246, %parallel_loop3A_247] {strides = array<i32>} : memref<192x128xf32, #tpu.memory_space<vmem>>, vector<1x16xf32>,
          %parallel_loop3A_249 = vector.shape_cast %parallel_loop3A_248 : vector<1x16xf32> to vector<16xf32>
          %parallel_loop3A_250 = vector.shape_cast %parallel_loop3A_245 : vector<16xf32> to vector<1x16xf32>
          tpu.vector_store %arg11[%parallel_loop3A_246, %parallel_loop3A_247], %parallel_loop3A_250 {strides = array<i32>} : memref<192x128xf32, #tpu.memory_space<vmem>>, vector<1x16xf32>,
          %parallel_loop3A_251 = arith.constant 5 : i32
          %parallel_loop3A_252 = vector.broadcast %parallel_loop3A_251 : i32 to vector<16xi32>
          %parallel_loop3A_253 = arith.constant 0 : i32
          %parallel_loop3A_254 = vector.broadcast %parallel_loop3A_253 : i32 to vector<16xi32>
          %parallel_loop3A_255 = arith.cmpi slt, %parallel_loop3A_252, %parallel_loop3A_254 : vector<16xi32>
          %parallel_loop3A_256 = arith.constant 16 : i32
          %parallel_loop3A_257 = vector.broadcast %parallel_loop3A_256 : i32 to vector<16xi32>
          %parallel_loop3A_258 = arith.addi %parallel_loop3A_252, %parallel_loop3A_257 : vector<16xi32>
          %parallel_loop3A_259 = arith.select %parallel_loop3A_255, %parallel_loop3A_258, %parallel_loop3A_252 : vector<16xi1>, vector<16xi32>
          %parallel_loop3A_260 = vector.shape_cast %parallel_loop3A_259 : vector<16xi32> to vector<16x1xi32>
          %parallel_loop3A_261 = vector.shape_cast %parallel_loop3A_260 : vector<16x1xi32> to vector<16xi32>
          %parallel_loop3A_262 = tpu.dynamic_gather %parallel_loop3A_135[%parallel_loop3A_261] in [0] : vector<16xf32>, vector<16xi32> -> vector<16xf32>
          %parallel_loop3A_263 = arith.index_cast %parallel_loop3A_118 : i32 to index
          %parallel_loop3A_264 = arith.constant 80 : index
          %parallel_loop3A_265 = tpu.vector_load %arg11[%parallel_loop3A_263, %parallel_loop3A_264] {strides = array<i32>} : memref<192x128xf32, #tpu.memory_space<vmem>>, vector<1x16xf32>,
          %parallel_loop3A_266 = vector.shape_cast %parallel_loop3A_265 : vector<1x16xf32> to vector<16xf32>
          %parallel_loop3A_267 = arith.mulf %parallel_loop3A_266, %parallel_loop3A_262 : vector<16xf32>
          %parallel_loop3A_268 = arith.index_cast %parallel_loop3A_118 : i32 to index
          %parallel_loop3A_269 = arith.constant 80 : index
          %parallel_loop3A_270 = tpu.vector_load %arg11[%parallel_loop3A_268, %parallel_loop3A_269] {strides = array<i32>} : memref<192x128xf32, #tpu.memory_space<vmem>>, vector<1x16xf32>,
          %parallel_loop3A_271 = vector.shape_cast %parallel_loop3A_270 : vector<1x16xf32> to vector<16xf32>
          %parallel_loop3A_272 = vector.shape_cast %parallel_loop3A_267 : vector<16xf32> to vector<1x16xf32>
          tpu.vector_store %arg11[%parallel_loop3A_268, %parallel_loop3A_269], %parallel_loop3A_272 {strides = array<i32>} : memref<192x128xf32, #tpu.memory_space<vmem>>, vector<1x16xf32>,
          %parallel_loop3A_273 = arith.constant 6 : i32
          %parallel_loop3A_274 = vector.broadcast %parallel_loop3A_273 : i32 to vector<16xi32>
          %parallel_loop3A_275 = arith.constant 0 : i32
          %parallel_loop3A_276 = vector.broadcast %parallel_loop3A_275 : i32 to vector<16xi32>
          %parallel_loop3A_277 = arith.cmpi slt, %parallel_loop3A_274, %parallel_loop3A_276 : vector<16xi32>
          %parallel_loop3A_278 = arith.constant 16 : i32
          %parallel_loop3A_279 = vector.broadcast %parallel_loop3A_278 : i32 to vector<16xi32>
          %parallel_loop3A_280 = arith.addi %parallel_loop3A_274, %parallel_loop3A_279 : vector<16xi32>
          %parallel_loop3A_281 = arith.select %parallel_loop3A_277, %parallel_loop3A_280, %parallel_loop3A_274 : vector<16xi1>, vector<16xi32>
          %parallel_loop3A_282 = vector.shape_cast %parallel_loop3A_281 : vector<16xi32> to vector<16x1xi32>
          %parallel_loop3A_283 = vector.shape_cast %parallel_loop3A_282 : vector<16x1xi32> to vector<16xi32>
          %parallel_loop3A_284 = tpu.dynamic_gather %parallel_loop3A_135[%parallel_loop3A_283] in [0] : vector<16xf32>, vector<16xi32> -> vector<16xf32>
          %parallel_loop3A_285 = arith.index_cast %parallel_loop3A_118 : i32 to index
          %parallel_loop3A_286 = arith.constant 96 : index
          %parallel_loop3A_287 = tpu.vector_load %arg11[%parallel_loop3A_285, %parallel_loop3A_286] {strides = array<i32>} : memref<192x128xf32, #tpu.memory_space<vmem>>, vector<1x16xf32>,
          %parallel_loop3A_288 = vector.shape_cast %parallel_loop3A_287 : vector<1x16xf32> to vector<16xf32>
          %parallel_loop3A_289 = arith.mulf %parallel_loop3A_288, %parallel_loop3A_284 : vector<16xf32>
          %parallel_loop3A_290 = arith.index_cast %parallel_loop3A_118 : i32 to index
          %parallel_loop3A_291 = arith.constant 96 : index
          %parallel_loop3A_292 = tpu.vector_load %arg11[%parallel_loop3A_290, %parallel_loop3A_291] {strides = array<i32>} : memref<192x128xf32, #tpu.memory_space<vmem>>, vector<1x16xf32>,
          %parallel_loop3A_293 = vector.shape_cast %parallel_loop3A_292 : vector<1x16xf32> to vector<16xf32>
          %parallel_loop3A_294 = vector.shape_cast %parallel_loop3A_289 : vector<16xf32> to vector<1x16xf32>
          tpu.vector_store %arg11[%parallel_loop3A_290, %parallel_loop3A_291], %parallel_loop3A_294 {strides = array<i32>} : memref<192x128xf32, #tpu.memory_space<vmem>>, vector<1x16xf32>,
          %parallel_loop3A_295 = arith.constant 7 : i32
          %parallel_loop3A_296 = vector.broadcast %parallel_loop3A_295 : i32 to vector<16xi32>
          %parallel_loop3A_297 = arith.constant 0 : i32
          %parallel_loop3A_298 = vector.broadcast %parallel_loop3A_297 : i32 to vector<16xi32>
          %parallel_loop3A_299 = arith.cmpi slt, %parallel_loop3A_296, %parallel_loop3A_298 : vector<16xi32>
          %parallel_loop3A_300 = arith.constant 16 : i32
          %parallel_loop3A_301 = vector.broadcast %parallel_loop3A_300 : i32 to vector<16xi32>
          %parallel_loop3A_302 = arith.addi %parallel_loop3A_296, %parallel_loop3A_301 : vector<16xi32>
          %parallel_loop3A_303 = arith.select %parallel_loop3A_299, %parallel_loop3A_302, %parallel_loop3A_296 : vector<16xi1>, vector<16xi32>
          %parallel_loop3A_304 = vector.shape_cast %parallel_loop3A_303 : vector<16xi32> to vector<16x1xi32>
          %parallel_loop3A_305 = vector.shape_cast %parallel_loop3A_304 : vector<16x1xi32> to vector<16xi32>
          %parallel_loop3A_306 = tpu.dynamic_gather %parallel_loop3A_135[%parallel_loop3A_305] in [0] : vector<16xf32>, vector<16xi32> -> vector<16xf32>
          %parallel_loop3A_307 = arith.index_cast %parallel_loop3A_118 : i32 to index
          %parallel_loop3A_308 = arith.constant 112 : index
          %parallel_loop3A_309 = tpu.vector_load %arg11[%parallel_loop3A_307, %parallel_loop3A_308] {strides = array<i32>} : memref<192x128xf32, #tpu.memory_space<vmem>>, vector<1x16xf32>,
          %parallel_loop3A_310 = vector.shape_cast %parallel_loop3A_309 : vector<1x16xf32> to vector<16xf32>
          %parallel_loop3A_311 = arith.mulf %parallel_loop3A_310, %parallel_loop3A_306 : vector<16xf32>
          %parallel_loop3A_312 = arith.index_cast %parallel_loop3A_118 : i32 to index
          %parallel_loop3A_313 = arith.constant 112 : index
          %parallel_loop3A_314 = tpu.vector_load %arg11[%parallel_loop3A_312, %parallel_loop3A_313] {strides = array<i32>} : memref<192x128xf32, #tpu.memory_space<vmem>>, vector<1x16xf32>,
          %parallel_loop3A_315 = vector.shape_cast %parallel_loop3A_314 : vector<1x16xf32> to vector<16xf32>
          %parallel_loop3A_316 = vector.shape_cast %parallel_loop3A_311 : vector<16xf32> to vector<1x16xf32>
          tpu.vector_store %arg11[%parallel_loop3A_312, %parallel_loop3A_313], %parallel_loop3A_316 {strides = array<i32>} : memref<192x128xf32, #tpu.memory_space<vmem>>, vector<1x16xf32>,
        } {sc.loop_unroll_factor = 4 : i64, sc.parallel_access}
        %dma_start3A = arith.constant 0 : i32
        %dma_start3A_102 = tpu.memref_slice %arg10[%sub3A_68, %dma_start3A] : memref<2x96xi32, #tpu.memory_space<vmem>> -> memref<1x96xi32, #tpu.memory_space<vmem>>
        %dma_start3A_103 = tpu.memref_squeeze %dma_start3A_102 : memref<1x96xi32, #tpu.memory_space<vmem>> -> memref<96xi32, #tpu.memory_space<vmem>>
        %dma_start3A_104 = arith.constant 0 : i32
        %dma_start3A_105 = arith.constant 0 : i32
        %dma_start3A_106 = tpu.memref_slice %arg18[%dma_start3A_104, %dma_start3A_105] : memref<10176x16xf32, #tpu.memory_space<vmem_shared>> -> memref<10176x16xf32, #tpu.memory_space<vmem_shared>>
        tpu.enqueue_indirect_dma source(%arg14 : memref<96x16xf32, #tpu.memory_space<vmem>>) target(%dma_start3A_106 : memref<10176x16xf32, #tpu.memory_space<vmem_shared>>) offsets(%dma_start3A_103 : memref<96xi32, #tpu.memory_space<vmem>>) semaphore(%arg20 : memref<!tpu.dma_semaphore, #tpu.memory_space<semaphore_mem>>) {add = true}
        %mul3A_107 = arith.constant 96 : i32
        %mul3A_108 = arith.muli %sub3A_68, %mul3A_107 : i32
        %dma_start3A_109 = arith.constant 0 : i32
        %dma_start3A_110 = tpu.memref_slice %arg11[%mul3A_108, %dma_start3A_109] : memref<192x128xf32, #tpu.memory_space<vmem>> -> memref<96x128xf32, #tpu.memory_space<vmem>>
        %dma_start3A_111 = arith.constant 0 : i32
        %dma_start3A_112 = tpu.memref_slice %arg10[%sub3A_68, %dma_start3A_111] : memref<2x96xi32, #tpu.memory_space<vmem>> -> memref<1x96xi32, #tpu.memory_space<vmem>>
        %dma_start3A_113 = tpu.memref_squeeze %dma_start3A_112 : memref<1x96xi32, #tpu.memory_space<vmem>> -> memref<96xi32, #tpu.memory_space<vmem>>
        %dma_start3A_114 = arith.constant 0 : i32
        %dma_start3A_115 = arith.constant 0 : i32
        %dma_start3A_116 = tpu.memref_slice %arg17[%dma_start3A_114, %dma_start3A_115] : memref<10176x128xf32, #tpu.memory_space<vmem_shared>> -> memref<10176x128xf32, #tpu.memory_space<vmem_shared>>
        tpu.enqueue_indirect_dma source(%dma_start3A_110 : memref<96x128xf32, #tpu.memory_space<vmem>>) target(%dma_start3A_116 : memref<10176x128xf32, #tpu.memory_space<vmem_shared>>) offsets(%dma_start3A_113 : memref<96xi32, #tpu.memory_space<vmem>>) semaphore(%arg20 : memref<!tpu.dma_semaphore, #tpu.memory_space<semaphore_mem>>) {add = true}
      } else {
      }
    }
    %scan3A_27 = arith.constant 110 : i32
    %barrier3A_28 = arith.constant 0 : index
    tpu.barrier barrier_id(%barrier3A_28)
    %scan3A_29 = arith.constant 0 : i32
    %scan3A_30 = arith.constant 0 : i32
    %scan3A_31 = arith.constant 53 : i32
    %scan3A_32 = arith.addi %scan3A_30, %scan3A_31 : i32
    %scan3A_33 = arith.constant 1 : i32
    scf.for %scan3A_41 = %scan3A_30 to %scan3A_32 step %scan3A_33  : i32 {
      %mul3A_42 = arith.constant 12 : i32
      %mul3A_43 = arith.muli %scan3A_41, %mul3A_42 : i32
      %add3A_44 = arith.addi %mul3A_2, %mul3A_43 : i32
      %dma_start3A = arith.constant 0 : i32
      %dma_start3A_45 = tpu.memref_slice %arg6[%arg0, %add3A_44, %dma_start3A] : memref<2x10176x128xf32, #tpu.memory_space<hbm>> -> memref<1x12x128xf32, #tpu.memory_space<hbm>>
      %dma_start3A_46 = tpu.memref_squeeze %dma_start3A_45 : memref<1x12x128xf32, #tpu.memory_space<hbm>> -> memref<12x128xf32, #tpu.memory_space<hbm>>
      %dma_start3A_47 = arith.constant 0 : i32
      %dma_start3A_48 = tpu.memref_slice %arg17[%add3A_44, %dma_start3A_47] : memref<10176x128xf32, #tpu.memory_space<vmem_shared>> -> memref<12x128xf32, #tpu.memory_space<vmem_shared>>
      tpu.enqueue_dma source(%dma_start3A_48 : memref<12x128xf32, #tpu.memory_space<vmem_shared>>) target(%dma_start3A_46 : memref<12x128xf32, #tpu.memory_space<hbm>>) target_semaphore(%arg19 : memref<!tpu.dma_semaphore, #tpu.memory_space<semaphore_mem>>)
      %dma_start3A_49 = arith.constant 0 : i32
      %dma_start3A_50 = tpu.memref_slice %arg7[%arg0, %add3A_44, %dma_start3A_49] : memref<2x10176x16xf32, #tpu.memory_space<hbm>> -> memref<1x12x16xf32, #tpu.memory_space<hbm>>
      %dma_start3A_51 = tpu.memref_squeeze %dma_start3A_50 : memref<1x12x16xf32, #tpu.memory_space<hbm>> -> memref<12x16xf32, #tpu.memory_space<hbm>>
      %dma_start3A_52 = arith.constant 0 : i32
      %dma_start3A_53 = tpu.memref_slice %arg18[%add3A_44, %dma_start3A_52] : memref<10176x16xf32, #tpu.memory_space<vmem_shared>> -> memref<12x16xf32, #tpu.memory_space<vmem_shared>>
      tpu.enqueue_dma source(%dma_start3A_53 : memref<12x16xf32, #tpu.memory_space<vmem_shared>>) target(%dma_start3A_51 : memref<12x16xf32, #tpu.memory_space<hbm>>) target_semaphore(%arg19 : memref<!tpu.dma_semaphore, #tpu.memory_space<semaphore_mem>>)
    }
    %scan3A_34 = arith.constant 53 : i32
    %scan3A_35 = arith.constant 0 : i32
    %scan3A_36 = arith.constant 0 : i32
    %scan3A_37 = arith.constant 53 : i32
    %scan3A_38 = arith.addi %scan3A_36, %scan3A_37 : i32
    %scan3A_39 = arith.constant 1 : i32
    scf.for %scan3A_41 = %scan3A_36 to %scan3A_38 step %scan3A_39  : i32 {
      %mul3A_42 = arith.constant 12 : i32
      %mul3A_43 = arith.muli %scan3A_41, %mul3A_42 : i32
      %add3A_44 = arith.addi %mul3A_2, %mul3A_43 : i32
      %dma_wait3A = arith.constant 0 : i32
      %dma_wait3A_45 = tpu.memref_slice %arg6[%arg0, %add3A_44, %dma_wait3A] : memref<2x10176x128xf32, #tpu.memory_space<hbm>> -> memref<1x12x128xf32, #tpu.memory_space<hbm>>
      %dma_wait3A_46 = tpu.memref_squeeze %dma_wait3A_45 : memref<1x12x128xf32, #tpu.memory_space<hbm>> -> memref<12x128xf32, #tpu.memory_space<hbm>>
      %dma_wait3A_47 = arith.constant 0 : i32
      %dma_wait3A_48 = tpu.memref_slice %arg17[%add3A_44, %dma_wait3A_47] : memref<10176x128xf32, #tpu.memory_space<vmem_shared>> -> memref<12x128xf32, #tpu.memory_space<vmem_shared>>
      tpu.wait_dma2 semaphore(%arg19 : memref<!tpu.dma_semaphore, #tpu.memory_space<semaphore_mem>>) src(%dma_wait3A_48 : memref<12x128xf32, #tpu.memory_space<vmem_shared>>) dst(%dma_wait3A_46 : memref<12x128xf32, #tpu.memory_space<hbm>>)
      %dma_wait3A_49 = arith.constant 0 : i32
      %dma_wait3A_50 = tpu.memref_slice %arg7[%arg0, %add3A_44, %dma_wait3A_49] : memref<2x10176x16xf32, #tpu.memory_space<hbm>> -> memref<1x12x16xf32, #tpu.memory_space<hbm>>
      %dma_wait3A_51 = tpu.memref_squeeze %dma_wait3A_50 : memref<1x12x16xf32, #tpu.memory_space<hbm>> -> memref<12x16xf32, #tpu.memory_space<hbm>>
      %dma_wait3A_52 = arith.constant 0 : i32
      %dma_wait3A_53 = tpu.memref_slice %arg18[%add3A_44, %dma_wait3A_52] : memref<10176x16xf32, #tpu.memory_space<vmem_shared>> -> memref<12x16xf32, #tpu.memory_space<vmem_shared>>
      tpu.wait_dma2 semaphore(%arg19 : memref<!tpu.dma_semaphore, #tpu.memory_space<semaphore_mem>>) src(%dma_wait3A_53 : memref<12x16xf32, #tpu.memory_space<vmem_shared>>) dst(%dma_wait3A_51 : memref<12x16xf32, #tpu.memory_space<hbm>>)
    }
    %scan3A_40 = arith.constant 53 : i32
    return
  }
}

#map = affine_map<(d0, d1) -> (0, 0)>
#map1 = affine_map<(d0, d1) -> (0, 0, 0)>
module attributes {stable_mosaic.version = 14 : i64} {
  func.func @body(%arg0: i32, %arg1: i32, %arg2: memref<10176x128xf32, #tpu.memory_space<hbm>>, %arg3: memref<10176x16xf32, #tpu.memory_space<hbm>>, %arg4: memref<10176x16xf32, #tpu.memory_space<hbm>>, %arg5: memref<3456x96xi32, #tpu.memory_space<hbm>>, %arg6: memref<2x10176x128xf32, #tpu.memory_space<hbm>>, %arg7: memref<2x10176x16xf32, #tpu.memory_space<hbm>>, %arg8: memref<12x96xi32, #tpu.memory_space<vmem>>, %arg9: memref<2x96xi32, #tpu.memory_space<vmem>>, %arg10: memref<2x96xi32, #tpu.memory_space<vmem>>, %arg11: memref<192x128xf32, #tpu.memory_space<vmem>>, %arg12: memref<192x16xf32, #tpu.memory_space<vmem>>, %arg13: memref<192x16xf32, #tpu.memory_space<vmem>>, %arg14: memref<96x16xf32, #tpu.memory_space<vmem>>, %arg15: memref<12x128xf32, #tpu.memory_space<vmem>>, %arg16: memref<12x16xf32, #tpu.memory_space<vmem>>, %arg17: memref<10176x128xf32, #tpu.memory_space<vmem_shared>>, %arg18: memref<10176x16xf32, #tpu.memory_space<vmem_shared>>, %arg19: memref<!tpu.dma_semaphore, #tpu.memory_space<semaphore_mem>>, %arg20: memref<!tpu.dma_semaphore, #tpu.memory_space<semaphore_mem>>) attributes {dimension_semantics = [#tpu.dimension_semantics<core_parallel>, #tpu.dimension_semantics<subcore_parallel>], iteration_bounds = array<i64: 2, 16>, scalar_prefetch = 0 : i64, scratch_operands = 13 : i64, tpu.core_type = #tpu.core_type<sc_vector_subcore>, window_params = [{transform_indices = #map}, {transform_indices = #map}, {transform_indices = #map}, {transform_indices = #map}, {transform_indices = #map1}, {transform_indices = #map1}]} {
    %mul3A = arith.constant 16 : i32
    %mul3A_0 = arith.muli %arg0, %mul3A : i32
    %add3A = arith.addi %mul3A_0, %arg1 : i32
    %mul3A_1 = arith.constant 636 : i32
    %mul3A_2 = arith.muli %arg1, %mul3A_1 : i32
    %scan3A = arith.constant 0 : i32
    %scan3A_3 = arith.constant 0 : i32
    %scan3A_4 = arith.constant 12 : i32
    %scan3A_5 = arith.addi %scan3A_3, %scan3A_4 : i32
    %scan3A_6 = arith.constant 1 : i32
    scf.for %scan3A_41 = %scan3A_3 to %scan3A_5 step %scan3A_6  : i32 {
      %broadcast_in_dim3A = arith.constant 0.000000e+00 : f32
      %broadcast_in_dim3A_42 = vector.broadcast %broadcast_in_dim3A : f32 to vector<16xf32>
      %swap3A = arith.index_cast %scan3A_41 : i32 to index
      %swap3A_43 = arith.constant 0 : index
      %swap3A_44 = tpu.vector_load %arg15[%swap3A, %swap3A_43] {strides = array<i32>} : memref<12x128xf32, #tpu.memory_space<vmem>>, vector<1x16xf32>,
      %swap3A_45 = vector.shape_cast %swap3A_44 : vector<1x16xf32> to vector<16xf32>
      %swap3A_46 = vector.shape_cast %broadcast_in_dim3A_42 : vector<16xf32> to vector<1x16xf32>
      tpu.vector_store %arg15[%swap3A, %swap3A_43], %swap3A_46 {strides = array<i32>} : memref<12x128xf32, #tpu.memory_space<vmem>>, vector<1x16xf32>,
      %broadcast_in_dim3A_47 = arith.constant 0.000000e+00 : f32
      %broadcast_in_dim3A_48 = vector.broadcast %broadcast_in_dim3A_47 : f32 to vector<16xf32>
      %swap3A_49 = arith.index_cast %scan3A_41 : i32 to index
      %swap3A_50 = arith.constant 16 : index
      %swap3A_51 = tpu.vector_load %arg15[%swap3A_49, %swap3A_50] {strides = array<i32>} : memref<12x128xf32, #tpu.memory_space<vmem>>, vector<1x16xf32>,
      %swap3A_52 = vector.shape_cast %swap3A_51 : vector<1x16xf32> to vector<16xf32>
      %swap3A_53 = vector.shape_cast %broadcast_in_dim3A_48 : vector<16xf32> to vector<1x16xf32>
      tpu.vector_store %arg15[%swap3A_49, %swap3A_50], %swap3A_53 {strides = array<i32>} : memref<12x128xf32, #tpu.memory_space<vmem>>, vector<1x16xf32>,
      %broadcast_in_dim3A_54 = arith.constant 0.000000e+00 : f32
      %broadcast_in_dim3A_55 = vector.broadcast %broadcast_in_dim3A_54 : f32 to vector<16xf32>
      %swap3A_56 = arith.index_cast %scan3A_41 : i32 to index
      %swap3A_57 = arith.constant 32 : index
      %swap3A_58 = tpu.vector_load %arg15[%swap3A_56, %swap3A_57] {strides = array<i32>} : memref<12x128xf32, #tpu.memory_space<vmem>>, vector<1x16xf32>,
      %swap3A_59 = vector.shape_cast %swap3A_58 : vector<1x16xf32> to vector<16xf32>
      %swap3A_60 = vector.shape_cast %broadcast_in_dim3A_55 : vector<16xf32> to vector<1x16xf32>
      tpu.vector_store %arg15[%swap3A_56, %swap3A_57], %swap3A_60 {strides = array<i32>} : memref<12x128xf32, #tpu.memory_space<vmem>>, vector<1x16xf32>,
      %broadcast_in_dim3A_61 = arith.constant 0.000000e+00 : f32
      %broadcast_in_dim3A_62 = vector.broadcast %broadcast_in_dim3A_61 : f32 to vector<16xf32>
      %swap3A_63 = arith.index_cast %scan3A_41 : i32 to index
      %swap3A_64 = arith.constant 48 : index
      %swap3A_65 = tpu.vector_load %arg15[%swap3A_63, %swap3A_64] {strides = array<i32>} : memref<12x128xf32, #tpu.memory_space<vmem>>, vector<1x16xf32>,
      %swap3A_66 = vector.shape_cast %swap3A_65 : vector<1x16xf32> to vector<16xf32>
      %swap3A_67 = vector.shape_cast %broadcast_in_dim3A_62 : vector<16xf32> to vector<1x16xf32>
      tpu.vector_store %arg15[%swap3A_63, %swap3A_64], %swap3A_67 {strides = array<i32>} : memref<12x128xf32, #tpu.memory_space<vmem>>, vector<1x16xf32>,
      %broadcast_in_dim3A_68 = arith.constant 0.000000e+00 : f32
      %broadcast_in_dim3A_69 = vector.broadcast %broadcast_in_dim3A_68 : f32 to vector<16xf32>
      %swap3A_70 = arith.index_cast %scan3A_41 : i32 to index
      %swap3A_71 = arith.constant 64 : index
      %swap3A_72 = tpu.vector_load %arg15[%swap3A_70, %swap3A_71] {strides = array<i32>} : memref<12x128xf32, #tpu.memory_space<vmem>>, vector<1x16xf32>,
      %swap3A_73 = vector.shape_cast %swap3A_72 : vector<1x16xf32> to vector<16xf32>
      %swap3A_74 = vector.shape_cast %broadcast_in_dim3A_69 : vector<16xf32> to vector<1x16xf32>
      tpu.vector_store %arg15[%swap3A_70, %swap3A_71], %swap3A_74 {strides = array<i32>} : memref<12x128xf32, #tpu.memory_space<vmem>>, vector<1x16xf32>,
      %broadcast_in_dim3A_75 = arith.constant 0.000000e+00 : f32
      %broadcast_in_dim3A_76 = vector.broadcast %broadcast_in_dim3A_75 : f32 to vector<16xf32>
      %swap3A_77 = arith.index_cast %scan3A_41 : i32 to index
      %swap3A_78 = arith.constant 80 : index
      %swap3A_79 = tpu.vector_load %arg15[%swap3A_77, %swap3A_78] {strides = array<i32>} : memref<12x128xf32, #tpu.memory_space<vmem>>, vector<1x16xf32>,
      %swap3A_80 = vector.shape_cast %swap3A_79 : vector<1x16xf32> to vector<16xf32>
      %swap3A_81 = vector.shape_cast %broadcast_in_dim3A_76 : vector<16xf32> to vector<1x16xf32>
      tpu.vector_store %arg15[%swap3A_77, %swap3A_78], %swap3A_81 {strides = array<i32>} : memref<12x128xf32, #tpu.memory_space<vmem>>, vector<1x16xf32>,
      %broadcast_in_dim3A_82 = arith.constant 0.000000e+00 : f32
      %broadcast_in_dim3A_83 = vector.broadcast %broadcast_in_dim3A_82 : f32 to vector<16xf32>
      %swap3A_84 = arith.index_cast %scan3A_41 : i32 to index
      %swap3A_85 = arith.constant 96 : index
      %swap3A_86 = tpu.vector_load %arg15[%swap3A_84, %swap3A_85] {strides = array<i32>} : memref<12x128xf32, #tpu.memory_space<vmem>>, vector<1x16xf32>,
      %swap3A_87 = vector.shape_cast %swap3A_86 : vector<1x16xf32> to vector<16xf32>
      %swap3A_88 = vector.shape_cast %broadcast_in_dim3A_83 : vector<16xf32> to vector<1x16xf32>
      tpu.vector_store %arg15[%swap3A_84, %swap3A_85], %swap3A_88 {strides = array<i32>} : memref<12x128xf32, #tpu.memory_space<vmem>>, vector<1x16xf32>,
      %broadcast_in_dim3A_89 = arith.constant 0.000000e+00 : f32
      %broadcast_in_dim3A_90 = vector.broadcast %broadcast_in_dim3A_89 : f32 to vector<16xf32>
      %swap3A_91 = arith.index_cast %scan3A_41 : i32 to index
      %swap3A_92 = arith.constant 112 : index
      %swap3A_93 = tpu.vector_load %arg15[%swap3A_91, %swap3A_92] {strides = array<i32>} : memref<12x128xf32, #tpu.memory_space<vmem>>, vector<1x16xf32>,
      %swap3A_94 = vector.shape_cast %swap3A_93 : vector<1x16xf32> to vector<16xf32>
      %swap3A_95 = vector.shape_cast %broadcast_in_dim3A_90 : vector<16xf32> to vector<1x16xf32>
      tpu.vector_store %arg15[%swap3A_91, %swap3A_92], %swap3A_95 {strides = array<i32>} : memref<12x128xf32, #tpu.memory_space<vmem>>, vector<1x16xf32>,
      %broadcast_in_dim3A_96 = arith.constant 0.000000e+00 : f32
      %broadcast_in_dim3A_97 = vector.broadcast %broadcast_in_dim3A_96 : f32 to vector<16xf32>
      %swap3A_98 = arith.index_cast %scan3A_41 : i32 to index
      %swap3A_99 = arith.constant 0 : index
      %swap3A_100 = tpu.vector_load %arg16[%swap3A_98, %swap3A_99] {strides = array<i32>} : memref<12x16xf32, #tpu.memory_space<vmem>>, vector<1x16xf32>,
      %swap3A_101 = vector.shape_cast %swap3A_100 : vector<1x16xf32> to vector<16xf32>
      %swap3A_102 = vector.shape_cast %broadcast_in_dim3A_97 : vector<16xf32> to vector<1x16xf32>
      tpu.vector_store %arg16[%swap3A_98, %swap3A_99], %swap3A_102 {strides = array<i32>} : memref<12x16xf32, #tpu.memory_space<vmem>>, vector<1x16xf32>,
    }
    %scan3A_7 = arith.constant 12 : i32
    %scan3A_8 = arith.constant 0 : i32
    %scan3A_9 = arith.constant 0 : i32
    %scan3A_10 = arith.constant 53 : i32
    %scan3A_11 = arith.addi %scan3A_9, %scan3A_10 : i32
    %scan3A_12 = arith.constant 1 : i32
    scf.for %scan3A_41 = %scan3A_9 to %scan3A_11 step %scan3A_12  : i32 {
      %mul3A_42 = arith.constant 12 : i32
      %mul3A_43 = arith.muli %scan3A_41, %mul3A_42 : i32
      %add3A_44 = arith.addi %mul3A_2, %mul3A_43 : i32
      %dma_start3A = arith.constant 0 : i32
      %dma_start3A_45 = tpu.memref_slice %arg17[%add3A_44, %dma_start3A] : memref<10176x128xf32, #tpu.memory_space<vmem_shared>> -> memref<12x128xf32, #tpu.memory_space<vmem_shared>>
      %dma_start3A_46 = arith.constant 0 : i32
      %dma_start3A_47 = tpu.memref_slice %arg17[%add3A_44, %dma_start3A_46] : memref<10176x128xf32, #tpu.memory_space<vmem_shared>> -> memref<12x128xf32, #tpu.memory_space<vmem_shared>>
      tpu.enqueue_dma source(%arg15 : memref<12x128xf32, #tpu.memory_space<vmem>>) target(%dma_start3A_47 : memref<12x128xf32, #tpu.memory_space<vmem_shared>>) target_semaphore(%arg19 : memref<!tpu.dma_semaphore, #tpu.memory_space<semaphore_mem>>)
      %dma_start3A_48 = arith.constant 0 : i32
      %dma_start3A_49 = tpu.memref_slice %arg18[%add3A_44, %dma_start3A_48] : memref<10176x16xf32, #tpu.memory_space<vmem_shared>> -> memref<12x16xf32, #tpu.memory_space<vmem_shared>>
      %dma_start3A_50 = arith.constant 0 : i32
      %dma_start3A_51 = tpu.memref_slice %arg18[%add3A_44, %dma_start3A_50] : memref<10176x16xf32, #tpu.memory_space<vmem_shared>> -> memref<12x16xf32, #tpu.memory_space<vmem_shared>>
      tpu.enqueue_dma source(%arg16 : memref<12x16xf32, #tpu.memory_space<vmem>>) target(%dma_start3A_51 : memref<12x16xf32, #tpu.memory_space<vmem_shared>>) target_semaphore(%arg19 : memref<!tpu.dma_semaphore, #tpu.memory_space<semaphore_mem>>)
    }
    %scan3A_13 = arith.constant 53 : i32
    %scan3A_14 = arith.constant 0 : i32
    %scan3A_15 = arith.constant 0 : i32
    %scan3A_16 = arith.constant 53 : i32
    %scan3A_17 = arith.addi %scan3A_15, %scan3A_16 : i32
    %scan3A_18 = arith.constant 1 : i32
    scf.for %scan3A_41 = %scan3A_15 to %scan3A_17 step %scan3A_18  : i32 {
      %mul3A_42 = arith.constant 12 : i32
      %mul3A_43 = arith.muli %scan3A_41, %mul3A_42 : i32
      %add3A_44 = arith.addi %mul3A_2, %mul3A_43 : i32
      %dma_wait3A = arith.constant 0 : i32
      %dma_wait3A_45 = tpu.memref_slice %arg17[%add3A_44, %dma_wait3A] : memref<10176x128xf32, #tpu.memory_space<vmem_shared>> -> memref<12x128xf32, #tpu.memory_space<vmem_shared>>
      %dma_wait3A_46 = arith.constant 0 : i32
      %dma_wait3A_47 = tpu.memref_slice %arg17[%add3A_44, %dma_wait3A_46] : memref<10176x128xf32, #tpu.memory_space<vmem_shared>> -> memref<12x128xf32, #tpu.memory_space<vmem_shared>>
      tpu.wait_dma2 semaphore(%arg19 : memref<!tpu.dma_semaphore, #tpu.memory_space<semaphore_mem>>) src(%arg15 : memref<12x128xf32, #tpu.memory_space<vmem>>) dst(%dma_wait3A_47 : memref<12x128xf32, #tpu.memory_space<vmem_shared>>)
      %dma_wait3A_48 = arith.constant 0 : i32
      %dma_wait3A_49 = tpu.memref_slice %arg18[%add3A_44, %dma_wait3A_48] : memref<10176x16xf32, #tpu.memory_space<vmem_shared>> -> memref<12x16xf32, #tpu.memory_space<vmem_shared>>
      %dma_wait3A_50 = arith.constant 0 : i32
      %dma_wait3A_51 = tpu.memref_slice %arg18[%add3A_44, %dma_wait3A_50] : memref<10176x16xf32, #tpu.memory_space<vmem_shared>> -> memref<12x16xf32, #tpu.memory_space<vmem_shared>>
      tpu.wait_dma2 semaphore(%arg19 : memref<!tpu.dma_semaphore, #tpu.memory_space<semaphore_mem>>) src(%arg16 : memref<12x16xf32, #tpu.memory_space<vmem>>) dst(%dma_wait3A_51 : memref<12x16xf32, #tpu.memory_space<vmem_shared>>)
    }
    %scan3A_19 = arith.constant 53 : i32
    %barrier3A = arith.constant 0 : index
    tpu.barrier barrier_id(%barrier3A)
    %mul3A_20 = arith.constant 108 : i32
    %mul3A_21 = arith.muli %add3A, %mul3A_20 : i32
    %scan3A_22 = arith.constant 0 : i32
    %scan3A_23 = arith.constant 0 : i32
    %scan3A_24 = arith.constant 110 : i32
    %scan3A_25 = arith.addi %scan3A_23, %scan3A_24 : i32
    %scan3A_26 = arith.constant 1 : i32
    scf.for %scan3A_41 = %scan3A_23 to %scan3A_25 step %scan3A_26  : i32 {
      %jit3A = arith.constant 2 : i32
      %eq3A = arith.constant 0 : i32
      %eq3A_42 = arith.cmpi eq, %jit3A, %eq3A : i32
      %jit3A_43 = arith.constant 1 : i32
      %select_n3A = arith.select %eq3A_42, %jit3A_43, %jit3A : i32
      %rem3A = arith.remsi %scan3A_41, %select_n3A : i32
      %ne3A = arith.constant 0 : i32
      %ne3A_44 = arith.cmpi ne, %rem3A, %ne3A : i32
      %lt3A = arith.constant 0 : i32
      %lt3A_45 = arith.cmpi slt, %rem3A, %lt3A : i32
      %lt3A_46 = arith.constant 0 : i32
      %lt3A_47 = arith.cmpi slt, %select_n3A, %lt3A_46 : i32
      %ne3A_48 = arith.xori %lt3A_45, %lt3A_47 : i1
      %and3A = arith.andi %ne3A_48, %ne3A_44 : i1
      %add3A_49 = arith.addi %rem3A, %select_n3A : i32
      %select_n3A_50 = arith.select %and3A, %add3A_49, %rem3A : i32
      %ge3A = arith.constant 2 : i32
      %ge3A_51 = arith.cmpi sge, %scan3A_41, %ge3A : i32
      %le3A = arith.constant 109 : i32
      %le3A_52 = arith.cmpi sle, %scan3A_41, %le3A : i32
      %and3A_53 = arith.andi %ge3A_51, %le3A_52 : i1
      %convert_element_type3A = arith.extui %and3A_53 : i1 to i32
      %cond3A = arith.constant 0 : i32
      %cond3A_54 = arith.cmpi ne, %convert_element_type3A, %cond3A : i32
      scf.if %cond3A_54 {
        %dma_wait3A = arith.constant 0 : i32
        %dma_wait3A_68 = tpu.memref_slice %arg10[%select_n3A_50, %dma_wait3A] : memref<2x96xi32, #tpu.memory_space<vmem>> -> memref<1x96xi32, #tpu.memory_space<vmem>>
        %dma_wait3A_69 = tpu.memref_squeeze %dma_wait3A_68 : memref<1x96xi32, #tpu.memory_space<vmem>> -> memref<96xi32, #tpu.memory_space<vmem>>
        %dma_wait3A_70 = arith.constant 0 : i32
        %dma_wait3A_71 = arith.constant 0 : i32
        %dma_wait3A_72 = tpu.memref_slice %arg18[%dma_wait3A_70, %dma_wait3A_71] : memref<10176x16xf32, #tpu.memory_space<vmem_shared>> -> memref<10176x16xf32, #tpu.memory_space<vmem_shared>>
        tpu.wait_indirect_dma semaphore(%arg20 : memref<!tpu.dma_semaphore, #tpu.memory_space<semaphore_mem>>) src(%arg14 : memref<96x16xf32, #tpu.memory_space<vmem>>) dst(%dma_wait3A_72 : memref<10176x16xf32, #tpu.memory_space<vmem_shared>>)
        %mul3A_73 = arith.constant 96 : i32
        %mul3A_74 = arith.muli %select_n3A_50, %mul3A_73 : i32
        %dma_wait3A_75 = arith.constant 0 : i32
        %dma_wait3A_76 = tpu.memref_slice %arg11[%mul3A_74, %dma_wait3A_75] : memref<192x128xf32, #tpu.memory_space<vmem>> -> memref<96x128xf32, #tpu.memory_space<vmem>>
        %dma_wait3A_77 = arith.constant 0 : i32
        %dma_wait3A_78 = tpu.memref_slice %arg10[%select_n3A_50, %dma_wait3A_77] : memref<2x96xi32, #tpu.memory_space<vmem>> -> memref<1x96xi32, #tpu.memory_space<vmem>>
        %dma_wait3A_79 = tpu.memref_squeeze %dma_wait3A_78 : memref<1x96xi32, #tpu.memory_space<vmem>> -> memref<96xi32, #tpu.memory_space<vmem>>
        %dma_wait3A_80 = arith.constant 0 : i32
        %dma_wait3A_81 = arith.constant 0 : i32
        %dma_wait3A_82 = tpu.memref_slice %arg17[%dma_wait3A_80, %dma_wait3A_81] : memref<10176x128xf32, #tpu.memory_space<vmem_shared>> -> memref<10176x128xf32, #tpu.memory_space<vmem_shared>>
        tpu.wait_indirect_dma semaphore(%arg20 : memref<!tpu.dma_semaphore, #tpu.memory_space<semaphore_mem>>) src(%dma_wait3A_76 : memref<96x128xf32, #tpu.memory_space<vmem>>) dst(%dma_wait3A_82 : memref<10176x128xf32, #tpu.memory_space<vmem_shared>>)
      } else {
      }
      %lt3A_55 = arith.constant 108 : i32
      %lt3A_56 = arith.cmpi slt, %scan3A_41, %lt3A_55 : i32
      %convert_element_type3A_57 = arith.extui %lt3A_56 : i1 to i32
      %cond3A_58 = arith.constant 0 : i32
      %cond3A_59 = arith.cmpi ne, %convert_element_type3A_57, %cond3A_58 : i32
      scf.if %cond3A_59 {
        %jit3A_68 = arith.constant 12 : i32
        %eq3A_69 = arith.constant 0 : i32
        %eq3A_70 = arith.cmpi eq, %jit3A_68, %eq3A_69 : i32
        %jit3A_71 = arith.constant 1 : i32
        %select_n3A_72 = arith.select %eq3A_70, %jit3A_71, %jit3A_68 : i32
        %rem3A_73 = arith.remsi %scan3A_41, %select_n3A_72 : i32
        %ne3A_74 = arith.constant 0 : i32
        %ne3A_75 = arith.cmpi ne, %rem3A_73, %ne3A_74 : i32
        %lt3A_76 = arith.constant 0 : i32
        %lt3A_77 = arith.cmpi slt, %rem3A_73, %lt3A_76 : i32
        %lt3A_78 = arith.constant 0 : i32
        %lt3A_79 = arith.cmpi slt, %select_n3A_72, %lt3A_78 : i32
        %ne3A_80 = arith.xori %lt3A_77, %lt3A_79 : i1
        %and3A_81 = arith.andi %ne3A_80, %ne3A_75 : i1
        %add3A_82 = arith.addi %rem3A_73, %select_n3A_72 : i32
        %select_n3A_83 = arith.select %and3A_81, %add3A_82, %rem3A_73 : i32
        %eq3A_84 = arith.constant 0 : i32
        %eq3A_85 = arith.cmpi eq, %select_n3A_83, %eq3A_84 : i32
        %convert_element_type3A_86 = arith.extui %eq3A_85 : i1 to i32
        %cond3A_87 = arith.constant 0 : i32
        %cond3A_88 = arith.cmpi ne, %convert_element_type3A_86, %cond3A_87 : i32
        scf.if %cond3A_88 {
          %add3A_331 = arith.addi %mul3A_21, %scan3A_41 : i32
          "tpu.region"() ({
            %run_scoped3A = tpu.sem_alloc : memref<!tpu.dma_semaphore, #tpu.memory_space<semaphore_mem>>
            %dma_start3A_332 = arith.constant 0 : i32
            %dma_start3A_333 = tpu.memref_slice %arg5[%add3A_331, %dma_start3A_332] : memref<3456x96xi32, #tpu.memory_space<hbm>> -> memref<12x96xi32, #tpu.memory_space<hbm>>
            %dma_start3A_334 = arith.constant 0 : i32
            %dma_start3A_335 = tpu.memref_slice %arg5[%add3A_331, %dma_start3A_334] : memref<3456x96xi32, #tpu.memory_space<hbm>> -> memref<12x96xi32, #tpu.memory_space<hbm>>
            tpu.enqueue_dma source(%dma_start3A_335 : memref<12x96xi32, #tpu.memory_space<hbm>>) target(%arg8 : memref<12x96xi32, #tpu.memory_space<vmem>>) target_semaphore(%run_scoped3A : memref<!tpu.dma_semaphore, #tpu.memory_space<semaphore_mem>>)
            %dma_wait3A = arith.constant 0 : i32
            %dma_wait3A_336 = tpu.memref_slice %arg5[%add3A_331, %dma_wait3A] : memref<3456x96xi32, #tpu.memory_space<hbm>> -> memref<12x96xi32, #tpu.memory_space<hbm>>
            %dma_wait3A_337 = arith.constant 0 : i32
            %dma_wait3A_338 = tpu.memref_slice %arg5[%add3A_331, %dma_wait3A_337] : memref<3456x96xi32, #tpu.memory_space<hbm>> -> memref<12x96xi32, #tpu.memory_space<hbm>>
            tpu.wait_dma2 semaphore(%run_scoped3A : memref<!tpu.dma_semaphore, #tpu.memory_space<semaphore_mem>>) src(%dma_wait3A_338 : memref<12x96xi32, #tpu.memory_space<hbm>>) dst(%arg8 : memref<12x96xi32, #tpu.memory_space<vmem>>)
            tpu.yield
          }) : () -> ()
        } else {
        }
        %jit3A_89 = arith.constant 12 : i32
        %eq3A_90 = arith.constant 0 : i32
        %eq3A_91 = arith.cmpi eq, %jit3A_89, %eq3A_90 : i32
        %jit3A_92 = arith.constant 1 : i32
        %select_n3A_93 = arith.select %eq3A_91, %jit3A_92, %jit3A_89 : i32
        %rem3A_94 = arith.remsi %scan3A_41, %select_n3A_93 : i32
        %ne3A_95 = arith.constant 0 : i32
        %ne3A_96 = arith.cmpi ne, %rem3A_94, %ne3A_95 : i32
        %lt3A_97 = arith.constant 0 : i32
        %lt3A_98 = arith.cmpi slt, %rem3A_94, %lt3A_97 : i32
        %lt3A_99 = arith.constant 0 : i32
        %lt3A_100 = arith.cmpi slt, %select_n3A_93, %lt3A_99 : i32
        %ne3A_101 = arith.xori %lt3A_98, %lt3A_100 : i1
        %and3A_102 = arith.andi %ne3A_101, %ne3A_96 : i1
        %add3A_103 = arith.addi %rem3A_94, %select_n3A_93 : i32
        %select_n3A_104 = arith.select %and3A_102, %add3A_103, %rem3A_94 : i32
        %get3A = arith.index_cast %select_n3A_104 : i32 to index
        %get3A_105 = arith.constant 0 : index
        %get3A_106 = tpu.vector_load %arg8[%get3A, %get3A_105] {strides = array<i32>} : memref<12x96xi32, #tpu.memory_space<vmem>>, vector<1x16xi32>,
        %get3A_107 = vector.shape_cast %get3A_106 : vector<1x16xi32> to vector<16xi32>
        %and3A_108 = arith.constant 16383 : i32
        %and3A_109 = vector.broadcast %and3A_108 : i32 to vector<16xi32>
        %and3A_110 = arith.andi %get3A_107, %and3A_109 : vector<16xi32>
        %swap3A = arith.index_cast %select_n3A_50 : i32 to index
        %swap3A_111 = arith.constant 0 : index
        %swap3A_112 = tpu.vector_load %arg9[%swap3A, %swap3A_111] {strides = array<i32>} : memref<2x96xi32, #tpu.memory_space<vmem>>, vector<1x16xi32>,
        %swap3A_113 = vector.shape_cast %swap3A_112 : vector<1x16xi32> to vector<16xi32>
        %swap3A_114 = vector.shape_cast %and3A_110 : vector<16xi32> to vector<1x16xi32>
        tpu.vector_store %arg9[%swap3A, %swap3A_111], %swap3A_114 {strides = array<i32>} : memref<2x96xi32, #tpu.memory_space<vmem>>, vector<1x16xi32>,
        %shift_right_arithmetic3A = arith.constant 14 : i32
        %shift_right_arithmetic3A_115 = vector.broadcast %shift_right_arithmetic3A : i32 to vector<16xi32>
        %shift_right_arithmetic3A_116 = arith.shrsi %get3A_107, %shift_right_arithmetic3A_115 : vector<16xi32>
        %swap3A_117 = arith.index_cast %select_n3A_50 : i32 to index
        %swap3A_118 = arith.constant 0 : index
        %swap3A_119 = tpu.vector_load %arg10[%swap3A_117, %swap3A_118] {strides = array<i32>} : memref<2x96xi32, #tpu.memory_space<vmem>>, vector<1x16xi32>,
        %swap3A_120 = vector.shape_cast %swap3A_119 : vector<1x16xi32> to vector<16xi32>
        %swap3A_121 = vector.shape_cast %shift_right_arithmetic3A_116 : vector<16xi32> to vector<1x16xi32>
        tpu.vector_store %arg10[%swap3A_117, %swap3A_118], %swap3A_121 {strides = array<i32>} : memref<2x96xi32, #tpu.memory_space<vmem>>, vector<1x16xi32>,
        %jit3A_122 = arith.constant 12 : i32
        %eq3A_123 = arith.constant 0 : i32
        %eq3A_124 = arith.cmpi eq, %jit3A_122, %eq3A_123 : i32
        %jit3A_125 = arith.constant 1 : i32
        %select_n3A_126 = arith.select %eq3A_124, %jit3A_125, %jit3A_122 : i32
        %rem3A_127 = arith.remsi %scan3A_41, %select_n3A_126 : i32
        %ne3A_128 = arith.constant 0 : i32
        %ne3A_129 = arith.cmpi ne, %rem3A_127, %ne3A_128 : i32
        %lt3A_130 = arith.constant 0 : i32
        %lt3A_131 = arith.cmpi slt, %rem3A_127, %lt3A_130 : i32
        %lt3A_132 = arith.constant 0 : i32
        %lt3A_133 = arith.cmpi slt, %select_n3A_126, %lt3A_132 : i32
        %ne3A_134 = arith.xori %lt3A_131, %lt3A_133 : i1
        %and3A_135 = arith.andi %ne3A_134, %ne3A_129 : i1
        %add3A_136 = arith.addi %rem3A_127, %select_n3A_126 : i32
        %select_n3A_137 = arith.select %and3A_135, %add3A_136, %rem3A_127 : i32
        %get3A_138 = arith.index_cast %select_n3A_137 : i32 to index
        %get3A_139 = arith.constant 16 : index
        %get3A_140 = tpu.vector_load %arg8[%get3A_138, %get3A_139] {strides = array<i32>} : memref<12x96xi32, #tpu.memory_space<vmem>>, vector<1x16xi32>,
        %get3A_141 = vector.shape_cast %get3A_140 : vector<1x16xi32> to vector<16xi32>
        %and3A_142 = arith.constant 16383 : i32
        %and3A_143 = vector.broadcast %and3A_142 : i32 to vector<16xi32>
        %and3A_144 = arith.andi %get3A_141, %and3A_143 : vector<16xi32>
        %swap3A_145 = arith.index_cast %select_n3A_50 : i32 to index
        %swap3A_146 = arith.constant 16 : index
        %swap3A_147 = tpu.vector_load %arg9[%swap3A_145, %swap3A_146] {strides = array<i32>} : memref<2x96xi32, #tpu.memory_space<vmem>>, vector<1x16xi32>,
        %swap3A_148 = vector.shape_cast %swap3A_147 : vector<1x16xi32> to vector<16xi32>
        %swap3A_149 = vector.shape_cast %and3A_144 : vector<16xi32> to vector<1x16xi32>
        tpu.vector_store %arg9[%swap3A_145, %swap3A_146], %swap3A_149 {strides = array<i32>} : memref<2x96xi32, #tpu.memory_space<vmem>>, vector<1x16xi32>,
        %shift_right_arithmetic3A_150 = arith.constant 14 : i32
        %shift_right_arithmetic3A_151 = vector.broadcast %shift_right_arithmetic3A_150 : i32 to vector<16xi32>
        %shift_right_arithmetic3A_152 = arith.shrsi %get3A_141, %shift_right_arithmetic3A_151 : vector<16xi32>
        %swap3A_153 = arith.index_cast %select_n3A_50 : i32 to index
        %swap3A_154 = arith.constant 16 : index
        %swap3A_155 = tpu.vector_load %arg10[%swap3A_153, %swap3A_154] {strides = array<i32>} : memref<2x96xi32, #tpu.memory_space<vmem>>, vector<1x16xi32>,
        %swap3A_156 = vector.shape_cast %swap3A_155 : vector<1x16xi32> to vector<16xi32>
        %swap3A_157 = vector.shape_cast %shift_right_arithmetic3A_152 : vector<16xi32> to vector<1x16xi32>
        tpu.vector_store %arg10[%swap3A_153, %swap3A_154], %swap3A_157 {strides = array<i32>} : memref<2x96xi32, #tpu.memory_space<vmem>>, vector<1x16xi32>,
        %jit3A_158 = arith.constant 12 : i32
        %eq3A_159 = arith.constant 0 : i32
        %eq3A_160 = arith.cmpi eq, %jit3A_158, %eq3A_159 : i32
        %jit3A_161 = arith.constant 1 : i32
        %select_n3A_162 = arith.select %eq3A_160, %jit3A_161, %jit3A_158 : i32
        %rem3A_163 = arith.remsi %scan3A_41, %select_n3A_162 : i32
        %ne3A_164 = arith.constant 0 : i32
        %ne3A_165 = arith.cmpi ne, %rem3A_163, %ne3A_164 : i32
        %lt3A_166 = arith.constant 0 : i32
        %lt3A_167 = arith.cmpi slt, %rem3A_163, %lt3A_166 : i32
        %lt3A_168 = arith.constant 0 : i32
        %lt3A_169 = arith.cmpi slt, %select_n3A_162, %lt3A_168 : i32
        %ne3A_170 = arith.xori %lt3A_167, %lt3A_169 : i1
        %and3A_171 = arith.andi %ne3A_170, %ne3A_165 : i1
        %add3A_172 = arith.addi %rem3A_163, %select_n3A_162 : i32
        %select_n3A_173 = arith.select %and3A_171, %add3A_172, %rem3A_163 : i32
        %get3A_174 = arith.index_cast %select_n3A_173 : i32 to index
        %get3A_175 = arith.constant 32 : index
        %get3A_176 = tpu.vector_load %arg8[%get3A_174, %get3A_175] {strides = array<i32>} : memref<12x96xi32, #tpu.memory_space<vmem>>, vector<1x16xi32>,
        %get3A_177 = vector.shape_cast %get3A_176 : vector<1x16xi32> to vector<16xi32>
        %and3A_178 = arith.constant 16383 : i32
        %and3A_179 = vector.broadcast %and3A_178 : i32 to vector<16xi32>
        %and3A_180 = arith.andi %get3A_177, %and3A_179 : vector<16xi32>
        %swap3A_181 = arith.index_cast %select_n3A_50 : i32 to index
        %swap3A_182 = arith.constant 32 : index
        %swap3A_183 = tpu.vector_load %arg9[%swap3A_181, %swap3A_182] {strides = array<i32>} : memref<2x96xi32, #tpu.memory_space<vmem>>, vector<1x16xi32>,
        %swap3A_184 = vector.shape_cast %swap3A_183 : vector<1x16xi32> to vector<16xi32>
        %swap3A_185 = vector.shape_cast %and3A_180 : vector<16xi32> to vector<1x16xi32>
        tpu.vector_store %arg9[%swap3A_181, %swap3A_182], %swap3A_185 {strides = array<i32>} : memref<2x96xi32, #tpu.memory_space<vmem>>, vector<1x16xi32>,
        %shift_right_arithmetic3A_186 = arith.constant 14 : i32
        %shift_right_arithmetic3A_187 = vector.broadcast %shift_right_arithmetic3A_186 : i32 to vector<16xi32>
        %shift_right_arithmetic3A_188 = arith.shrsi %get3A_177, %shift_right_arithmetic3A_187 : vector<16xi32>
        %swap3A_189 = arith.index_cast %select_n3A_50 : i32 to index
        %swap3A_190 = arith.constant 32 : index
        %swap3A_191 = tpu.vector_load %arg10[%swap3A_189, %swap3A_190] {strides = array<i32>} : memref<2x96xi32, #tpu.memory_space<vmem>>, vector<1x16xi32>,
        %swap3A_192 = vector.shape_cast %swap3A_191 : vector<1x16xi32> to vector<16xi32>
        %swap3A_193 = vector.shape_cast %shift_right_arithmetic3A_188 : vector<16xi32> to vector<1x16xi32>
        tpu.vector_store %arg10[%swap3A_189, %swap3A_190], %swap3A_193 {strides = array<i32>} : memref<2x96xi32, #tpu.memory_space<vmem>>, vector<1x16xi32>,
        %jit3A_194 = arith.constant 12 : i32
        %eq3A_195 = arith.constant 0 : i32
        %eq3A_196 = arith.cmpi eq, %jit3A_194, %eq3A_195 : i32
        %jit3A_197 = arith.constant 1 : i32
        %select_n3A_198 = arith.select %eq3A_196, %jit3A_197, %jit3A_194 : i32
        %rem3A_199 = arith.remsi %scan3A_41, %select_n3A_198 : i32
        %ne3A_200 = arith.constant 0 : i32
        %ne3A_201 = arith.cmpi ne, %rem3A_199, %ne3A_200 : i32
        %lt3A_202 = arith.constant 0 : i32
        %lt3A_203 = arith.cmpi slt, %rem3A_199, %lt3A_202 : i32
        %lt3A_204 = arith.constant 0 : i32
        %lt3A_205 = arith.cmpi slt, %select_n3A_198, %lt3A_204 : i32
        %ne3A_206 = arith.xori %lt3A_203, %lt3A_205 : i1
        %and3A_207 = arith.andi %ne3A_206, %ne3A_201 : i1
        %add3A_208 = arith.addi %rem3A_199, %select_n3A_198 : i32
        %select_n3A_209 = arith.select %and3A_207, %add3A_208, %rem3A_199 : i32
        %get3A_210 = arith.index_cast %select_n3A_209 : i32 to index
        %get3A_211 = arith.constant 48 : index
        %get3A_212 = tpu.vector_load %arg8[%get3A_210, %get3A_211] {strides = array<i32>} : memref<12x96xi32, #tpu.memory_space<vmem>>, vector<1x16xi32>,
        %get3A_213 = vector.shape_cast %get3A_212 : vector<1x16xi32> to vector<16xi32>
        %and3A_214 = arith.constant 16383 : i32
        %and3A_215 = vector.broadcast %and3A_214 : i32 to vector<16xi32>
        %and3A_216 = arith.andi %get3A_213, %and3A_215 : vector<16xi32>
        %swap3A_217 = arith.index_cast %select_n3A_50 : i32 to index
        %swap3A_218 = arith.constant 48 : index
        %swap3A_219 = tpu.vector_load %arg9[%swap3A_217, %swap3A_218] {strides = array<i32>} : memref<2x96xi32, #tpu.memory_space<vmem>>, vector<1x16xi32>,
        %swap3A_220 = vector.shape_cast %swap3A_219 : vector<1x16xi32> to vector<16xi32>
        %swap3A_221 = vector.shape_cast %and3A_216 : vector<16xi32> to vector<1x16xi32>
        tpu.vector_store %arg9[%swap3A_217, %swap3A_218], %swap3A_221 {strides = array<i32>} : memref<2x96xi32, #tpu.memory_space<vmem>>, vector<1x16xi32>,
        %shift_right_arithmetic3A_222 = arith.constant 14 : i32
        %shift_right_arithmetic3A_223 = vector.broadcast %shift_right_arithmetic3A_222 : i32 to vector<16xi32>
        %shift_right_arithmetic3A_224 = arith.shrsi %get3A_213, %shift_right_arithmetic3A_223 : vector<16xi32>
        %swap3A_225 = arith.index_cast %select_n3A_50 : i32 to index
        %swap3A_226 = arith.constant 48 : index
        %swap3A_227 = tpu.vector_load %arg10[%swap3A_225, %swap3A_226] {strides = array<i32>} : memref<2x96xi32, #tpu.memory_space<vmem>>, vector<1x16xi32>,
        %swap3A_228 = vector.shape_cast %swap3A_227 : vector<1x16xi32> to vector<16xi32>
        %swap3A_229 = vector.shape_cast %shift_right_arithmetic3A_224 : vector<16xi32> to vector<1x16xi32>
        tpu.vector_store %arg10[%swap3A_225, %swap3A_226], %swap3A_229 {strides = array<i32>} : memref<2x96xi32, #tpu.memory_space<vmem>>, vector<1x16xi32>,
        %jit3A_230 = arith.constant 12 : i32
        %eq3A_231 = arith.constant 0 : i32
        %eq3A_232 = arith.cmpi eq, %jit3A_230, %eq3A_231 : i32
        %jit3A_233 = arith.constant 1 : i32
        %select_n3A_234 = arith.select %eq3A_232, %jit3A_233, %jit3A_230 : i32
        %rem3A_235 = arith.remsi %scan3A_41, %select_n3A_234 : i32
        %ne3A_236 = arith.constant 0 : i32
        %ne3A_237 = arith.cmpi ne, %rem3A_235, %ne3A_236 : i32
        %lt3A_238 = arith.constant 0 : i32
        %lt3A_239 = arith.cmpi slt, %rem3A_235, %lt3A_238 : i32
        %lt3A_240 = arith.constant 0 : i32
        %lt3A_241 = arith.cmpi slt, %select_n3A_234, %lt3A_240 : i32
        %ne3A_242 = arith.xori %lt3A_239, %lt3A_241 : i1
        %and3A_243 = arith.andi %ne3A_242, %ne3A_237 : i1
        %add3A_244 = arith.addi %rem3A_235, %select_n3A_234 : i32
        %select_n3A_245 = arith.select %and3A_243, %add3A_244, %rem3A_235 : i32
        %get3A_246 = arith.index_cast %select_n3A_245 : i32 to index
        %get3A_247 = arith.constant 64 : index
        %get3A_248 = tpu.vector_load %arg8[%get3A_246, %get3A_247] {strides = array<i32>} : memref<12x96xi32, #tpu.memory_space<vmem>>, vector<1x16xi32>,
        %get3A_249 = vector.shape_cast %get3A_248 : vector<1x16xi32> to vector<16xi32>
        %and3A_250 = arith.constant 16383 : i32
        %and3A_251 = vector.broadcast %and3A_250 : i32 to vector<16xi32>
        %and3A_252 = arith.andi %get3A_249, %and3A_251 : vector<16xi32>
        %swap3A_253 = arith.index_cast %select_n3A_50 : i32 to index
        %swap3A_254 = arith.constant 64 : index
        %swap3A_255 = tpu.vector_load %arg9[%swap3A_253, %swap3A_254] {strides = array<i32>} : memref<2x96xi32, #tpu.memory_space<vmem>>, vector<1x16xi32>,
        %swap3A_256 = vector.shape_cast %swap3A_255 : vector<1x16xi32> to vector<16xi32>
        %swap3A_257 = vector.shape_cast %and3A_252 : vector<16xi32> to vector<1x16xi32>
        tpu.vector_store %arg9[%swap3A_253, %swap3A_254], %swap3A_257 {strides = array<i32>} : memref<2x96xi32, #tpu.memory_space<vmem>>, vector<1x16xi32>,
        %shift_right_arithmetic3A_258 = arith.constant 14 : i32
        %shift_right_arithmetic3A_259 = vector.broadcast %shift_right_arithmetic3A_258 : i32 to vector<16xi32>
        %shift_right_arithmetic3A_260 = arith.shrsi %get3A_249, %shift_right_arithmetic3A_259 : vector<16xi32>
        %swap3A_261 = arith.index_cast %select_n3A_50 : i32 to index
        %swap3A_262 = arith.constant 64 : index
        %swap3A_263 = tpu.vector_load %arg10[%swap3A_261, %swap3A_262] {strides = array<i32>} : memref<2x96xi32, #tpu.memory_space<vmem>>, vector<1x16xi32>,
        %swap3A_264 = vector.shape_cast %swap3A_263 : vector<1x16xi32> to vector<16xi32>
        %swap3A_265 = vector.shape_cast %shift_right_arithmetic3A_260 : vector<16xi32> to vector<1x16xi32>
        tpu.vector_store %arg10[%swap3A_261, %swap3A_262], %swap3A_265 {strides = array<i32>} : memref<2x96xi32, #tpu.memory_space<vmem>>, vector<1x16xi32>,
        %jit3A_266 = arith.constant 12 : i32
        %eq3A_267 = arith.constant 0 : i32
        %eq3A_268 = arith.cmpi eq, %jit3A_266, %eq3A_267 : i32
        %jit3A_269 = arith.constant 1 : i32
        %select_n3A_270 = arith.select %eq3A_268, %jit3A_269, %jit3A_266 : i32
        %rem3A_271 = arith.remsi %scan3A_41, %select_n3A_270 : i32
        %ne3A_272 = arith.constant 0 : i32
        %ne3A_273 = arith.cmpi ne, %rem3A_271, %ne3A_272 : i32
        %lt3A_274 = arith.constant 0 : i32
        %lt3A_275 = arith.cmpi slt, %rem3A_271, %lt3A_274 : i32
        %lt3A_276 = arith.constant 0 : i32
        %lt3A_277 = arith.cmpi slt, %select_n3A_270, %lt3A_276 : i32
        %ne3A_278 = arith.xori %lt3A_275, %lt3A_277 : i1
        %and3A_279 = arith.andi %ne3A_278, %ne3A_273 : i1
        %add3A_280 = arith.addi %rem3A_271, %select_n3A_270 : i32
        %select_n3A_281 = arith.select %and3A_279, %add3A_280, %rem3A_271 : i32
        %get3A_282 = arith.index_cast %select_n3A_281 : i32 to index
        %get3A_283 = arith.constant 80 : index
        %get3A_284 = tpu.vector_load %arg8[%get3A_282, %get3A_283] {strides = array<i32>} : memref<12x96xi32, #tpu.memory_space<vmem>>, vector<1x16xi32>,
        %get3A_285 = vector.shape_cast %get3A_284 : vector<1x16xi32> to vector<16xi32>
        %and3A_286 = arith.constant 16383 : i32
        %and3A_287 = vector.broadcast %and3A_286 : i32 to vector<16xi32>
        %and3A_288 = arith.andi %get3A_285, %and3A_287 : vector<16xi32>
        %swap3A_289 = arith.index_cast %select_n3A_50 : i32 to index
        %swap3A_290 = arith.constant 80 : index
        %swap3A_291 = tpu.vector_load %arg9[%swap3A_289, %swap3A_290] {strides = array<i32>} : memref<2x96xi32, #tpu.memory_space<vmem>>, vector<1x16xi32>,
        %swap3A_292 = vector.shape_cast %swap3A_291 : vector<1x16xi32> to vector<16xi32>
        %swap3A_293 = vector.shape_cast %and3A_288 : vector<16xi32> to vector<1x16xi32>
        tpu.vector_store %arg9[%swap3A_289, %swap3A_290], %swap3A_293 {strides = array<i32>} : memref<2x96xi32, #tpu.memory_space<vmem>>, vector<1x16xi32>,
        %shift_right_arithmetic3A_294 = arith.constant 14 : i32
        %shift_right_arithmetic3A_295 = vector.broadcast %shift_right_arithmetic3A_294 : i32 to vector<16xi32>
        %shift_right_arithmetic3A_296 = arith.shrsi %get3A_285, %shift_right_arithmetic3A_295 : vector<16xi32>
        %swap3A_297 = arith.index_cast %select_n3A_50 : i32 to index
        %swap3A_298 = arith.constant 80 : index
        %swap3A_299 = tpu.vector_load %arg10[%swap3A_297, %swap3A_298] {strides = array<i32>} : memref<2x96xi32, #tpu.memory_space<vmem>>, vector<1x16xi32>,
        %swap3A_300 = vector.shape_cast %swap3A_299 : vector<1x16xi32> to vector<16xi32>
        %swap3A_301 = vector.shape_cast %shift_right_arithmetic3A_296 : vector<16xi32> to vector<1x16xi32>
        tpu.vector_store %arg10[%swap3A_297, %swap3A_298], %swap3A_301 {strides = array<i32>} : memref<2x96xi32, #tpu.memory_space<vmem>>, vector<1x16xi32>,
        %mul3A_302 = arith.constant 96 : i32
        %mul3A_303 = arith.muli %select_n3A_50, %mul3A_302 : i32
        %dma_start3A = arith.constant 0 : i32
        %dma_start3A_304 = tpu.memref_slice %arg11[%mul3A_303, %dma_start3A] : memref<192x128xf32, #tpu.memory_space<vmem>> -> memref<96x128xf32, #tpu.memory_space<vmem>>
        %dma_start3A_305 = arith.constant 0 : i32
        %dma_start3A_306 = tpu.memref_slice %arg9[%select_n3A_50, %dma_start3A_305] : memref<2x96xi32, #tpu.memory_space<vmem>> -> memref<1x96xi32, #tpu.memory_space<vmem>>
        %dma_start3A_307 = tpu.memref_squeeze %dma_start3A_306 : memref<1x96xi32, #tpu.memory_space<vmem>> -> memref<96xi32, #tpu.memory_space<vmem>>
        %dma_start3A_308 = arith.constant 0 : i32
        %dma_start3A_309 = arith.constant 0 : i32
        %dma_start3A_310 = tpu.memref_slice %arg2[%dma_start3A_308, %dma_start3A_309] : memref<10176x128xf32, #tpu.memory_space<hbm>> -> memref<10176x128xf32, #tpu.memory_space<hbm>>
        tpu.enqueue_indirect_dma source(%dma_start3A_310 : memref<10176x128xf32, #tpu.memory_space<hbm>>) target(%dma_start3A_304 : memref<96x128xf32, #tpu.memory_space<vmem>>) offsets(%dma_start3A_307 : memref<96xi32, #tpu.memory_space<vmem>>) semaphore(%arg19 : memref<!tpu.dma_semaphore, #tpu.memory_space<semaphore_mem>>)
        %mul3A_311 = arith.constant 96 : i32
        %mul3A_312 = arith.muli %select_n3A_50, %mul3A_311 : i32
        %dma_start3A_313 = arith.constant 0 : i32
        %dma_start3A_314 = tpu.memref_slice %arg12[%mul3A_312, %dma_start3A_313] : memref<192x16xf32, #tpu.memory_space<vmem>> -> memref<96x16xf32, #tpu.memory_space<vmem>>
        %dma_start3A_315 = arith.constant 0 : i32
        %dma_start3A_316 = tpu.memref_slice %arg10[%select_n3A_50, %dma_start3A_315] : memref<2x96xi32, #tpu.memory_space<vmem>> -> memref<1x96xi32, #tpu.memory_space<vmem>>
        %dma_start3A_317 = tpu.memref_squeeze %dma_start3A_316 : memref<1x96xi32, #tpu.memory_space<vmem>> -> memref<96xi32, #tpu.memory_space<vmem>>
        %dma_start3A_318 = arith.constant 0 : i32
        %dma_start3A_319 = arith.constant 0 : i32
        %dma_start3A_320 = tpu.memref_slice %arg3[%dma_start3A_318, %dma_start3A_319] : memref<10176x16xf32, #tpu.memory_space<hbm>> -> memref<10176x16xf32, #tpu.memory_space<hbm>>
        tpu.enqueue_indirect_dma source(%dma_start3A_320 : memref<10176x16xf32, #tpu.memory_space<hbm>>) target(%dma_start3A_314 : memref<96x16xf32, #tpu.memory_space<vmem>>) offsets(%dma_start3A_317 : memref<96xi32, #tpu.memory_space<vmem>>) semaphore(%arg19 : memref<!tpu.dma_semaphore, #tpu.memory_space<semaphore_mem>>)
        %mul3A_321 = arith.constant 96 : i32
        %mul3A_322 = arith.muli %select_n3A_50, %mul3A_321 : i32
        %dma_start3A_323 = arith.constant 0 : i32
        %dma_start3A_324 = tpu.memref_slice %arg13[%mul3A_322, %dma_start3A_323] : memref<192x16xf32, #tpu.memory_space<vmem>> -> memref<96x16xf32, #tpu.memory_space<vmem>>
        %dma_start3A_325 = arith.constant 0 : i32
        %dma_start3A_326 = tpu.memref_slice %arg9[%select_n3A_50, %dma_start3A_325] : memref<2x96xi32, #tpu.memory_space<vmem>> -> memref<1x96xi32, #tpu.memory_space<vmem>>
        %dma_start3A_327 = tpu.memref_squeeze %dma_start3A_326 : memref<1x96xi32, #tpu.memory_space<vmem>> -> memref<96xi32, #tpu.memory_space<vmem>>
        %dma_start3A_328 = arith.constant 0 : i32
        %dma_start3A_329 = arith.constant 0 : i32
        %dma_start3A_330 = tpu.memref_slice %arg4[%dma_start3A_328, %dma_start3A_329] : memref<10176x16xf32, #tpu.memory_space<hbm>> -> memref<10176x16xf32, #tpu.memory_space<hbm>>
        tpu.enqueue_indirect_dma source(%dma_start3A_330 : memref<10176x16xf32, #tpu.memory_space<hbm>>) target(%dma_start3A_324 : memref<96x16xf32, #tpu.memory_space<vmem>>) offsets(%dma_start3A_327 : memref<96xi32, #tpu.memory_space<vmem>>) semaphore(%arg19 : memref<!tpu.dma_semaphore, #tpu.memory_space<semaphore_mem>>)
      } else {
      }
      %ge3A_60 = arith.constant 1 : i32
      %ge3A_61 = arith.cmpi sge, %scan3A_41, %ge3A_60 : i32
      %le3A_62 = arith.constant 108 : i32
      %le3A_63 = arith.cmpi sle, %scan3A_41, %le3A_62 : i32
      %and3A_64 = arith.andi %ge3A_61, %le3A_63 : i1
      %convert_element_type3A_65 = arith.extui %and3A_64 : i1 to i32
      %cond3A_66 = arith.constant 0 : i32
      %cond3A_67 = arith.cmpi ne, %convert_element_type3A_65, %cond3A_66 : i32
      scf.if %cond3A_67 {
        %sub3A = arith.constant 1 : i32
        %sub3A_68 = arith.subi %sub3A, %select_n3A_50 : i32
        %mul3A_69 = arith.constant 96 : i32
        %mul3A_70 = arith.muli %sub3A_68, %mul3A_69 : i32
        %dma_wait3A = arith.constant 0 : i32
        %dma_wait3A_71 = tpu.memref_slice %arg11[%mul3A_70, %dma_wait3A] : memref<192x128xf32, #tpu.memory_space<vmem>> -> memref<96x128xf32, #tpu.memory_space<vmem>>
        %dma_wait3A_72 = arith.constant 0 : i32
        %dma_wait3A_73 = tpu.memref_slice %arg9[%sub3A_68, %dma_wait3A_72] : memref<2x96xi32, #tpu.memory_space<vmem>> -> memref<1x96xi32, #tpu.memory_space<vmem>>
        %dma_wait3A_74 = tpu.memref_squeeze %dma_wait3A_73 : memref<1x96xi32, #tpu.memory_space<vmem>> -> memref<96xi32, #tpu.memory_space<vmem>>
        %dma_wait3A_75 = arith.constant 0 : i32
        %dma_wait3A_76 = arith.constant 0 : i32
        %dma_wait3A_77 = tpu.memref_slice %arg2[%dma_wait3A_75, %dma_wait3A_76] : memref<10176x128xf32, #tpu.memory_space<hbm>> -> memref<10176x128xf32, #tpu.memory_space<hbm>>
        tpu.wait_indirect_dma semaphore(%arg19 : memref<!tpu.dma_semaphore, #tpu.memory_space<semaphore_mem>>) src(%dma_wait3A_77 : memref<10176x128xf32, #tpu.memory_space<hbm>>) dst(%dma_wait3A_71 : memref<96x128xf32, #tpu.memory_space<vmem>>)
        %mul3A_78 = arith.constant 96 : i32
        %mul3A_79 = arith.muli %sub3A_68, %mul3A_78 : i32
        %dma_wait3A_80 = arith.constant 0 : i32
        %dma_wait3A_81 = tpu.memref_slice %arg12[%mul3A_79, %dma_wait3A_80] : memref<192x16xf32, #tpu.memory_space<vmem>> -> memref<96x16xf32, #tpu.memory_space<vmem>>
        %dma_wait3A_82 = arith.constant 0 : i32
        %dma_wait3A_83 = tpu.memref_slice %arg10[%sub3A_68, %dma_wait3A_82] : memref<2x96xi32, #tpu.memory_space<vmem>> -> memref<1x96xi32, #tpu.memory_space<vmem>>
        %dma_wait3A_84 = tpu.memref_squeeze %dma_wait3A_83 : memref<1x96xi32, #tpu.memory_space<vmem>> -> memref<96xi32, #tpu.memory_space<vmem>>
        %dma_wait3A_85 = arith.constant 0 : i32
        %dma_wait3A_86 = arith.constant 0 : i32
        %dma_wait3A_87 = tpu.memref_slice %arg3[%dma_wait3A_85, %dma_wait3A_86] : memref<10176x16xf32, #tpu.memory_space<hbm>> -> memref<10176x16xf32, #tpu.memory_space<hbm>>
        tpu.wait_indirect_dma semaphore(%arg19 : memref<!tpu.dma_semaphore, #tpu.memory_space<semaphore_mem>>) src(%dma_wait3A_87 : memref<10176x16xf32, #tpu.memory_space<hbm>>) dst(%dma_wait3A_81 : memref<96x16xf32, #tpu.memory_space<vmem>>)
        %mul3A_88 = arith.constant 96 : i32
        %mul3A_89 = arith.muli %sub3A_68, %mul3A_88 : i32
        %dma_wait3A_90 = arith.constant 0 : i32
        %dma_wait3A_91 = tpu.memref_slice %arg13[%mul3A_89, %dma_wait3A_90] : memref<192x16xf32, #tpu.memory_space<vmem>> -> memref<96x16xf32, #tpu.memory_space<vmem>>
        %dma_wait3A_92 = arith.constant 0 : i32
        %dma_wait3A_93 = tpu.memref_slice %arg9[%sub3A_68, %dma_wait3A_92] : memref<2x96xi32, #tpu.memory_space<vmem>> -> memref<1x96xi32, #tpu.memory_space<vmem>>
        %dma_wait3A_94 = tpu.memref_squeeze %dma_wait3A_93 : memref<1x96xi32, #tpu.memory_space<vmem>> -> memref<96xi32, #tpu.memory_space<vmem>>
        %dma_wait3A_95 = arith.constant 0 : i32
        %dma_wait3A_96 = arith.constant 0 : i32
        %dma_wait3A_97 = tpu.memref_slice %arg4[%dma_wait3A_95, %dma_wait3A_96] : memref<10176x16xf32, #tpu.memory_space<hbm>> -> memref<10176x16xf32, #tpu.memory_space<hbm>>
        tpu.wait_indirect_dma semaphore(%arg19 : memref<!tpu.dma_semaphore, #tpu.memory_space<semaphore_mem>>) src(%dma_wait3A_97 : memref<10176x16xf32, #tpu.memory_space<hbm>>) dst(%dma_wait3A_91 : memref<96x16xf32, #tpu.memory_space<vmem>>)
        %mul3A_98 = arith.constant 96 : i32
        %mul3A_99 = arith.muli %sub3A_68, %mul3A_98 : i32
        %parallel_loop3A = arith.constant 0 : i32
        %parallel_loop3A_100 = arith.constant 96 : i32
        %parallel_loop3A_101 = arith.constant 1 : i32
        scf.for %parallel_loop3A_117 = %parallel_loop3A to %parallel_loop3A_100 step %parallel_loop3A_101  : i32 {
          %parallel_loop3A_118 = arith.addi %mul3A_99, %parallel_loop3A_117 : i32
          %parallel_loop3A_119 = arith.index_cast %parallel_loop3A_118 : i32 to index
          %parallel_loop3A_120 = arith.constant 0 : index
          %parallel_loop3A_121 = tpu.vector_load %arg12[%parallel_loop3A_119, %parallel_loop3A_120] {strides = array<i32>} : memref<192x16xf32, #tpu.memory_space<vmem>>, vector<1x16xf32>,
          %parallel_loop3A_122 = vector.shape_cast %parallel_loop3A_121 : vector<1x16xf32> to vector<16xf32>
          %parallel_loop3A_123 = arith.index_cast %parallel_loop3A_118 : i32 to index
          %parallel_loop3A_124 = arith.constant 0 : index
          %parallel_loop3A_125 = tpu.vector_load %arg13[%parallel_loop3A_123, %parallel_loop3A_124] {strides = array<i32>} : memref<192x16xf32, #tpu.memory_space<vmem>>, vector<1x16xf32>,
          %parallel_loop3A_126 = vector.shape_cast %parallel_loop3A_125 : vector<1x16xf32> to vector<16xf32>
          %parallel_loop3A_127 = arith.addf %parallel_loop3A_122, %parallel_loop3A_126 : vector<16xf32>
          %parallel_loop3A_128 = arith.constant 0.000000e+00 : f32
          %parallel_loop3A_129 = vector.broadcast %parallel_loop3A_128 : f32 to vector<16xf32>
          %parallel_loop3A_130 = arith.cmpf oge, %parallel_loop3A_127, %parallel_loop3A_129 : vector<16xf32>
          %parallel_loop3A_131 = arith.constant 2.000000e-01 : f32
          %parallel_loop3A_132 = vector.broadcast %parallel_loop3A_131 : f32 to vector<16xf32>
          %parallel_loop3A_133 = arith.mulf %parallel_loop3A_132, %parallel_loop3A_127 : vector<16xf32>
          %parallel_loop3A_134 = arith.select %parallel_loop3A_130, %parallel_loop3A_127, %parallel_loop3A_133 : vector<16xi1>, vector<16xf32>
          %parallel_loop3A_135 = math.exp %parallel_loop3A_134 : vector<16xf32>
          %parallel_loop3A_136 = arith.index_cast %parallel_loop3A_117 : i32 to index
          %parallel_loop3A_137 = arith.constant 0 : index
          %parallel_loop3A_138 = tpu.vector_load %arg14[%parallel_loop3A_136, %parallel_loop3A_137] {strides = array<i32>} : memref<96x16xf32, #tpu.memory_space<vmem>>, vector<1x16xf32>,
          %parallel_loop3A_139 = vector.shape_cast %parallel_loop3A_138 : vector<1x16xf32> to vector<16xf32>
          %parallel_loop3A_140 = vector.shape_cast %parallel_loop3A_135 : vector<16xf32> to vector<1x16xf32>
          tpu.vector_store %arg14[%parallel_loop3A_136, %parallel_loop3A_137], %parallel_loop3A_140 {strides = array<i32>} : memref<96x16xf32, #tpu.memory_space<vmem>>, vector<1x16xf32>,
          %parallel_loop3A_141 = arith.constant 0 : i32
          %parallel_loop3A_142 = vector.broadcast %parallel_loop3A_141 : i32 to vector<16xi32>
          %parallel_loop3A_143 = arith.constant 0 : i32
          %parallel_loop3A_144 = vector.broadcast %parallel_loop3A_143 : i32 to vector<16xi32>
          %parallel_loop3A_145 = arith.cmpi slt, %parallel_loop3A_142, %parallel_loop3A_144 : vector<16xi32>
          %parallel_loop3A_146 = arith.constant 16 : i32
          %parallel_loop3A_147 = vector.broadcast %parallel_loop3A_146 : i32 to vector<16xi32>
          %parallel_loop3A_148 = arith.addi %parallel_loop3A_142, %parallel_loop3A_147 : vector<16xi32>
          %parallel_loop3A_149 = arith.select %parallel_loop3A_145, %parallel_loop3A_148, %parallel_loop3A_142 : vector<16xi1>, vector<16xi32>
          %parallel_loop3A_150 = vector.shape_cast %parallel_loop3A_149 : vector<16xi32> to vector<16x1xi32>
          %parallel_loop3A_151 = vector.shape_cast %parallel_loop3A_150 : vector<16x1xi32> to vector<16xi32>
          %parallel_loop3A_152 = tpu.dynamic_gather %parallel_loop3A_135[%parallel_loop3A_151] in [0] : vector<16xf32>, vector<16xi32> -> vector<16xf32>
          %parallel_loop3A_153 = arith.index_cast %parallel_loop3A_118 : i32 to index
          %parallel_loop3A_154 = arith.constant 0 : index
          %parallel_loop3A_155 = tpu.vector_load %arg11[%parallel_loop3A_153, %parallel_loop3A_154] {strides = array<i32>} : memref<192x128xf32, #tpu.memory_space<vmem>>, vector<1x16xf32>,
          %parallel_loop3A_156 = vector.shape_cast %parallel_loop3A_155 : vector<1x16xf32> to vector<16xf32>
          %parallel_loop3A_157 = arith.mulf %parallel_loop3A_156, %parallel_loop3A_152 : vector<16xf32>
          %parallel_loop3A_158 = arith.index_cast %parallel_loop3A_118 : i32 to index
          %parallel_loop3A_159 = arith.constant 0 : index
          %parallel_loop3A_160 = tpu.vector_load %arg11[%parallel_loop3A_158, %parallel_loop3A_159] {strides = array<i32>} : memref<192x128xf32, #tpu.memory_space<vmem>>, vector<1x16xf32>,
          %parallel_loop3A_161 = vector.shape_cast %parallel_loop3A_160 : vector<1x16xf32> to vector<16xf32>
          %parallel_loop3A_162 = vector.shape_cast %parallel_loop3A_157 : vector<16xf32> to vector<1x16xf32>
          tpu.vector_store %arg11[%parallel_loop3A_158, %parallel_loop3A_159], %parallel_loop3A_162 {strides = array<i32>} : memref<192x128xf32, #tpu.memory_space<vmem>>, vector<1x16xf32>,
          %parallel_loop3A_163 = arith.constant 1 : i32
          %parallel_loop3A_164 = vector.broadcast %parallel_loop3A_163 : i32 to vector<16xi32>
          %parallel_loop3A_165 = arith.constant 0 : i32
          %parallel_loop3A_166 = vector.broadcast %parallel_loop3A_165 : i32 to vector<16xi32>
          %parallel_loop3A_167 = arith.cmpi slt, %parallel_loop3A_164, %parallel_loop3A_166 : vector<16xi32>
          %parallel_loop3A_168 = arith.constant 16 : i32
          %parallel_loop3A_169 = vector.broadcast %parallel_loop3A_168 : i32 to vector<16xi32>
          %parallel_loop3A_170 = arith.addi %parallel_loop3A_164, %parallel_loop3A_169 : vector<16xi32>
          %parallel_loop3A_171 = arith.select %parallel_loop3A_167, %parallel_loop3A_170, %parallel_loop3A_164 : vector<16xi1>, vector<16xi32>
          %parallel_loop3A_172 = vector.shape_cast %parallel_loop3A_171 : vector<16xi32> to vector<16x1xi32>
          %parallel_loop3A_173 = vector.shape_cast %parallel_loop3A_172 : vector<16x1xi32> to vector<16xi32>
          %parallel_loop3A_174 = tpu.dynamic_gather %parallel_loop3A_135[%parallel_loop3A_173] in [0] : vector<16xf32>, vector<16xi32> -> vector<16xf32>
          %parallel_loop3A_175 = arith.index_cast %parallel_loop3A_118 : i32 to index
          %parallel_loop3A_176 = arith.constant 16 : index
          %parallel_loop3A_177 = tpu.vector_load %arg11[%parallel_loop3A_175, %parallel_loop3A_176] {strides = array<i32>} : memref<192x128xf32, #tpu.memory_space<vmem>>, vector<1x16xf32>,
          %parallel_loop3A_178 = vector.shape_cast %parallel_loop3A_177 : vector<1x16xf32> to vector<16xf32>
          %parallel_loop3A_179 = arith.mulf %parallel_loop3A_178, %parallel_loop3A_174 : vector<16xf32>
          %parallel_loop3A_180 = arith.index_cast %parallel_loop3A_118 : i32 to index
          %parallel_loop3A_181 = arith.constant 16 : index
          %parallel_loop3A_182 = tpu.vector_load %arg11[%parallel_loop3A_180, %parallel_loop3A_181] {strides = array<i32>} : memref<192x128xf32, #tpu.memory_space<vmem>>, vector<1x16xf32>,
          %parallel_loop3A_183 = vector.shape_cast %parallel_loop3A_182 : vector<1x16xf32> to vector<16xf32>
          %parallel_loop3A_184 = vector.shape_cast %parallel_loop3A_179 : vector<16xf32> to vector<1x16xf32>
          tpu.vector_store %arg11[%parallel_loop3A_180, %parallel_loop3A_181], %parallel_loop3A_184 {strides = array<i32>} : memref<192x128xf32, #tpu.memory_space<vmem>>, vector<1x16xf32>,
          %parallel_loop3A_185 = arith.constant 2 : i32
          %parallel_loop3A_186 = vector.broadcast %parallel_loop3A_185 : i32 to vector<16xi32>
          %parallel_loop3A_187 = arith.constant 0 : i32
          %parallel_loop3A_188 = vector.broadcast %parallel_loop3A_187 : i32 to vector<16xi32>
          %parallel_loop3A_189 = arith.cmpi slt, %parallel_loop3A_186, %parallel_loop3A_188 : vector<16xi32>
          %parallel_loop3A_190 = arith.constant 16 : i32
          %parallel_loop3A_191 = vector.broadcast %parallel_loop3A_190 : i32 to vector<16xi32>
          %parallel_loop3A_192 = arith.addi %parallel_loop3A_186, %parallel_loop3A_191 : vector<16xi32>
          %parallel_loop3A_193 = arith.select %parallel_loop3A_189, %parallel_loop3A_192, %parallel_loop3A_186 : vector<16xi1>, vector<16xi32>
          %parallel_loop3A_194 = vector.shape_cast %parallel_loop3A_193 : vector<16xi32> to vector<16x1xi32>
          %parallel_loop3A_195 = vector.shape_cast %parallel_loop3A_194 : vector<16x1xi32> to vector<16xi32>
          %parallel_loop3A_196 = tpu.dynamic_gather %parallel_loop3A_135[%parallel_loop3A_195] in [0] : vector<16xf32>, vector<16xi32> -> vector<16xf32>
          %parallel_loop3A_197 = arith.index_cast %parallel_loop3A_118 : i32 to index
          %parallel_loop3A_198 = arith.constant 32 : index
          %parallel_loop3A_199 = tpu.vector_load %arg11[%parallel_loop3A_197, %parallel_loop3A_198] {strides = array<i32>} : memref<192x128xf32, #tpu.memory_space<vmem>>, vector<1x16xf32>,
          %parallel_loop3A_200 = vector.shape_cast %parallel_loop3A_199 : vector<1x16xf32> to vector<16xf32>
          %parallel_loop3A_201 = arith.mulf %parallel_loop3A_200, %parallel_loop3A_196 : vector<16xf32>
          %parallel_loop3A_202 = arith.index_cast %parallel_loop3A_118 : i32 to index
          %parallel_loop3A_203 = arith.constant 32 : index
          %parallel_loop3A_204 = tpu.vector_load %arg11[%parallel_loop3A_202, %parallel_loop3A_203] {strides = array<i32>} : memref<192x128xf32, #tpu.memory_space<vmem>>, vector<1x16xf32>,
          %parallel_loop3A_205 = vector.shape_cast %parallel_loop3A_204 : vector<1x16xf32> to vector<16xf32>
          %parallel_loop3A_206 = vector.shape_cast %parallel_loop3A_201 : vector<16xf32> to vector<1x16xf32>
          tpu.vector_store %arg11[%parallel_loop3A_202, %parallel_loop3A_203], %parallel_loop3A_206 {strides = array<i32>} : memref<192x128xf32, #tpu.memory_space<vmem>>, vector<1x16xf32>,
          %parallel_loop3A_207 = arith.constant 3 : i32
          %parallel_loop3A_208 = vector.broadcast %parallel_loop3A_207 : i32 to vector<16xi32>
          %parallel_loop3A_209 = arith.constant 0 : i32
          %parallel_loop3A_210 = vector.broadcast %parallel_loop3A_209 : i32 to vector<16xi32>
          %parallel_loop3A_211 = arith.cmpi slt, %parallel_loop3A_208, %parallel_loop3A_210 : vector<16xi32>
          %parallel_loop3A_212 = arith.constant 16 : i32
          %parallel_loop3A_213 = vector.broadcast %parallel_loop3A_212 : i32 to vector<16xi32>
          %parallel_loop3A_214 = arith.addi %parallel_loop3A_208, %parallel_loop3A_213 : vector<16xi32>
          %parallel_loop3A_215 = arith.select %parallel_loop3A_211, %parallel_loop3A_214, %parallel_loop3A_208 : vector<16xi1>, vector<16xi32>
          %parallel_loop3A_216 = vector.shape_cast %parallel_loop3A_215 : vector<16xi32> to vector<16x1xi32>
          %parallel_loop3A_217 = vector.shape_cast %parallel_loop3A_216 : vector<16x1xi32> to vector<16xi32>
          %parallel_loop3A_218 = tpu.dynamic_gather %parallel_loop3A_135[%parallel_loop3A_217] in [0] : vector<16xf32>, vector<16xi32> -> vector<16xf32>
          %parallel_loop3A_219 = arith.index_cast %parallel_loop3A_118 : i32 to index
          %parallel_loop3A_220 = arith.constant 48 : index
          %parallel_loop3A_221 = tpu.vector_load %arg11[%parallel_loop3A_219, %parallel_loop3A_220] {strides = array<i32>} : memref<192x128xf32, #tpu.memory_space<vmem>>, vector<1x16xf32>,
          %parallel_loop3A_222 = vector.shape_cast %parallel_loop3A_221 : vector<1x16xf32> to vector<16xf32>
          %parallel_loop3A_223 = arith.mulf %parallel_loop3A_222, %parallel_loop3A_218 : vector<16xf32>
          %parallel_loop3A_224 = arith.index_cast %parallel_loop3A_118 : i32 to index
          %parallel_loop3A_225 = arith.constant 48 : index
          %parallel_loop3A_226 = tpu.vector_load %arg11[%parallel_loop3A_224, %parallel_loop3A_225] {strides = array<i32>} : memref<192x128xf32, #tpu.memory_space<vmem>>, vector<1x16xf32>,
          %parallel_loop3A_227 = vector.shape_cast %parallel_loop3A_226 : vector<1x16xf32> to vector<16xf32>
          %parallel_loop3A_228 = vector.shape_cast %parallel_loop3A_223 : vector<16xf32> to vector<1x16xf32>
          tpu.vector_store %arg11[%parallel_loop3A_224, %parallel_loop3A_225], %parallel_loop3A_228 {strides = array<i32>} : memref<192x128xf32, #tpu.memory_space<vmem>>, vector<1x16xf32>,
          %parallel_loop3A_229 = arith.constant 4 : i32
          %parallel_loop3A_230 = vector.broadcast %parallel_loop3A_229 : i32 to vector<16xi32>
          %parallel_loop3A_231 = arith.constant 0 : i32
          %parallel_loop3A_232 = vector.broadcast %parallel_loop3A_231 : i32 to vector<16xi32>
          %parallel_loop3A_233 = arith.cmpi slt, %parallel_loop3A_230, %parallel_loop3A_232 : vector<16xi32>
          %parallel_loop3A_234 = arith.constant 16 : i32
          %parallel_loop3A_235 = vector.broadcast %parallel_loop3A_234 : i32 to vector<16xi32>
          %parallel_loop3A_236 = arith.addi %parallel_loop3A_230, %parallel_loop3A_235 : vector<16xi32>
          %parallel_loop3A_237 = arith.select %parallel_loop3A_233, %parallel_loop3A_236, %parallel_loop3A_230 : vector<16xi1>, vector<16xi32>
          %parallel_loop3A_238 = vector.shape_cast %parallel_loop3A_237 : vector<16xi32> to vector<16x1xi32>
          %parallel_loop3A_239 = vector.shape_cast %parallel_loop3A_238 : vector<16x1xi32> to vector<16xi32>
          %parallel_loop3A_240 = tpu.dynamic_gather %parallel_loop3A_135[%parallel_loop3A_239] in [0] : vector<16xf32>, vector<16xi32> -> vector<16xf32>
          %parallel_loop3A_241 = arith.index_cast %parallel_loop3A_118 : i32 to index
          %parallel_loop3A_242 = arith.constant 64 : index
          %parallel_loop3A_243 = tpu.vector_load %arg11[%parallel_loop3A_241, %parallel_loop3A_242] {strides = array<i32>} : memref<192x128xf32, #tpu.memory_space<vmem>>, vector<1x16xf32>,
          %parallel_loop3A_244 = vector.shape_cast %parallel_loop3A_243 : vector<1x16xf32> to vector<16xf32>
          %parallel_loop3A_245 = arith.mulf %parallel_loop3A_244, %parallel_loop3A_240 : vector<16xf32>
          %parallel_loop3A_246 = arith.index_cast %parallel_loop3A_118 : i32 to index
          %parallel_loop3A_247 = arith.constant 64 : index
          %parallel_loop3A_248 = tpu.vector_load %arg11[%parallel_loop3A_246, %parallel_loop3A_247] {strides = array<i32>} : memref<192x128xf32, #tpu.memory_space<vmem>>, vector<1x16xf32>,
          %parallel_loop3A_249 = vector.shape_cast %parallel_loop3A_248 : vector<1x16xf32> to vector<16xf32>
          %parallel_loop3A_250 = vector.shape_cast %parallel_loop3A_245 : vector<16xf32> to vector<1x16xf32>
          tpu.vector_store %arg11[%parallel_loop3A_246, %parallel_loop3A_247], %parallel_loop3A_250 {strides = array<i32>} : memref<192x128xf32, #tpu.memory_space<vmem>>, vector<1x16xf32>,
          %parallel_loop3A_251 = arith.constant 5 : i32
          %parallel_loop3A_252 = vector.broadcast %parallel_loop3A_251 : i32 to vector<16xi32>
          %parallel_loop3A_253 = arith.constant 0 : i32
          %parallel_loop3A_254 = vector.broadcast %parallel_loop3A_253 : i32 to vector<16xi32>
          %parallel_loop3A_255 = arith.cmpi slt, %parallel_loop3A_252, %parallel_loop3A_254 : vector<16xi32>
          %parallel_loop3A_256 = arith.constant 16 : i32
          %parallel_loop3A_257 = vector.broadcast %parallel_loop3A_256 : i32 to vector<16xi32>
          %parallel_loop3A_258 = arith.addi %parallel_loop3A_252, %parallel_loop3A_257 : vector<16xi32>
          %parallel_loop3A_259 = arith.select %parallel_loop3A_255, %parallel_loop3A_258, %parallel_loop3A_252 : vector<16xi1>, vector<16xi32>
          %parallel_loop3A_260 = vector.shape_cast %parallel_loop3A_259 : vector<16xi32> to vector<16x1xi32>
          %parallel_loop3A_261 = vector.shape_cast %parallel_loop3A_260 : vector<16x1xi32> to vector<16xi32>
          %parallel_loop3A_262 = tpu.dynamic_gather %parallel_loop3A_135[%parallel_loop3A_261] in [0] : vector<16xf32>, vector<16xi32> -> vector<16xf32>
          %parallel_loop3A_263 = arith.index_cast %parallel_loop3A_118 : i32 to index
          %parallel_loop3A_264 = arith.constant 80 : index
          %parallel_loop3A_265 = tpu.vector_load %arg11[%parallel_loop3A_263, %parallel_loop3A_264] {strides = array<i32>} : memref<192x128xf32, #tpu.memory_space<vmem>>, vector<1x16xf32>,
          %parallel_loop3A_266 = vector.shape_cast %parallel_loop3A_265 : vector<1x16xf32> to vector<16xf32>
          %parallel_loop3A_267 = arith.mulf %parallel_loop3A_266, %parallel_loop3A_262 : vector<16xf32>
          %parallel_loop3A_268 = arith.index_cast %parallel_loop3A_118 : i32 to index
          %parallel_loop3A_269 = arith.constant 80 : index
          %parallel_loop3A_270 = tpu.vector_load %arg11[%parallel_loop3A_268, %parallel_loop3A_269] {strides = array<i32>} : memref<192x128xf32, #tpu.memory_space<vmem>>, vector<1x16xf32>,
          %parallel_loop3A_271 = vector.shape_cast %parallel_loop3A_270 : vector<1x16xf32> to vector<16xf32>
          %parallel_loop3A_272 = vector.shape_cast %parallel_loop3A_267 : vector<16xf32> to vector<1x16xf32>
          tpu.vector_store %arg11[%parallel_loop3A_268, %parallel_loop3A_269], %parallel_loop3A_272 {strides = array<i32>} : memref<192x128xf32, #tpu.memory_space<vmem>>, vector<1x16xf32>,
          %parallel_loop3A_273 = arith.constant 6 : i32
          %parallel_loop3A_274 = vector.broadcast %parallel_loop3A_273 : i32 to vector<16xi32>
          %parallel_loop3A_275 = arith.constant 0 : i32
          %parallel_loop3A_276 = vector.broadcast %parallel_loop3A_275 : i32 to vector<16xi32>
          %parallel_loop3A_277 = arith.cmpi slt, %parallel_loop3A_274, %parallel_loop3A_276 : vector<16xi32>
          %parallel_loop3A_278 = arith.constant 16 : i32
          %parallel_loop3A_279 = vector.broadcast %parallel_loop3A_278 : i32 to vector<16xi32>
          %parallel_loop3A_280 = arith.addi %parallel_loop3A_274, %parallel_loop3A_279 : vector<16xi32>
          %parallel_loop3A_281 = arith.select %parallel_loop3A_277, %parallel_loop3A_280, %parallel_loop3A_274 : vector<16xi1>, vector<16xi32>
          %parallel_loop3A_282 = vector.shape_cast %parallel_loop3A_281 : vector<16xi32> to vector<16x1xi32>
          %parallel_loop3A_283 = vector.shape_cast %parallel_loop3A_282 : vector<16x1xi32> to vector<16xi32>
          %parallel_loop3A_284 = tpu.dynamic_gather %parallel_loop3A_135[%parallel_loop3A_283] in [0] : vector<16xf32>, vector<16xi32> -> vector<16xf32>
          %parallel_loop3A_285 = arith.index_cast %parallel_loop3A_118 : i32 to index
          %parallel_loop3A_286 = arith.constant 96 : index
          %parallel_loop3A_287 = tpu.vector_load %arg11[%parallel_loop3A_285, %parallel_loop3A_286] {strides = array<i32>} : memref<192x128xf32, #tpu.memory_space<vmem>>, vector<1x16xf32>,
          %parallel_loop3A_288 = vector.shape_cast %parallel_loop3A_287 : vector<1x16xf32> to vector<16xf32>
          %parallel_loop3A_289 = arith.mulf %parallel_loop3A_288, %parallel_loop3A_284 : vector<16xf32>
          %parallel_loop3A_290 = arith.index_cast %parallel_loop3A_118 : i32 to index
          %parallel_loop3A_291 = arith.constant 96 : index
          %parallel_loop3A_292 = tpu.vector_load %arg11[%parallel_loop3A_290, %parallel_loop3A_291] {strides = array<i32>} : memref<192x128xf32, #tpu.memory_space<vmem>>, vector<1x16xf32>,
          %parallel_loop3A_293 = vector.shape_cast %parallel_loop3A_292 : vector<1x16xf32> to vector<16xf32>
          %parallel_loop3A_294 = vector.shape_cast %parallel_loop3A_289 : vector<16xf32> to vector<1x16xf32>
          tpu.vector_store %arg11[%parallel_loop3A_290, %parallel_loop3A_291], %parallel_loop3A_294 {strides = array<i32>} : memref<192x128xf32, #tpu.memory_space<vmem>>, vector<1x16xf32>,
          %parallel_loop3A_295 = arith.constant 7 : i32
          %parallel_loop3A_296 = vector.broadcast %parallel_loop3A_295 : i32 to vector<16xi32>
          %parallel_loop3A_297 = arith.constant 0 : i32
          %parallel_loop3A_298 = vector.broadcast %parallel_loop3A_297 : i32 to vector<16xi32>
          %parallel_loop3A_299 = arith.cmpi slt, %parallel_loop3A_296, %parallel_loop3A_298 : vector<16xi32>
          %parallel_loop3A_300 = arith.constant 16 : i32
          %parallel_loop3A_301 = vector.broadcast %parallel_loop3A_300 : i32 to vector<16xi32>
          %parallel_loop3A_302 = arith.addi %parallel_loop3A_296, %parallel_loop3A_301 : vector<16xi32>
          %parallel_loop3A_303 = arith.select %parallel_loop3A_299, %parallel_loop3A_302, %parallel_loop3A_296 : vector<16xi1>, vector<16xi32>
          %parallel_loop3A_304 = vector.shape_cast %parallel_loop3A_303 : vector<16xi32> to vector<16x1xi32>
          %parallel_loop3A_305 = vector.shape_cast %parallel_loop3A_304 : vector<16x1xi32> to vector<16xi32>
          %parallel_loop3A_306 = tpu.dynamic_gather %parallel_loop3A_135[%parallel_loop3A_305] in [0] : vector<16xf32>, vector<16xi32> -> vector<16xf32>
          %parallel_loop3A_307 = arith.index_cast %parallel_loop3A_118 : i32 to index
          %parallel_loop3A_308 = arith.constant 112 : index
          %parallel_loop3A_309 = tpu.vector_load %arg11[%parallel_loop3A_307, %parallel_loop3A_308] {strides = array<i32>} : memref<192x128xf32, #tpu.memory_space<vmem>>, vector<1x16xf32>,
          %parallel_loop3A_310 = vector.shape_cast %parallel_loop3A_309 : vector<1x16xf32> to vector<16xf32>
          %parallel_loop3A_311 = arith.mulf %parallel_loop3A_310, %parallel_loop3A_306 : vector<16xf32>
          %parallel_loop3A_312 = arith.index_cast %parallel_loop3A_118 : i32 to index
          %parallel_loop3A_313 = arith.constant 112 : index
          %parallel_loop3A_314 = tpu.vector_load %arg11[%parallel_loop3A_312, %parallel_loop3A_313] {strides = array<i32>} : memref<192x128xf32, #tpu.memory_space<vmem>>, vector<1x16xf32>,
          %parallel_loop3A_315 = vector.shape_cast %parallel_loop3A_314 : vector<1x16xf32> to vector<16xf32>
          %parallel_loop3A_316 = vector.shape_cast %parallel_loop3A_311 : vector<16xf32> to vector<1x16xf32>
          tpu.vector_store %arg11[%parallel_loop3A_312, %parallel_loop3A_313], %parallel_loop3A_316 {strides = array<i32>} : memref<192x128xf32, #tpu.memory_space<vmem>>, vector<1x16xf32>,
        } {sc.loop_unroll_factor = 4 : i64, sc.parallel_access}
        %dma_start3A = arith.constant 0 : i32
        %dma_start3A_102 = tpu.memref_slice %arg10[%sub3A_68, %dma_start3A] : memref<2x96xi32, #tpu.memory_space<vmem>> -> memref<1x96xi32, #tpu.memory_space<vmem>>
        %dma_start3A_103 = tpu.memref_squeeze %dma_start3A_102 : memref<1x96xi32, #tpu.memory_space<vmem>> -> memref<96xi32, #tpu.memory_space<vmem>>
        %dma_start3A_104 = arith.constant 0 : i32
        %dma_start3A_105 = arith.constant 0 : i32
        %dma_start3A_106 = tpu.memref_slice %arg18[%dma_start3A_104, %dma_start3A_105] : memref<10176x16xf32, #tpu.memory_space<vmem_shared>> -> memref<10176x16xf32, #tpu.memory_space<vmem_shared>>
        tpu.enqueue_indirect_dma source(%arg14 : memref<96x16xf32, #tpu.memory_space<vmem>>) target(%dma_start3A_106 : memref<10176x16xf32, #tpu.memory_space<vmem_shared>>) offsets(%dma_start3A_103 : memref<96xi32, #tpu.memory_space<vmem>>) semaphore(%arg20 : memref<!tpu.dma_semaphore, #tpu.memory_space<semaphore_mem>>) {add = true}
        %mul3A_107 = arith.constant 96 : i32
        %mul3A_108 = arith.muli %sub3A_68, %mul3A_107 : i32
        %dma_start3A_109 = arith.constant 0 : i32
        %dma_start3A_110 = tpu.memref_slice %arg11[%mul3A_108, %dma_start3A_109] : memref<192x128xf32, #tpu.memory_space<vmem>> -> memref<96x128xf32, #tpu.memory_space<vmem>>
        %dma_start3A_111 = arith.constant 0 : i32
        %dma_start3A_112 = tpu.memref_slice %arg10[%sub3A_68, %dma_start3A_111] : memref<2x96xi32, #tpu.memory_space<vmem>> -> memref<1x96xi32, #tpu.memory_space<vmem>>
        %dma_start3A_113 = tpu.memref_squeeze %dma_start3A_112 : memref<1x96xi32, #tpu.memory_space<vmem>> -> memref<96xi32, #tpu.memory_space<vmem>>
        %dma_start3A_114 = arith.constant 0 : i32
        %dma_start3A_115 = arith.constant 0 : i32
        %dma_start3A_116 = tpu.memref_slice %arg17[%dma_start3A_114, %dma_start3A_115] : memref<10176x128xf32, #tpu.memory_space<vmem_shared>> -> memref<10176x128xf32, #tpu.memory_space<vmem_shared>>
        tpu.enqueue_indirect_dma source(%dma_start3A_110 : memref<96x128xf32, #tpu.memory_space<vmem>>) target(%dma_start3A_116 : memref<10176x128xf32, #tpu.memory_space<vmem_shared>>) offsets(%dma_start3A_113 : memref<96xi32, #tpu.memory_space<vmem>>) semaphore(%arg20 : memref<!tpu.dma_semaphore, #tpu.memory_space<semaphore_mem>>) {add = true}
      } else {
      }
    }
    %scan3A_27 = arith.constant 110 : i32
    %barrier3A_28 = arith.constant 0 : index
    tpu.barrier barrier_id(%barrier3A_28)
    %scan3A_29 = arith.constant 0 : i32
    %scan3A_30 = arith.constant 0 : i32
    %scan3A_31 = arith.constant 53 : i32
    %scan3A_32 = arith.addi %scan3A_30, %scan3A_31 : i32
    %scan3A_33 = arith.constant 1 : i32
    scf.for %scan3A_41 = %scan3A_30 to %scan3A_32 step %scan3A_33  : i32 {
      %mul3A_42 = arith.constant 12 : i32
      %mul3A_43 = arith.muli %scan3A_41, %mul3A_42 : i32
      %add3A_44 = arith.addi %mul3A_2, %mul3A_43 : i32
      %dma_start3A = arith.constant 0 : i32
      %dma_start3A_45 = tpu.memref_slice %arg6[%arg0, %add3A_44, %dma_start3A] : memref<2x10176x128xf32, #tpu.memory_space<hbm>> -> memref<1x12x128xf32, #tpu.memory_space<hbm>>
      %dma_start3A_46 = tpu.memref_squeeze %dma_start3A_45 : memref<1x12x128xf32, #tpu.memory_space<hbm>> -> memref<12x128xf32, #tpu.memory_space<hbm>>
      %dma_start3A_47 = arith.constant 0 : i32
      %dma_start3A_48 = tpu.memref_slice %arg17[%add3A_44, %dma_start3A_47] : memref<10176x128xf32, #tpu.memory_space<vmem_shared>> -> memref<12x128xf32, #tpu.memory_space<vmem_shared>>
      tpu.enqueue_dma source(%dma_start3A_48 : memref<12x128xf32, #tpu.memory_space<vmem_shared>>) target(%dma_start3A_46 : memref<12x128xf32, #tpu.memory_space<hbm>>) target_semaphore(%arg19 : memref<!tpu.dma_semaphore, #tpu.memory_space<semaphore_mem>>)
      %dma_start3A_49 = arith.constant 0 : i32
      %dma_start3A_50 = tpu.memref_slice %arg7[%arg0, %add3A_44, %dma_start3A_49] : memref<2x10176x16xf32, #tpu.memory_space<hbm>> -> memref<1x12x16xf32, #tpu.memory_space<hbm>>
      %dma_start3A_51 = tpu.memref_squeeze %dma_start3A_50 : memref<1x12x16xf32, #tpu.memory_space<hbm>> -> memref<12x16xf32, #tpu.memory_space<hbm>>
      %dma_start3A_52 = arith.constant 0 : i32
      %dma_start3A_53 = tpu.memref_slice %arg18[%add3A_44, %dma_start3A_52] : memref<10176x16xf32, #tpu.memory_space<vmem_shared>> -> memref<12x16xf32, #tpu.memory_space<vmem_shared>>
      tpu.enqueue_dma source(%dma_start3A_53 : memref<12x16xf32, #tpu.memory_space<vmem_shared>>) target(%dma_start3A_51 : memref<12x16xf32, #tpu.memory_space<hbm>>) target_semaphore(%arg19 : memref<!tpu.dma_semaphore, #tpu.memory_space<semaphore_mem>>)
    }
    %scan3A_34 = arith.constant 53 : i32
    %scan3A_35 = arith.constant 0 : i32
    %scan3A_36 = arith.constant 0 : i32
    %scan3A_37 = arith.constant 53 : i32
    %scan3A_38 = arith.addi %scan3A_36, %scan3A_37 : i32
    %scan3A_39 = arith.constant 1 : i32
    scf.for %scan3A_41 = %scan3A_36 to %scan3A_38 step %scan3A_39  : i32 {
      %mul3A_42 = arith.constant 12 : i32
      %mul3A_43 = arith.muli %scan3A_41, %mul3A_42 : i32
      %add3A_44 = arith.addi %mul3A_2, %mul3A_43 : i32
      %dma_wait3A = arith.constant 0 : i32
      %dma_wait3A_45 = tpu.memref_slice %arg6[%arg0, %add3A_44, %dma_wait3A] : memref<2x10176x128xf32, #tpu.memory_space<hbm>> -> memref<1x12x128xf32, #tpu.memory_space<hbm>>
      %dma_wait3A_46 = tpu.memref_squeeze %dma_wait3A_45 : memref<1x12x128xf32, #tpu.memory_space<hbm>> -> memref<12x128xf32, #tpu.memory_space<hbm>>
      %dma_wait3A_47 = arith.constant 0 : i32
      %dma_wait3A_48 = tpu.memref_slice %arg17[%add3A_44, %dma_wait3A_47] : memref<10176x128xf32, #tpu.memory_space<vmem_shared>> -> memref<12x128xf32, #tpu.memory_space<vmem_shared>>
      tpu.wait_dma2 semaphore(%arg19 : memref<!tpu.dma_semaphore, #tpu.memory_space<semaphore_mem>>) src(%dma_wait3A_48 : memref<12x128xf32, #tpu.memory_space<vmem_shared>>) dst(%dma_wait3A_46 : memref<12x128xf32, #tpu.memory_space<hbm>>)
      %dma_wait3A_49 = arith.constant 0 : i32
      %dma_wait3A_50 = tpu.memref_slice %arg7[%arg0, %add3A_44, %dma_wait3A_49] : memref<2x10176x16xf32, #tpu.memory_space<hbm>> -> memref<1x12x16xf32, #tpu.memory_space<hbm>>
      %dma_wait3A_51 = tpu.memref_squeeze %dma_wait3A_50 : memref<1x12x16xf32, #tpu.memory_space<hbm>> -> memref<12x16xf32, #tpu.memory_space<hbm>>
      %dma_wait3A_52 = arith.constant 0 : i32
      %dma_wait3A_53 = tpu.memref_slice %arg18[%add3A_44, %dma_wait3A_52] : memref<10176x16xf32, #tpu.memory_space<vmem_shared>> -> memref<12x16xf32, #tpu.memory_space<vmem_shared>>
      tpu.wait_dma2 semaphore(%arg19 : memref<!tpu.dma_semaphore, #tpu.memory_space<semaphore_mem>>) src(%dma_wait3A_53 : memref<12x16xf32, #tpu.memory_space<vmem_shared>>) dst(%dma_wait3A_51 : memref<12x16xf32, #tpu.memory_space<hbm>>)
    }
    %scan3A_40 = arith.constant 53 : i32
    return
  }
}

module attributes {stable_mosaic.version = 14 : i64} {
  func.func @_tc1_body(%arg0: i32, %arg1: memref<1272x128xf32, #tpu.memory_space<vmem>>, %arg2: memref<128x128xf32, #tpu.memory_space<vmem>>, %arg3: memref<8x128xf32, #tpu.memory_space<vmem>>, %arg4: memref<128x8xf32, #tpu.memory_space<vmem>>, %arg5: memref<1x128xf32, #tpu.memory_space<vmem>>, %arg6: memref<1x128xf32, #tpu.memory_space<vmem>>, %arg7: memref<4x16xf32, #tpu.memory_space<vmem>>, %arg8: memref<1x4xf32, #tpu.memory_space<vmem>>, %arg9: memref<4x16xf32, #tpu.memory_space<vmem>>, %arg10: memref<1x4xf32, #tpu.memory_space<vmem>>, %arg11: memref<1272x128xf32, #tpu.memory_space<vmem>>, %arg12: memref<1272x16xf32, #tpu.memory_space<vmem>>, %arg13: memref<1272x16xf32, #tpu.memory_space<vmem>>) attributes {dimension_semantics = [#tpu.dimension_semantics<arbitrary>], iteration_bounds = array<i64: 8>, scalar_prefetch = 0 : i64, scratch_operands = 0 : i64, tpu.core_type = #tpu.core_type<tc>, window_params = [{transform_indices = @transform_0, window_bounds = array<i64: 1272, 128>}, {pipeline_mode = #tpu.pipeline_mode<synchronous>, transform_indices = @transform_1, window_bounds = array<i64: 128, 128>}, {pipeline_mode = #tpu.pipeline_mode<synchronous>, transform_indices = @transform_2, window_bounds = array<i64: 8, 128>}, {pipeline_mode = #tpu.pipeline_mode<synchronous>, transform_indices = @transform_3, window_bounds = array<i64: 128, 8>}, {pipeline_mode = #tpu.pipeline_mode<synchronous>, transform_indices = @transform_4, window_bounds = array<i64: 1, 128>}, {pipeline_mode = #tpu.pipeline_mode<synchronous>, transform_indices = @transform_5, window_bounds = array<i64: 1, 128>}, {pipeline_mode = #tpu.pipeline_mode<synchronous>, transform_indices = @transform_6, window_bounds = array<i64: 4, 16>}, {pipeline_mode = #tpu.pipeline_mode<synchronous>, transform_indices = @transform_7, window_bounds = array<i64: 1, 4>}, {pipeline_mode = #tpu.pipeline_mode<synchronous>, transform_indices = @transform_8, window_bounds = array<i64: 4, 16>}, {pipeline_mode = #tpu.pipeline_mode<synchronous>, transform_indices = @transform_9, window_bounds = array<i64: 1, 4>}, {transform_indices = @transform_10, window_bounds = array<i64: 1272, 128>}, {transform_indices = @transform_11, window_bounds = array<i64: 1272, 16>}, {transform_indices = @transform_12, window_bounds = array<i64: 1272, 16>}]} {
    %get3A = arith.constant 0 : index
    %get3A_0 = arith.constant 0 : index
    %get3A_1 = vector.load %arg1[%get3A, %get3A_0] : memref<1272x128xf32, #tpu.memory_space<vmem>>, vector<1272x128xf32>
    %get3A_2 = arith.constant 0 : index
    %get3A_3 = arith.constant 0 : index
    %get3A_4 = vector.load %arg2[%get3A_2, %get3A_3] : memref<128x128xf32, #tpu.memory_space<vmem>>, vector<128x128xf32>
    %get3A_5 = arith.constant 0 : index
    %get3A_6 = arith.constant 0 : index
    %get3A_7 = vector.load %arg3[%get3A_5, %get3A_6] : memref<8x128xf32, #tpu.memory_space<vmem>>, vector<8x128xf32>
    %get3A_8 = arith.constant 0 : index
    %get3A_9 = arith.constant 0 : index
    %get3A_10 = vector.load %arg4[%get3A_8, %get3A_9] : memref<128x8xf32, #tpu.memory_space<vmem>>, vector<128x8xf32>
    %get3A_11 = arith.constant 0 : index
    %get3A_12 = arith.constant 0 : index
    %get3A_13 = vector.load %arg5[%get3A_11, %get3A_12] : memref<1x128xf32, #tpu.memory_space<vmem>>, vector<1x128xf32>
    %get3A_14 = arith.constant 0 : index
    %get3A_15 = arith.constant 0 : index
    %get3A_16 = vector.load %arg6[%get3A_14, %get3A_15] : memref<1x128xf32, #tpu.memory_space<vmem>>, vector<1x128xf32>
    %get3A_17 = arith.constant 0 : index
    %get3A_18 = arith.constant 0 : index
    %get3A_19 = vector.load %arg7[%get3A_17, %get3A_18] : memref<4x16xf32, #tpu.memory_space<vmem>>, vector<4x16xf32>
    %get3A_20 = arith.constant 0 : index
    %get3A_21 = arith.constant 0 : index
    %get3A_22 = vector.load %arg8[%get3A_20, %get3A_21] : memref<1x4xf32, #tpu.memory_space<vmem>>, vector<1x4xf32>
    %get3A_23 = arith.constant 0 : index
    %get3A_24 = arith.constant 0 : index
    %get3A_25 = vector.load %arg9[%get3A_23, %get3A_24] : memref<4x16xf32, #tpu.memory_space<vmem>>, vector<4x16xf32>
    %get3A_26 = arith.constant 0 : index
    %get3A_27 = arith.constant 0 : index
    %get3A_28 = vector.load %arg10[%get3A_26, %get3A_27] : memref<1x4xf32, #tpu.memory_space<vmem>>, vector<1x4xf32>
    %dot_general3A = arith.constant dense<0.000000e+00> : vector<1272x128xf32>
    %dot_general3A_29 = tpu.matmul %get3A_1, %get3A_4, %dot_general3A {dimension_numbers = #tpu.dot_dimension_numbers<[1], [1], [0], [0], [0, 0, 1, 0], [], []>, precision = #tpu.contract_precision<fp32>, transpose_lhs_hint = false} : vector<1272x128xf32>, vector<128x128xf32>, vector<1272x128xf32> -> vector<1272x128xf32>
    %dot_general3A_30 = arith.constant dense<0.000000e+00> : vector<1272x8xf32>
    %dot_general3A_31 = tpu.matmul %get3A_1, %get3A_7, %dot_general3A_30 {dimension_numbers = #tpu.dot_dimension_numbers<[1], [1], [0], [0], [0, 0, 1, 0], [], []>, precision = #tpu.contract_precision<fp32>, transpose_lhs_hint = false} : vector<1272x128xf32>, vector<8x128xf32>, vector<1272x8xf32> -> vector<1272x8xf32>
    %dot_general3A_32 = arith.constant dense<0.000000e+00> : vector<1272x128xf32>
    %dot_general3A_33 = tpu.matmul %dot_general3A_31, %get3A_10, %dot_general3A_32 {dimension_numbers = #tpu.dot_dimension_numbers<[1], [1], [0], [0], [0, 0, 1, 0], [], []>, precision = #tpu.contract_precision<fp32>, transpose_lhs_hint = false} : vector<1272x8xf32>, vector<128x8xf32>, vector<1272x128xf32> -> vector<1272x128xf32>
    %mul3A = arith.constant 4.000000e+00 : f32
    %mul3A_34 = vector.broadcast %mul3A : f32 to vector<1272x128xf32>
    %mul3A_35 = arith.mulf %dot_general3A_33, %mul3A_34 : vector<1272x128xf32>
    %add3A = arith.addf %dot_general3A_29, %mul3A_35 : vector<1272x128xf32>
    %dot_general3A_36 = arith.constant dense<0.000000e+00> : vector<1x16xf32>
    %dot_general3A_37 = tpu.matmul %get3A_22, %get3A_19, %dot_general3A_36 {dimension_numbers = #tpu.dot_dimension_numbers<[1], [0], [0], [1], [0, 0, 1, 1], [], []>, precision = #tpu.contract_precision<fp32>, transpose_lhs_hint = false} : vector<1x4xf32>, vector<4x16xf32>, vector<1x16xf32> -> vector<1x16xf32>
    %mul3A_38 = arith.constant 8.000000e+00 : f32
    %mul3A_39 = vector.broadcast %mul3A_38 : f32 to vector<1x16xf32>
    %mul3A_40 = arith.mulf %dot_general3A_37, %mul3A_39 : vector<1x16xf32>
    %dot_general3A_41 = arith.constant dense<0.000000e+00> : vector<1x16xf32>
    %dot_general3A_42 = tpu.matmul %get3A_28, %get3A_25, %dot_general3A_41 {dimension_numbers = #tpu.dot_dimension_numbers<[1], [0], [0], [1], [0, 0, 1, 1], [], []>, precision = #tpu.contract_precision<fp32>, transpose_lhs_hint = false} : vector<1x4xf32>, vector<4x16xf32>, vector<1x16xf32> -> vector<1x16xf32>
    %mul3A_43 = arith.constant 8.000000e+00 : f32
    %mul3A_44 = vector.broadcast %mul3A_43 : f32 to vector<1x16xf32>
    %mul3A_45 = arith.mulf %dot_general3A_42, %mul3A_44 : vector<1x16xf32>
    %concatenate3A = tpu.concatenate %mul3A_40, %mul3A_40, %mul3A_40, %mul3A_40, %mul3A_40, %mul3A_40, %mul3A_40, %mul3A_40 in 1 : vector<1x16xf32>, vector<1x16xf32>, vector<1x16xf32>, vector<1x16xf32>, vector<1x16xf32>, vector<1x16xf32>, vector<1x16xf32>, vector<1x16xf32> -> vector<1x128xf32>
    %add3A_46 = arith.addf %get3A_13, %concatenate3A : vector<1x128xf32>
    %concatenate3A_47 = tpu.concatenate %mul3A_45, %mul3A_45, %mul3A_45, %mul3A_45, %mul3A_45, %mul3A_45, %mul3A_45, %mul3A_45 in 1 : vector<1x16xf32>, vector<1x16xf32>, vector<1x16xf32>, vector<1x16xf32>, vector<1x16xf32>, vector<1x16xf32>, vector<1x16xf32>, vector<1x16xf32> -> vector<1x128xf32>
    %add3A_48 = arith.addf %get3A_16, %concatenate3A_47 : vector<1x128xf32>
    %iota3A = tpu.iota {dimensions = array<i32: 0>} : vector<128x16xi32>
    %iota3A_49 = tpu.iota {dimensions = array<i32: 1>} : vector<128x16xi32>
    %jit3A = arith.constant 16 : i32
    %div3A = vector.broadcast %jit3A : i32 to vector<128x16xi32>
    %div3A_50 = arith.divsi %iota3A, %div3A : vector<128x16xi32>
    %sign3A = arith.constant 0 : i32
    %sign3A_51 = vector.broadcast %sign3A : i32 to vector<128x16xi32>
    %sign3A_52 = arith.cmpi sgt, %iota3A, %sign3A_51 : vector<128x16xi32>
    %sign3A_53 = arith.extui %sign3A_52 : vector<128x16xi1> to vector<128x16xi32>
    %sign3A_54 = arith.constant 0 : i32
    %sign3A_55 = vector.broadcast %sign3A_54 : i32 to vector<128x16xi32>
    %sign3A_56 = arith.cmpi slt, %iota3A, %sign3A_55 : vector<128x16xi32>
    %sign3A_57 = arith.extui %sign3A_56 : vector<128x16xi1> to vector<128x16xi32>
    %sign3A_58 = arith.subi %sign3A_53, %sign3A_57 : vector<128x16xi32>
    %sign3A_59 = arith.constant 0 : i32
    %sign3A_60 = arith.cmpi sgt, %jit3A, %sign3A_59 : i32
    %sign3A_61 = arith.extui %sign3A_60 : i1 to i32
    %sign3A_62 = arith.constant 0 : i32
    %sign3A_63 = arith.cmpi slt, %jit3A, %sign3A_62 : i32
    %sign3A_64 = arith.extui %sign3A_63 : i1 to i32
    %sign3A_65 = arith.subi %sign3A_61, %sign3A_64 : i32
    %ne3A = vector.broadcast %sign3A_65 : i32 to vector<128x16xi32>
    %ne3A_66 = arith.cmpi ne, %sign3A_58, %ne3A : vector<128x16xi32>
    %rem3A = vector.broadcast %jit3A : i32 to vector<128x16xi32>
    %rem3A_67 = arith.remsi %iota3A, %rem3A : vector<128x16xi32>
    %ne3A_68 = arith.constant 0 : i32
    %ne3A_69 = vector.broadcast %ne3A_68 : i32 to vector<128x16xi32>
    %ne3A_70 = arith.cmpi ne, %rem3A_67, %ne3A_69 : vector<128x16xi32>
    %and3A = arith.andi %ne3A_66, %ne3A_70 : vector<128x16xi1>
    %sub3A = arith.constant 1 : i32
    %sub3A_71 = vector.broadcast %sub3A : i32 to vector<128x16xi32>
    %sub3A_72 = arith.subi %div3A_50, %sub3A_71 : vector<128x16xi32>
    %select_n3A = arith.select %and3A, %sub3A_72, %div3A_50 : vector<128x16xi1>, vector<128x16xi32>
    %eq3A = arith.cmpi eq, %select_n3A, %iota3A_49 : vector<128x16xi32>
    %jit3A_73 = arith.constant 1.000000e+00 : f32
    %jit3A_74 = arith.constant 0.000000e+00 : f32
    %broadcast_in_dim3A = vector.broadcast %jit3A_73 : f32 to vector<128x16xf32>
    %broadcast_in_dim3A_75 = vector.broadcast %jit3A_74 : f32 to vector<128x16xf32>
    %select_n3A_76 = arith.select %eq3A, %broadcast_in_dim3A, %broadcast_in_dim3A_75 : vector<128x16xi1>, vector<128x16xf32>
    %mul3A_77 = vector.broadcast %add3A_46 : vector<1x128xf32> to vector<1272x128xf32>
    %mul3A_78 = arith.mulf %add3A, %mul3A_77 : vector<1272x128xf32>
    %dot_general3A_79 = arith.constant dense<0.000000e+00> : vector<1272x16xf32>
    %dot_general3A_80 = tpu.matmul %mul3A_78, %select_n3A_76, %dot_general3A_79 {dimension_numbers = #tpu.dot_dimension_numbers<[1], [0], [0], [1], [0, 0, 1, 1], [], []>, precision = #tpu.contract_precision<fp32>, transpose_lhs_hint = false} : vector<1272x128xf32>, vector<128x16xf32>, vector<1272x16xf32> -> vector<1272x16xf32>
    %mul3A_81 = vector.broadcast %add3A_48 : vector<1x128xf32> to vector<1272x128xf32>
    %mul3A_82 = arith.mulf %add3A, %mul3A_81 : vector<1272x128xf32>
    %dot_general3A_83 = arith.constant dense<0.000000e+00> : vector<1272x16xf32>
    %dot_general3A_84 = tpu.matmul %mul3A_82, %select_n3A_76, %dot_general3A_83 {dimension_numbers = #tpu.dot_dimension_numbers<[1], [0], [0], [1], [0, 0, 1, 1], [], []>, precision = #tpu.contract_precision<fp32>, transpose_lhs_hint = false} : vector<1272x128xf32>, vector<128x16xf32>, vector<1272x16xf32> -> vector<1272x16xf32>
    %swap3A = arith.constant 0 : index
    %swap3A_85 = arith.constant 0 : index
    %swap3A_86 = vector.load %arg11[%swap3A, %swap3A_85] : memref<1272x128xf32, #tpu.memory_space<vmem>>, vector<1272x128xf32>
    tpu.vector_store %arg11[%swap3A, %swap3A_85], %add3A {strides = array<i32>} : memref<1272x128xf32, #tpu.memory_space<vmem>>, vector<1272x128xf32>,
    %swap3A_87 = arith.constant 0 : index
    %swap3A_88 = arith.constant 0 : index
    %swap3A_89 = vector.load %arg12[%swap3A_87, %swap3A_88] : memref<1272x16xf32, #tpu.memory_space<vmem>>, vector<1272x16xf32>
    tpu.vector_store %arg12[%swap3A_87, %swap3A_88], %dot_general3A_80 {strides = array<i32>} : memref<1272x16xf32, #tpu.memory_space<vmem>>, vector<1272x16xf32>,
    %swap3A_90 = arith.constant 0 : index
    %swap3A_91 = arith.constant 0 : index
    %swap3A_92 = vector.load %arg13[%swap3A_90, %swap3A_91] : memref<1272x16xf32, #tpu.memory_space<vmem>>, vector<1272x16xf32>
    tpu.vector_store %arg13[%swap3A_90, %swap3A_91], %dot_general3A_84 {strides = array<i32>} : memref<1272x16xf32, #tpu.memory_space<vmem>>, vector<1272x16xf32>,
    return
  }
  func.func @transform_0(%arg0: i32) -> (i32, i32) {
    %c0_i32 = arith.constant 0 : i32
    %c0_i32_0 = arith.constant 0 : i32
    return %arg0, %c0_i32 : i32, i32
  }
  func.func @transform_1(%arg0: i32) -> (i32, i32) {
    %c0_i32 = arith.constant 0 : i32
    %c0_i32_0 = arith.constant 0 : i32
    %c0_i32_1 = arith.constant 0 : i32
    return %c0_i32, %c0_i32_0 : i32, i32
  }
  func.func @transform_2(%arg0: i32) -> (i32, i32) {
    %c0_i32 = arith.constant 0 : i32
    %c0_i32_0 = arith.constant 0 : i32
    %c0_i32_1 = arith.constant 0 : i32
    return %c0_i32, %c0_i32_0 : i32, i32
  }
  func.func @transform_3(%arg0: i32) -> (i32, i32) {
    %c0_i32 = arith.constant 0 : i32
    %c0_i32_0 = arith.constant 0 : i32
    %c0_i32_1 = arith.constant 0 : i32
    return %c0_i32, %c0_i32_0 : i32, i32
  }
  func.func @transform_4(%arg0: i32) -> (i32, i32) {
    %c0_i32 = arith.constant 0 : i32
    %c0_i32_0 = arith.constant 0 : i32
    %c0_i32_1 = arith.constant 0 : i32
    return %c0_i32, %c0_i32_0 : i32, i32
  }
  func.func @transform_5(%arg0: i32) -> (i32, i32) {
    %c0_i32 = arith.constant 0 : i32
    %c0_i32_0 = arith.constant 0 : i32
    %c0_i32_1 = arith.constant 0 : i32
    return %c0_i32, %c0_i32_0 : i32, i32
  }
  func.func @transform_6(%arg0: i32) -> (i32, i32) {
    %c0_i32 = arith.constant 0 : i32
    %c0_i32_0 = arith.constant 0 : i32
    %c0_i32_1 = arith.constant 0 : i32
    return %c0_i32, %c0_i32_0 : i32, i32
  }
  func.func @transform_7(%arg0: i32) -> (i32, i32) {
    %c0_i32 = arith.constant 0 : i32
    %c0_i32_0 = arith.constant 0 : i32
    %c0_i32_1 = arith.constant 0 : i32
    return %c0_i32, %c0_i32_0 : i32, i32
  }
  func.func @transform_8(%arg0: i32) -> (i32, i32) {
    %c0_i32 = arith.constant 0 : i32
    %c0_i32_0 = arith.constant 0 : i32
    %c0_i32_1 = arith.constant 0 : i32
    return %c0_i32, %c0_i32_0 : i32, i32
  }
  func.func @transform_9(%arg0: i32) -> (i32, i32) {
    %c0_i32 = arith.constant 0 : i32
    %c0_i32_0 = arith.constant 0 : i32
    %c0_i32_1 = arith.constant 0 : i32
    return %c0_i32, %c0_i32_0 : i32, i32
  }
  func.func @transform_10(%arg0: i32) -> (i32, i32) {
    %c0_i32 = arith.constant 0 : i32
    %c0_i32_0 = arith.constant 0 : i32
    return %arg0, %c0_i32 : i32, i32
  }
  func.func @transform_11(%arg0: i32) -> (i32, i32) {
    %c0_i32 = arith.constant 0 : i32
    %c0_i32_0 = arith.constant 0 : i32
    return %arg0, %c0_i32 : i32, i32
  }
  func.func @transform_12(%arg0: i32) -> (i32, i32) {
    %c0_i32 = arith.constant 0 : i32
    %c0_i32_0 = arith.constant 0 : i32
    return %arg0, %c0_i32 : i32, i32
  }
}

module attributes {stable_mosaic.version = 14 : i64} {
  func.func @_tc2_body(%arg0: i32, %arg1: memref<2x1272x128xf32, #tpu.memory_space<vmem>>, %arg2: memref<2x1272x16xf32, #tpu.memory_space<vmem>>, %arg3: memref<1272x128xf32, #tpu.memory_space<vmem>>, %arg4: memref<1x128xf32, #tpu.memory_space<vmem>>, %arg5: memref<128x128xf32, #tpu.memory_space<vmem>>, %arg6: memref<8x128xf32, #tpu.memory_space<vmem>>, %arg7: memref<128x8xf32, #tpu.memory_space<vmem>>, %arg8: memref<1x128xf32, #tpu.memory_space<vmem>>, %arg9: memref<1x128xf32, #tpu.memory_space<vmem>>, %arg10: memref<4x16xf32, #tpu.memory_space<vmem>>, %arg11: memref<1x4xf32, #tpu.memory_space<vmem>>, %arg12: memref<4x16xf32, #tpu.memory_space<vmem>>, %arg13: memref<1x4xf32, #tpu.memory_space<vmem>>, %arg14: memref<1272x128xf32, #tpu.memory_space<vmem>>, %arg15: memref<1272x16xf32, #tpu.memory_space<vmem>>, %arg16: memref<1272x16xf32, #tpu.memory_space<vmem>>) attributes {dimension_semantics = [#tpu.dimension_semantics<arbitrary>], iteration_bounds = array<i64: 8>, scalar_prefetch = 0 : i64, scratch_operands = 0 : i64, tpu.core_type = #tpu.core_type<tc>, window_params = [{transform_indices = @transform_0, window_bounds = array<i64: 2, 1272, 128>}, {transform_indices = @transform_1, window_bounds = array<i64: 2, 1272, 16>}, {transform_indices = @transform_2, window_bounds = array<i64: 1272, 128>}, {pipeline_mode = #tpu.pipeline_mode<synchronous>, transform_indices = @transform_3, window_bounds = array<i64: 1, 128>}, {pipeline_mode = #tpu.pipeline_mode<synchronous>, transform_indices = @transform_4, window_bounds = array<i64: 128, 128>}, {pipeline_mode = #tpu.pipeline_mode<synchronous>, transform_indices = @transform_5, window_bounds = array<i64: 8, 128>}, {pipeline_mode = #tpu.pipeline_mode<synchronous>, transform_indices = @transform_6, window_bounds = array<i64: 128, 8>}, {pipeline_mode = #tpu.pipeline_mode<synchronous>, transform_indices = @transform_7, window_bounds = array<i64: 1, 128>}, {pipeline_mode = #tpu.pipeline_mode<synchronous>, transform_indices = @transform_8, window_bounds = array<i64: 1, 128>}, {pipeline_mode = #tpu.pipeline_mode<synchronous>, transform_indices = @transform_9, window_bounds = array<i64: 4, 16>}, {pipeline_mode = #tpu.pipeline_mode<synchronous>, transform_indices = @transform_10, window_bounds = array<i64: 1, 4>}, {pipeline_mode = #tpu.pipeline_mode<synchronous>, transform_indices = @transform_11, window_bounds = array<i64: 4, 16>}, {pipeline_mode = #tpu.pipeline_mode<synchronous>, transform_indices = @transform_12, window_bounds = array<i64: 1, 4>}, {transform_indices = @transform_13, window_bounds = array<i64: 1272, 128>}, {transform_indices = @transform_14, window_bounds = array<i64: 1272, 16>}, {transform_indices = @transform_15, window_bounds = array<i64: 1272, 16>}]} {
    %get3A = arith.constant 0 : index
    %get3A_0 = arith.constant 0 : index
    %get3A_1 = arith.constant 0 : index
    %get3A_2 = vector.load %arg1[%get3A, %get3A_0, %get3A_1] : memref<2x1272x128xf32, #tpu.memory_space<vmem>>, vector<1x1272x128xf32>
    %get3A_3 = vector.shape_cast %get3A_2 : vector<1x1272x128xf32> to vector<1272x128xf32>
    %get3A_4 = arith.constant 1 : index
    %get3A_5 = arith.constant 0 : index
    %get3A_6 = arith.constant 0 : index
    %get3A_7 = vector.load %arg1[%get3A_4, %get3A_5, %get3A_6] : memref<2x1272x128xf32, #tpu.memory_space<vmem>>, vector<1x1272x128xf32>
    %get3A_8 = vector.shape_cast %get3A_7 : vector<1x1272x128xf32> to vector<1272x128xf32>
    %add3A = arith.addf %get3A_3, %get3A_8 : vector<1272x128xf32>
    %get3A_9 = arith.constant 0 : index
    %get3A_10 = arith.constant 0 : index
    %get3A_11 = arith.constant 0 : index
    %get3A_12 = vector.load %arg2[%get3A_9, %get3A_10, %get3A_11] : memref<2x1272x16xf32, #tpu.memory_space<vmem>>, vector<1x1272x16xf32>
    %get3A_13 = vector.shape_cast %get3A_12 : vector<1x1272x16xf32> to vector<1272x16xf32>
    %get3A_14 = arith.constant 1 : index
    %get3A_15 = arith.constant 0 : index
    %get3A_16 = arith.constant 0 : index
    %get3A_17 = vector.load %arg2[%get3A_14, %get3A_15, %get3A_16] : memref<2x1272x16xf32, #tpu.memory_space<vmem>>, vector<1x1272x16xf32>
    %get3A_18 = vector.shape_cast %get3A_17 : vector<1x1272x16xf32> to vector<1272x16xf32>
    %add3A_19 = arith.addf %get3A_13, %get3A_18 : vector<1272x16xf32>
    %add3A_20 = arith.constant 1.000000e-16 : f32
    %add3A_21 = vector.broadcast %add3A_20 : f32 to vector<1272x16xf32>
    %add3A_22 = arith.addf %add3A_19, %add3A_21 : vector<1272x16xf32>
    %div3A = arith.constant 1.000000e+00 : f32
    %div3A_23 = vector.broadcast %div3A : f32 to vector<1272x16xf32>
    %div3A_24 = arith.divf %div3A_23, %add3A_22 : vector<1272x16xf32>
    %iota3A = tpu.iota {dimensions = array<i32: 0>} : vector<16x128xi32>
    %iota3A_25 = tpu.iota {dimensions = array<i32: 1>} : vector<16x128xi32>
    %jit3A = arith.constant 16 : i32
    %div3A_26 = vector.broadcast %jit3A : i32 to vector<16x128xi32>
    %div3A_27 = arith.divsi %iota3A_25, %div3A_26 : vector<16x128xi32>
    %sign3A = arith.constant 0 : i32
    %sign3A_28 = vector.broadcast %sign3A : i32 to vector<16x128xi32>
    %sign3A_29 = arith.cmpi sgt, %iota3A_25, %sign3A_28 : vector<16x128xi32>
    %sign3A_30 = arith.extui %sign3A_29 : vector<16x128xi1> to vector<16x128xi32>
    %sign3A_31 = arith.constant 0 : i32
    %sign3A_32 = vector.broadcast %sign3A_31 : i32 to vector<16x128xi32>
    %sign3A_33 = arith.cmpi slt, %iota3A_25, %sign3A_32 : vector<16x128xi32>
    %sign3A_34 = arith.extui %sign3A_33 : vector<16x128xi1> to vector<16x128xi32>
    %sign3A_35 = arith.subi %sign3A_30, %sign3A_34 : vector<16x128xi32>
    %sign3A_36 = arith.constant 0 : i32
    %sign3A_37 = arith.cmpi sgt, %jit3A, %sign3A_36 : i32
    %sign3A_38 = arith.extui %sign3A_37 : i1 to i32
    %sign3A_39 = arith.constant 0 : i32
    %sign3A_40 = arith.cmpi slt, %jit3A, %sign3A_39 : i32
    %sign3A_41 = arith.extui %sign3A_40 : i1 to i32
    %sign3A_42 = arith.subi %sign3A_38, %sign3A_41 : i32
    %ne3A = vector.broadcast %sign3A_42 : i32 to vector<16x128xi32>
    %ne3A_43 = arith.cmpi ne, %sign3A_35, %ne3A : vector<16x128xi32>
    %rem3A = vector.broadcast %jit3A : i32 to vector<16x128xi32>
    %rem3A_44 = arith.remsi %iota3A_25, %rem3A : vector<16x128xi32>
    %ne3A_45 = arith.constant 0 : i32
    %ne3A_46 = vector.broadcast %ne3A_45 : i32 to vector<16x128xi32>
    %ne3A_47 = arith.cmpi ne, %rem3A_44, %ne3A_46 : vector<16x128xi32>
    %and3A = arith.andi %ne3A_43, %ne3A_47 : vector<16x128xi1>
    %sub3A = arith.constant 1 : i32
    %sub3A_48 = vector.broadcast %sub3A : i32 to vector<16x128xi32>
    %sub3A_49 = arith.subi %div3A_27, %sub3A_48 : vector<16x128xi32>
    %select_n3A = arith.select %and3A, %sub3A_49, %div3A_27 : vector<16x128xi1>, vector<16x128xi32>
    %eq3A = arith.cmpi eq, %iota3A, %select_n3A : vector<16x128xi32>
    %jit3A_50 = arith.constant 1.000000e+00 : f32
    %jit3A_51 = arith.constant 0.000000e+00 : f32
    %broadcast_in_dim3A = vector.broadcast %jit3A_50 : f32 to vector<16x128xf32>
    %broadcast_in_dim3A_52 = vector.broadcast %jit3A_51 : f32 to vector<16x128xf32>
    %select_n3A_53 = arith.select %eq3A, %broadcast_in_dim3A, %broadcast_in_dim3A_52 : vector<16x128xi1>, vector<16x128xf32>
    %dot_general3A = arith.constant dense<0.000000e+00> : vector<1272x128xf32>
    %dot_general3A_54 = tpu.matmul %div3A_24, %select_n3A_53, %dot_general3A {dimension_numbers = #tpu.dot_dimension_numbers<[1], [0], [0], [1], [0, 0, 1, 1], [], []>, precision = #tpu.contract_precision<fp32>, transpose_lhs_hint = false} : vector<1272x16xf32>, vector<16x128xf32>, vector<1272x128xf32> -> vector<1272x128xf32>
    %mul3A = arith.mulf %add3A, %dot_general3A_54 : vector<1272x128xf32>
    %get3A_55 = arith.constant 0 : index
    %get3A_56 = arith.constant 0 : index
    %get3A_57 = vector.load %arg4[%get3A_55, %get3A_56] : memref<1x128xf32, #tpu.memory_space<vmem>>, vector<1x128xf32>
    %add3A_58 = vector.broadcast %get3A_57 : vector<1x128xf32> to vector<1272x128xf32>
    %add3A_59 = arith.addf %mul3A, %add3A_58 : vector<1272x128xf32>
    %gt3A = arith.constant 0.000000e+00 : f32
    %gt3A_60 = vector.broadcast %gt3A : f32 to vector<1272x128xf32>
    %gt3A_61 = arith.cmpf ogt, %add3A_59, %gt3A_60 : vector<1272x128xf32>
    %exp3A = math.exp %add3A_59 : vector<1272x128xf32>
    %sub3A_62 = arith.constant 1.000000e+00 : f32
    %sub3A_63 = vector.broadcast %sub3A_62 : f32 to vector<1272x128xf32>
    %sub3A_64 = arith.subf %exp3A, %sub3A_63 : vector<1272x128xf32>
    %select_n3A_65 = arith.select %gt3A_61, %add3A_59, %sub3A_64 : vector<1272x128xi1>, vector<1272x128xf32>
    %get3A_66 = arith.constant 0 : index
    %get3A_67 = arith.constant 0 : index
    %get3A_68 = vector.load %arg3[%get3A_66, %get3A_67] : memref<1272x128xf32, #tpu.memory_space<vmem>>, vector<1272x128xf32>
    %add3A_69 = arith.addf %select_n3A_65, %get3A_68 : vector<1272x128xf32>
    %get3A_70 = arith.constant 0 : index
    %get3A_71 = arith.constant 0 : index
    %get3A_72 = vector.load %arg5[%get3A_70, %get3A_71] : memref<128x128xf32, #tpu.memory_space<vmem>>, vector<128x128xf32>
    %get3A_73 = arith.constant 0 : index
    %get3A_74 = arith.constant 0 : index
    %get3A_75 = vector.load %arg6[%get3A_73, %get3A_74] : memref<8x128xf32, #tpu.memory_space<vmem>>, vector<8x128xf32>
    %get3A_76 = arith.constant 0 : index
    %get3A_77 = arith.constant 0 : index
    %get3A_78 = vector.load %arg7[%get3A_76, %get3A_77] : memref<128x8xf32, #tpu.memory_space<vmem>>, vector<128x8xf32>
    %get3A_79 = arith.constant 0 : index
    %get3A_80 = arith.constant 0 : index
    %get3A_81 = vector.load %arg8[%get3A_79, %get3A_80] : memref<1x128xf32, #tpu.memory_space<vmem>>, vector<1x128xf32>
    %get3A_82 = arith.constant 0 : index
    %get3A_83 = arith.constant 0 : index
    %get3A_84 = vector.load %arg9[%get3A_82, %get3A_83] : memref<1x128xf32, #tpu.memory_space<vmem>>, vector<1x128xf32>
    %get3A_85 = arith.constant 0 : index
    %get3A_86 = arith.constant 0 : index
    %get3A_87 = vector.load %arg10[%get3A_85, %get3A_86] : memref<4x16xf32, #tpu.memory_space<vmem>>, vector<4x16xf32>
    %get3A_88 = arith.constant 0 : index
    %get3A_89 = arith.constant 0 : index
    %get3A_90 = vector.load %arg11[%get3A_88, %get3A_89] : memref<1x4xf32, #tpu.memory_space<vmem>>, vector<1x4xf32>
    %get3A_91 = arith.constant 0 : index
    %get3A_92 = arith.constant 0 : index
    %get3A_93 = vector.load %arg12[%get3A_91, %get3A_92] : memref<4x16xf32, #tpu.memory_space<vmem>>, vector<4x16xf32>
    %get3A_94 = arith.constant 0 : index
    %get3A_95 = arith.constant 0 : index
    %get3A_96 = vector.load %arg13[%get3A_94, %get3A_95] : memref<1x4xf32, #tpu.memory_space<vmem>>, vector<1x4xf32>
    %dot_general3A_97 = arith.constant dense<0.000000e+00> : vector<1272x128xf32>
    %dot_general3A_98 = tpu.matmul %add3A_69, %get3A_72, %dot_general3A_97 {dimension_numbers = #tpu.dot_dimension_numbers<[1], [1], [0], [0], [0, 0, 1, 0], [], []>, precision = #tpu.contract_precision<fp32>, transpose_lhs_hint = false} : vector<1272x128xf32>, vector<128x128xf32>, vector<1272x128xf32> -> vector<1272x128xf32>
    %dot_general3A_99 = arith.constant dense<0.000000e+00> : vector<1272x8xf32>
    %dot_general3A_100 = tpu.matmul %add3A_69, %get3A_75, %dot_general3A_99 {dimension_numbers = #tpu.dot_dimension_numbers<[1], [1], [0], [0], [0, 0, 1, 0], [], []>, precision = #tpu.contract_precision<fp32>, transpose_lhs_hint = false} : vector<1272x128xf32>, vector<8x128xf32>, vector<1272x8xf32> -> vector<1272x8xf32>
    %dot_general3A_101 = arith.constant dense<0.000000e+00> : vector<1272x128xf32>
    %dot_general3A_102 = tpu.matmul %dot_general3A_100, %get3A_78, %dot_general3A_101 {dimension_numbers = #tpu.dot_dimension_numbers<[1], [1], [0], [0], [0, 0, 1, 0], [], []>, precision = #tpu.contract_precision<fp32>, transpose_lhs_hint = false} : vector<1272x8xf32>, vector<128x8xf32>, vector<1272x128xf32> -> vector<1272x128xf32>
    %mul3A_103 = arith.constant 4.000000e+00 : f32
    %mul3A_104 = vector.broadcast %mul3A_103 : f32 to vector<1272x128xf32>
    %mul3A_105 = arith.mulf %dot_general3A_102, %mul3A_104 : vector<1272x128xf32>
    %add3A_106 = arith.addf %dot_general3A_98, %mul3A_105 : vector<1272x128xf32>
    %dot_general3A_107 = arith.constant dense<0.000000e+00> : vector<1x16xf32>
    %dot_general3A_108 = tpu.matmul %get3A_90, %get3A_87, %dot_general3A_107 {dimension_numbers = #tpu.dot_dimension_numbers<[1], [0], [0], [1], [0, 0, 1, 1], [], []>, precision = #tpu.contract_precision<fp32>, transpose_lhs_hint = false} : vector<1x4xf32>, vector<4x16xf32>, vector<1x16xf32> -> vector<1x16xf32>
    %mul3A_109 = arith.constant 8.000000e+00 : f32
    %mul3A_110 = vector.broadcast %mul3A_109 : f32 to vector<1x16xf32>
    %mul3A_111 = arith.mulf %dot_general3A_108, %mul3A_110 : vector<1x16xf32>
    %dot_general3A_112 = arith.constant dense<0.000000e+00> : vector<1x16xf32>
    %dot_general3A_113 = tpu.matmul %get3A_96, %get3A_93, %dot_general3A_112 {dimension_numbers = #tpu.dot_dimension_numbers<[1], [0], [0], [1], [0, 0, 1, 1], [], []>, precision = #tpu.contract_precision<fp32>, transpose_lhs_hint = false} : vector<1x4xf32>, vector<4x16xf32>, vector<1x16xf32> -> vector<1x16xf32>
    %mul3A_114 = arith.constant 8.000000e+00 : f32
    %mul3A_115 = vector.broadcast %mul3A_114 : f32 to vector<1x16xf32>
    %mul3A_116 = arith.mulf %dot_general3A_113, %mul3A_115 : vector<1x16xf32>
    %concatenate3A = tpu.concatenate %mul3A_111, %mul3A_111, %mul3A_111, %mul3A_111, %mul3A_111, %mul3A_111, %mul3A_111, %mul3A_111 in 1 : vector<1x16xf32>, vector<1x16xf32>, vector<1x16xf32>, vector<1x16xf32>, vector<1x16xf32>, vector<1x16xf32>, vector<1x16xf32>, vector<1x16xf32> -> vector<1x128xf32>
    %add3A_117 = arith.addf %get3A_81, %concatenate3A : vector<1x128xf32>
    %concatenate3A_118 = tpu.concatenate %mul3A_116, %mul3A_116, %mul3A_116, %mul3A_116, %mul3A_116, %mul3A_116, %mul3A_116, %mul3A_116 in 1 : vector<1x16xf32>, vector<1x16xf32>, vector<1x16xf32>, vector<1x16xf32>, vector<1x16xf32>, vector<1x16xf32>, vector<1x16xf32>, vector<1x16xf32> -> vector<1x128xf32>
    %add3A_119 = arith.addf %get3A_84, %concatenate3A_118 : vector<1x128xf32>
    %iota3A_120 = tpu.iota {dimensions = array<i32: 0>} : vector<128x16xi32>
    %iota3A_121 = tpu.iota {dimensions = array<i32: 1>} : vector<128x16xi32>
    %jit3A_122 = arith.constant 16 : i32
    %div3A_123 = vector.broadcast %jit3A_122 : i32 to vector<128x16xi32>
    %div3A_124 = arith.divsi %iota3A_120, %div3A_123 : vector<128x16xi32>
    %sign3A_125 = arith.constant 0 : i32
    %sign3A_126 = vector.broadcast %sign3A_125 : i32 to vector<128x16xi32>
    %sign3A_127 = arith.cmpi sgt, %iota3A_120, %sign3A_126 : vector<128x16xi32>
    %sign3A_128 = arith.extui %sign3A_127 : vector<128x16xi1> to vector<128x16xi32>
    %sign3A_129 = arith.constant 0 : i32
    %sign3A_130 = vector.broadcast %sign3A_129 : i32 to vector<128x16xi32>
    %sign3A_131 = arith.cmpi slt, %iota3A_120, %sign3A_130 : vector<128x16xi32>
    %sign3A_132 = arith.extui %sign3A_131 : vector<128x16xi1> to vector<128x16xi32>
    %sign3A_133 = arith.subi %sign3A_128, %sign3A_132 : vector<128x16xi32>
    %sign3A_134 = arith.constant 0 : i32
    %sign3A_135 = arith.cmpi sgt, %jit3A_122, %sign3A_134 : i32
    %sign3A_136 = arith.extui %sign3A_135 : i1 to i32
    %sign3A_137 = arith.constant 0 : i32
    %sign3A_138 = arith.cmpi slt, %jit3A_122, %sign3A_137 : i32
    %sign3A_139 = arith.extui %sign3A_138 : i1 to i32
    %sign3A_140 = arith.subi %sign3A_136, %sign3A_139 : i32
    %ne3A_141 = vector.broadcast %sign3A_140 : i32 to vector<128x16xi32>
    %ne3A_142 = arith.cmpi ne, %sign3A_133, %ne3A_141 : vector<128x16xi32>
    %rem3A_143 = vector.broadcast %jit3A_122 : i32 to vector<128x16xi32>
    %rem3A_144 = arith.remsi %iota3A_120, %rem3A_143 : vector<128x16xi32>
    %ne3A_145 = arith.constant 0 : i32
    %ne3A_146 = vector.broadcast %ne3A_145 : i32 to vector<128x16xi32>
    %ne3A_147 = arith.cmpi ne, %rem3A_144, %ne3A_146 : vector<128x16xi32>
    %and3A_148 = arith.andi %ne3A_142, %ne3A_147 : vector<128x16xi1>
    %sub3A_149 = arith.constant 1 : i32
    %sub3A_150 = vector.broadcast %sub3A_149 : i32 to vector<128x16xi32>
    %sub3A_151 = arith.subi %div3A_124, %sub3A_150 : vector<128x16xi32>
    %select_n3A_152 = arith.select %and3A_148, %sub3A_151, %div3A_124 : vector<128x16xi1>, vector<128x16xi32>
    %eq3A_153 = arith.cmpi eq, %select_n3A_152, %iota3A_121 : vector<128x16xi32>
    %jit3A_154 = arith.constant 1.000000e+00 : f32
    %jit3A_155 = arith.constant 0.000000e+00 : f32
    %broadcast_in_dim3A_156 = vector.broadcast %jit3A_154 : f32 to vector<128x16xf32>
    %broadcast_in_dim3A_157 = vector.broadcast %jit3A_155 : f32 to vector<128x16xf32>
    %select_n3A_158 = arith.select %eq3A_153, %broadcast_in_dim3A_156, %broadcast_in_dim3A_157 : vector<128x16xi1>, vector<128x16xf32>
    %mul3A_159 = vector.broadcast %add3A_117 : vector<1x128xf32> to vector<1272x128xf32>
    %mul3A_160 = arith.mulf %add3A_106, %mul3A_159 : vector<1272x128xf32>
    %dot_general3A_161 = arith.constant dense<0.000000e+00> : vector<1272x16xf32>
    %dot_general3A_162 = tpu.matmul %mul3A_160, %select_n3A_158, %dot_general3A_161 {dimension_numbers = #tpu.dot_dimension_numbers<[1], [0], [0], [1], [0, 0, 1, 1], [], []>, precision = #tpu.contract_precision<fp32>, transpose_lhs_hint = false} : vector<1272x128xf32>, vector<128x16xf32>, vector<1272x16xf32> -> vector<1272x16xf32>
    %mul3A_163 = vector.broadcast %add3A_119 : vector<1x128xf32> to vector<1272x128xf32>
    %mul3A_164 = arith.mulf %add3A_106, %mul3A_163 : vector<1272x128xf32>
    %dot_general3A_165 = arith.constant dense<0.000000e+00> : vector<1272x16xf32>
    %dot_general3A_166 = tpu.matmul %mul3A_164, %select_n3A_158, %dot_general3A_165 {dimension_numbers = #tpu.dot_dimension_numbers<[1], [0], [0], [1], [0, 0, 1, 1], [], []>, precision = #tpu.contract_precision<fp32>, transpose_lhs_hint = false} : vector<1272x128xf32>, vector<128x16xf32>, vector<1272x16xf32> -> vector<1272x16xf32>
    %swap3A = arith.constant 0 : index
    %swap3A_167 = arith.constant 0 : index
    %swap3A_168 = vector.load %arg14[%swap3A, %swap3A_167] : memref<1272x128xf32, #tpu.memory_space<vmem>>, vector<1272x128xf32>
    tpu.vector_store %arg14[%swap3A, %swap3A_167], %add3A_106 {strides = array<i32>} : memref<1272x128xf32, #tpu.memory_space<vmem>>, vector<1272x128xf32>,
    %swap3A_169 = arith.constant 0 : index
    %swap3A_170 = arith.constant 0 : index
    %swap3A_171 = vector.load %arg15[%swap3A_169, %swap3A_170] : memref<1272x16xf32, #tpu.memory_space<vmem>>, vector<1272x16xf32>
    tpu.vector_store %arg15[%swap3A_169, %swap3A_170], %dot_general3A_162 {strides = array<i32>} : memref<1272x16xf32, #tpu.memory_space<vmem>>, vector<1272x16xf32>,
    %swap3A_172 = arith.constant 0 : index
    %swap3A_173 = arith.constant 0 : index
    %swap3A_174 = vector.load %arg16[%swap3A_172, %swap3A_173] : memref<1272x16xf32, #tpu.memory_space<vmem>>, vector<1272x16xf32>
    tpu.vector_store %arg16[%swap3A_172, %swap3A_173], %dot_general3A_166 {strides = array<i32>} : memref<1272x16xf32, #tpu.memory_space<vmem>>, vector<1272x16xf32>,
    return
  }
  func.func @transform_0(%arg0: i32) -> (i32, i32, i32) {
    %c0_i32 = arith.constant 0 : i32
    %c0_i32_0 = arith.constant 0 : i32
    %c0_i32_1 = arith.constant 0 : i32
    return %c0_i32, %arg0, %c0_i32_0 : i32, i32, i32
  }
  func.func @transform_1(%arg0: i32) -> (i32, i32, i32) {
    %c0_i32 = arith.constant 0 : i32
    %c0_i32_0 = arith.constant 0 : i32
    %c0_i32_1 = arith.constant 0 : i32
    return %c0_i32, %arg0, %c0_i32_0 : i32, i32, i32
  }
  func.func @transform_2(%arg0: i32) -> (i32, i32) {
    %c0_i32 = arith.constant 0 : i32
    %c0_i32_0 = arith.constant 0 : i32
    return %arg0, %c0_i32 : i32, i32
  }
  func.func @transform_3(%arg0: i32) -> (i32, i32) {
    %c0_i32 = arith.constant 0 : i32
    %c0_i32_0 = arith.constant 0 : i32
    %c0_i32_1 = arith.constant 0 : i32
    return %c0_i32, %c0_i32_0 : i32, i32
  }
  func.func @transform_4(%arg0: i32) -> (i32, i32) {
    %c0_i32 = arith.constant 0 : i32
    %c0_i32_0 = arith.constant 0 : i32
    %c0_i32_1 = arith.constant 0 : i32
    return %c0_i32, %c0_i32_0 : i32, i32
  }
  func.func @transform_5(%arg0: i32) -> (i32, i32) {
    %c0_i32 = arith.constant 0 : i32
    %c0_i32_0 = arith.constant 0 : i32
    %c0_i32_1 = arith.constant 0 : i32
    return %c0_i32, %c0_i32_0 : i32, i32
  }
  func.func @transform_6(%arg0: i32) -> (i32, i32) {
    %c0_i32 = arith.constant 0 : i32
    %c0_i32_0 = arith.constant 0 : i32
    %c0_i32_1 = arith.constant 0 : i32
    return %c0_i32, %c0_i32_0 : i32, i32
  }
  func.func @transform_7(%arg0: i32) -> (i32, i32) {
    %c0_i32 = arith.constant 0 : i32
    %c0_i32_0 = arith.constant 0 : i32
    %c0_i32_1 = arith.constant 0 : i32
    return %c0_i32, %c0_i32_0 : i32, i32
  }
  func.func @transform_8(%arg0: i32) -> (i32, i32) {
    %c0_i32 = arith.constant 0 : i32
    %c0_i32_0 = arith.constant 0 : i32
    %c0_i32_1 = arith.constant 0 : i32
    return %c0_i32, %c0_i32_0 : i32, i32
  }
  func.func @transform_9(%arg0: i32) -> (i32, i32) {
    %c0_i32 = arith.constant 0 : i32
    %c0_i32_0 = arith.constant 0 : i32
    %c0_i32_1 = arith.constant 0 : i32
    return %c0_i32, %c0_i32_0 : i32, i32
  }
  func.func @transform_10(%arg0: i32) -> (i32, i32) {
    %c0_i32 = arith.constant 0 : i32
    %c0_i32_0 = arith.constant 0 : i32
    %c0_i32_1 = arith.constant 0 : i32
    return %c0_i32, %c0_i32_0 : i32, i32
  }
  func.func @transform_11(%arg0: i32) -> (i32, i32) {
    %c0_i32 = arith.constant 0 : i32
    %c0_i32_0 = arith.constant 0 : i32
    %c0_i32_1 = arith.constant 0 : i32
    return %c0_i32, %c0_i32_0 : i32, i32
  }
  func.func @transform_12(%arg0: i32) -> (i32, i32) {
    %c0_i32 = arith.constant 0 : i32
    %c0_i32_0 = arith.constant 0 : i32
    %c0_i32_1 = arith.constant 0 : i32
    return %c0_i32, %c0_i32_0 : i32, i32
  }
  func.func @transform_13(%arg0: i32) -> (i32, i32) {
    %c0_i32 = arith.constant 0 : i32
    %c0_i32_0 = arith.constant 0 : i32
    return %arg0, %c0_i32 : i32, i32
  }
  func.func @transform_14(%arg0: i32) -> (i32, i32) {
    %c0_i32 = arith.constant 0 : i32
    %c0_i32_0 = arith.constant 0 : i32
    return %arg0, %c0_i32 : i32, i32
  }
  func.func @transform_15(%arg0: i32) -> (i32, i32) {
    %c0_i32 = arith.constant 0 : i32
    %c0_i32_0 = arith.constant 0 : i32
    return %arg0, %c0_i32 : i32, i32
  }
}

module attributes {stable_mosaic.version = 14 : i64} {
  func.func @_tc3_body(%arg0: i32, %arg1: memref<2x1272x128xf32, #tpu.memory_space<vmem>>, %arg2: memref<2x1272x16xf32, #tpu.memory_space<vmem>>, %arg3: memref<1x16xf32, #tpu.memory_space<vmem>>, %arg4: memref<1272x16xf32, #tpu.memory_space<vmem>>) attributes {dimension_semantics = [#tpu.dimension_semantics<arbitrary>], iteration_bounds = array<i64: 8>, scalar_prefetch = 0 : i64, scratch_operands = 0 : i64, tpu.core_type = #tpu.core_type<tc>, window_params = [{transform_indices = @transform_0, window_bounds = array<i64: 2, 1272, 128>}, {transform_indices = @transform_1, window_bounds = array<i64: 2, 1272, 16>}, {pipeline_mode = #tpu.pipeline_mode<synchronous>, transform_indices = @transform_2, window_bounds = array<i64: 1, 16>}, {transform_indices = @transform_3, window_bounds = array<i64: 1272, 16>}]} {
    %get3A = arith.constant 0 : index
    %get3A_0 = arith.constant 0 : index
    %get3A_1 = arith.constant 0 : index
    %get3A_2 = vector.load %arg1[%get3A, %get3A_0, %get3A_1] : memref<2x1272x128xf32, #tpu.memory_space<vmem>>, vector<1x1272x128xf32>
    %get3A_3 = vector.shape_cast %get3A_2 : vector<1x1272x128xf32> to vector<1272x128xf32>
    %get3A_4 = arith.constant 1 : index
    %get3A_5 = arith.constant 0 : index
    %get3A_6 = arith.constant 0 : index
    %get3A_7 = vector.load %arg1[%get3A_4, %get3A_5, %get3A_6] : memref<2x1272x128xf32, #tpu.memory_space<vmem>>, vector<1x1272x128xf32>
    %get3A_8 = vector.shape_cast %get3A_7 : vector<1x1272x128xf32> to vector<1272x128xf32>
    %add3A = arith.addf %get3A_3, %get3A_8 : vector<1272x128xf32>
    %get3A_9 = arith.constant 0 : index
    %get3A_10 = arith.constant 0 : index
    %get3A_11 = arith.constant 0 : index
    %get3A_12 = vector.load %arg2[%get3A_9, %get3A_10, %get3A_11] : memref<2x1272x16xf32, #tpu.memory_space<vmem>>, vector<1x1272x16xf32>
    %get3A_13 = vector.shape_cast %get3A_12 : vector<1x1272x16xf32> to vector<1272x16xf32>
    %get3A_14 = arith.constant 1 : index
    %get3A_15 = arith.constant 0 : index
    %get3A_16 = arith.constant 0 : index
    %get3A_17 = vector.load %arg2[%get3A_14, %get3A_15, %get3A_16] : memref<2x1272x16xf32, #tpu.memory_space<vmem>>, vector<1x1272x16xf32>
    %get3A_18 = vector.shape_cast %get3A_17 : vector<1x1272x16xf32> to vector<1272x16xf32>
    %add3A_19 = arith.addf %get3A_13, %get3A_18 : vector<1272x16xf32>
    %add3A_20 = arith.constant 1.000000e-16 : f32
    %add3A_21 = vector.broadcast %add3A_20 : f32 to vector<1272x16xf32>
    %add3A_22 = arith.addf %add3A_19, %add3A_21 : vector<1272x16xf32>
    %div3A = arith.constant 1.000000e+00 : f32
    %div3A_23 = vector.broadcast %div3A : f32 to vector<1272x16xf32>
    %div3A_24 = arith.divf %div3A_23, %add3A_22 : vector<1272x16xf32>
    %iota3A = tpu.iota {dimensions = array<i32: 0>} : vector<16x128xi32>
    %iota3A_25 = tpu.iota {dimensions = array<i32: 1>} : vector<16x128xi32>
    %jit3A = arith.constant 16 : i32
    %div3A_26 = vector.broadcast %jit3A : i32 to vector<16x128xi32>
    %div3A_27 = arith.divsi %iota3A_25, %div3A_26 : vector<16x128xi32>
    %sign3A = arith.constant 0 : i32
    %sign3A_28 = vector.broadcast %sign3A : i32 to vector<16x128xi32>
    %sign3A_29 = arith.cmpi sgt, %iota3A_25, %sign3A_28 : vector<16x128xi32>
    %sign3A_30 = arith.extui %sign3A_29 : vector<16x128xi1> to vector<16x128xi32>
    %sign3A_31 = arith.constant 0 : i32
    %sign3A_32 = vector.broadcast %sign3A_31 : i32 to vector<16x128xi32>
    %sign3A_33 = arith.cmpi slt, %iota3A_25, %sign3A_32 : vector<16x128xi32>
    %sign3A_34 = arith.extui %sign3A_33 : vector<16x128xi1> to vector<16x128xi32>
    %sign3A_35 = arith.subi %sign3A_30, %sign3A_34 : vector<16x128xi32>
    %sign3A_36 = arith.constant 0 : i32
    %sign3A_37 = arith.cmpi sgt, %jit3A, %sign3A_36 : i32
    %sign3A_38 = arith.extui %sign3A_37 : i1 to i32
    %sign3A_39 = arith.constant 0 : i32
    %sign3A_40 = arith.cmpi slt, %jit3A, %sign3A_39 : i32
    %sign3A_41 = arith.extui %sign3A_40 : i1 to i32
    %sign3A_42 = arith.subi %sign3A_38, %sign3A_41 : i32
    %ne3A = vector.broadcast %sign3A_42 : i32 to vector<16x128xi32>
    %ne3A_43 = arith.cmpi ne, %sign3A_35, %ne3A : vector<16x128xi32>
    %rem3A = vector.broadcast %jit3A : i32 to vector<16x128xi32>
    %rem3A_44 = arith.remsi %iota3A_25, %rem3A : vector<16x128xi32>
    %ne3A_45 = arith.constant 0 : i32
    %ne3A_46 = vector.broadcast %ne3A_45 : i32 to vector<16x128xi32>
    %ne3A_47 = arith.cmpi ne, %rem3A_44, %ne3A_46 : vector<16x128xi32>
    %and3A = arith.andi %ne3A_43, %ne3A_47 : vector<16x128xi1>
    %sub3A = arith.constant 1 : i32
    %sub3A_48 = vector.broadcast %sub3A : i32 to vector<16x128xi32>
    %sub3A_49 = arith.subi %div3A_27, %sub3A_48 : vector<16x128xi32>
    %select_n3A = arith.select %and3A, %sub3A_49, %div3A_27 : vector<16x128xi1>, vector<16x128xi32>
    %eq3A = arith.cmpi eq, %iota3A, %select_n3A : vector<16x128xi32>
    %jit3A_50 = arith.constant 1.000000e+00 : f32
    %jit3A_51 = arith.constant 0.000000e+00 : f32
    %broadcast_in_dim3A = vector.broadcast %jit3A_50 : f32 to vector<16x128xf32>
    %broadcast_in_dim3A_52 = vector.broadcast %jit3A_51 : f32 to vector<16x128xf32>
    %select_n3A_53 = arith.select %eq3A, %broadcast_in_dim3A, %broadcast_in_dim3A_52 : vector<16x128xi1>, vector<16x128xf32>
    %dot_general3A = arith.constant dense<0.000000e+00> : vector<1272x128xf32>
    %dot_general3A_54 = tpu.matmul %div3A_24, %select_n3A_53, %dot_general3A {dimension_numbers = #tpu.dot_dimension_numbers<[1], [0], [0], [1], [0, 0, 1, 1], [], []>, precision = #tpu.contract_precision<fp32>, transpose_lhs_hint = false} : vector<1272x16xf32>, vector<16x128xf32>, vector<1272x128xf32> -> vector<1272x128xf32>
    %mul3A = arith.mulf %add3A, %dot_general3A_54 : vector<1272x128xf32>
    %iota3A_55 = tpu.iota {dimensions = array<i32: 0>} : vector<128x16xi32>
    %iota3A_56 = tpu.iota {dimensions = array<i32: 1>} : vector<128x16xi32>
    %jit3A_57 = arith.constant 16 : i32
    %eq3A_58 = arith.constant 0 : i32
    %eq3A_59 = arith.cmpi eq, %jit3A_57, %eq3A_58 : i32
    %jit3A_60 = arith.constant 1 : i32
    %select_n3A_61 = arith.select %eq3A_59, %jit3A_60, %jit3A_57 : i32
    %rem3A_62 = vector.broadcast %select_n3A_61 : i32 to vector<128x16xi32>
    %rem3A_63 = arith.remsi %iota3A_55, %rem3A_62 : vector<128x16xi32>
    %ne3A_64 = arith.constant 0 : i32
    %ne3A_65 = vector.broadcast %ne3A_64 : i32 to vector<128x16xi32>
    %ne3A_66 = arith.cmpi ne, %rem3A_63, %ne3A_65 : vector<128x16xi32>
    %lt3A = arith.constant 0 : i32
    %lt3A_67 = vector.broadcast %lt3A : i32 to vector<128x16xi32>
    %lt3A_68 = arith.cmpi slt, %rem3A_63, %lt3A_67 : vector<128x16xi32>
    %lt3A_69 = arith.constant 0 : i32
    %lt3A_70 = arith.cmpi slt, %select_n3A_61, %lt3A_69 : i32
    %ne3A_71 = vector.broadcast %lt3A_70 : i1 to vector<128x16xi1>
    %ne3A_72 = vector.broadcast %ne3A_71 : vector<128x16xi1> to vector<128x16xi1>
    %ne3A_73 = arith.xori %lt3A_68, %ne3A_72 : vector<128x16xi1>
    %and3A_74 = arith.andi %ne3A_73, %ne3A_66 : vector<128x16xi1>
    %add3A_75 = vector.broadcast %select_n3A_61 : i32 to vector<128x16xi32>
    %add3A_76 = arith.addi %rem3A_63, %add3A_75 : vector<128x16xi32>
    %select_n3A_77 = arith.select %and3A_74, %add3A_76, %rem3A_63 : vector<128x16xi1>, vector<128x16xi32>
    %eq3A_78 = arith.cmpi eq, %select_n3A_77, %iota3A_56 : vector<128x16xi32>
    %jit3A_79 = arith.constant 1.250000e-01 : f32
    %jit3A_80 = arith.constant 0.000000e+00 : f32
    %broadcast_in_dim3A_81 = vector.broadcast %jit3A_79 : f32 to vector<128x16xf32>
    %broadcast_in_dim3A_82 = vector.broadcast %jit3A_80 : f32 to vector<128x16xf32>
    %select_n3A_83 = arith.select %eq3A_78, %broadcast_in_dim3A_81, %broadcast_in_dim3A_82 : vector<128x16xi1>, vector<128x16xf32>
    %dot_general3A_84 = arith.constant dense<0.000000e+00> : vector<1272x16xf32>
    %dot_general3A_85 = tpu.matmul %mul3A, %select_n3A_83, %dot_general3A_84 {dimension_numbers = #tpu.dot_dimension_numbers<[1], [0], [0], [1], [0, 0, 1, 1], [], []>, precision = #tpu.contract_precision<fp32>, transpose_lhs_hint = false} : vector<1272x128xf32>, vector<128x16xf32>, vector<1272x16xf32> -> vector<1272x16xf32>
    %get3A_86 = arith.constant 0 : index
    %get3A_87 = arith.constant 0 : index
    %get3A_88 = vector.load %arg3[%get3A_86, %get3A_87] : memref<1x16xf32, #tpu.memory_space<vmem>>, vector<1x16xf32>
    %add3A_89 = vector.broadcast %get3A_88 : vector<1x16xf32> to vector<1272x16xf32>
    %add3A_90 = arith.addf %dot_general3A_85, %add3A_89 : vector<1272x16xf32>
    %swap3A = arith.constant 0 : index
    %swap3A_91 = arith.constant 0 : index
    %swap3A_92 = vector.load %arg4[%swap3A, %swap3A_91] : memref<1272x16xf32, #tpu.memory_space<vmem>>, vector<1272x16xf32>
    tpu.vector_store %arg4[%swap3A, %swap3A_91], %add3A_90 {strides = array<i32>} : memref<1272x16xf32, #tpu.memory_space<vmem>>, vector<1272x16xf32>,
    return
  }
  func.func @transform_0(%arg0: i32) -> (i32, i32, i32) {
    %c0_i32 = arith.constant 0 : i32
    %c0_i32_0 = arith.constant 0 : i32
    %c0_i32_1 = arith.constant 0 : i32
    return %c0_i32, %arg0, %c0_i32_0 : i32, i32, i32
  }
  func.func @transform_1(%arg0: i32) -> (i32, i32, i32) {
    %c0_i32 = arith.constant 0 : i32
    %c0_i32_0 = arith.constant 0 : i32
    %c0_i32_1 = arith.constant 0 : i32
    return %c0_i32, %arg0, %c0_i32_0 : i32, i32, i32
  }
  func.func @transform_2(%arg0: i32) -> (i32, i32) {
    %c0_i32 = arith.constant 0 : i32
    %c0_i32_0 = arith.constant 0 : i32
    %c0_i32_1 = arith.constant 0 : i32
    return %c0_i32, %c0_i32_0 : i32, i32
  }
  func.func @transform_3(%arg0: i32) -> (i32, i32) {
    %c0_i32 = arith.constant 0 : i32
    %c0_i32_0 = arith.constant 0 : i32
    return %arg0, %c0_i32 : i32, i32
  }
}

</mosaic_0001>

<sc_bundles>
// kernel: kernel.10.cloned.1.call-start
scs
__scs_entry_jumppad:
0x0: {  	(pc) =	sbr.rel $0x88, $3  }
0x1: {  	(tag) =	ssettag $0x0;
	lr =	simm.s32 $0x1  }
0x2: {  	[smem:$0x3F8B] =	sst lr;
	_ =	strace $0xD0000000  }
0x3: {  	_ = 	snop  }
0x4: {  	_ = 	snop  }
0x5: {  	_ = 	snop  }
0x6: {  	_ = 	snop  }
0x7: {  	_ = 	snop  }
__scs_overlays_trampoline_lowered:
0x8: {  	[smem:$0x3F9A] =	sst s0  }
0x9: {  	[smem:$0x3F9B] =	sst s1  }
0xa: {  	[smem:$0x3F9C] =	sst s2  }
0xb: {  	[smem:$0x3F9D] =	sst s3  }
0xc: {  	[smem:$0x3F9E] =	sst s4  }
0xd: {  	[smem:$0x3F9F] =	sst s5  }
0xe: {  	[smem:$0x3FA0] =	sst s6  }
0xf: {  	[smem:$0x3FA1] =	sst s7  }
0x10: {  	[smem:$0x3FA2] =	sst s8  }
0x11: {  	[smem:$0x3FA3] =	sst s9;
	s0 =	simm.s32 @!p0 $0x0  }
0x12: {  	s1 =	sld [smem:$0x3F89];
	s0 =	simm.s32 @p0 $0x1  }
0x13: {  	[smem:$0x3FA4] =	sst s0;
	s0 =	simm.s32 @!p1 $0x0  }
0x14: {  	s2 =	sld [smem:$0x3F88];
	s0 =	simm.s32 @p1 $0x1  }
0x15: {  	[smem:$0x3FA5] =	sst s0;
	s0 =	simm.s32 @!p2 $0x0  }
0x16: {  	s3 =	sld [smem:$0x3FDB];
	s0 =	simm.s32 @p2 $0x1  }
0x17: {  	s4 =	simm.s32 $0x1BF5;
	[smem:$0x3FA7] =	sst s0  }
0x18: {  	s0 =	sld [smem:$0x3F8A];
	_ =	swait.ge [sflag:s4], $0x0  }
0x19: {  	s7 =	sld [smem:$0x3F8B]  }
0x1a: {  	s8 =	sadd.s32 $0xFFFFE003, lr  }
0x1b: {  	s9 =	sadd.s32 $0xFFFFFEF7, lr;
	s5 =	simm.s32 $0xFFFFFFFF;
	p2 =	slt.u32 s8, $0xFFFFF086  }
0x1c: {  	p1 =	slt.u32 s9, $0xF7A;
	s5 =	simm.s32 @!p2 $0x0  }
0x1d: {  	s5 =	simm.s32 @p1 $0x1;
	p0 =	seq.s32 s7, s2  }
0x1e: {  	s7 =	smul.u32 @!p0 $0xF7A, s2;
	p2 =	seq.s32 @!p0 s5, $0x0  }
0x1f: {  	s9 =	smul.u32 $0xF7A, s1;
	s8 =	simm.s32 @!p0 $0x1BF5;
	p2 =	por !p2, p0  }
0x20: {  	[sflag:s8] =	ssyncset.s32 @!p0 $0xFFFFF086;
	s6 =	sadd.s32 @!p0 s3, s7;
	s7 =	simm.s32 @!p0 $0x108  }
0x21: {  	s3 =	sadd.s32 s3, s9;
	s6 =	sadd.s32 @!p0 $0x88, s6;
	s7 =	simm.s32 @p2 $0x1082  }
0x22: {  	[simem:s7], [sflag:s8] =	dma.local @!p0 [hbm:s6], $0xF7A  }
0x23: {  	s9 =	sor.u32 $0xD0000000, s2;
	s6 =	simm.s32 $0x108;
	_ =	swait.ge @!p0 [sflag:s8], $0x0  }
0x24: {  	s3 =	sadd.s32 $0x88, s3;
	s6 =	simm.s32 @!p1 $0x1082;
	[sflag:s4] =	ssyncset.s32 $0xFFFFF086  }
0x25: {  	[simem:s6], [sflag:s4] =	dma.local [hbm:s3], $0xF7A  }
0x26: {  	[smem:$0x3F8B] =	sst s1;
	(tag) =	ssettag s2;
	_ =	strace s9  }
0x27: {  	s1 =	sld [smem:$0x3F9B]  }
0x28: {  	s2 =	sld [smem:$0x3F9C]  }
0x29: {  	s4 =	sld [smem:$0x3F9E]  }
0x2a: {  	p0 =	seq.s32 s5, $0x0;
	s5 =	sld [smem:$0x3F9F]  }
0x2b: {  	s6 =	sld [smem:$0x3FA0]  }
0x2c: {  	s7 =	sld [smem:$0x3FA1]  }
0x2d: {  	s3 =	simm.s32 $0x108;
	s8 =	sld [smem:$0x3FA2]  }
0x2e: {  	s3 =	simm.s32 @!p0 $0x1082;
	s9 =	sld [smem:$0x3FA3]  }
0x2f: {  	lr =	sadd.s32 s0, s3;
	s0 =	sld [smem:$0x3F9A]  }
0x30: {  	s3 =	sld [smem:$0x3F9D]  }
0x31: {  	[smem:$0x3FA6] =	sst s10  }
0x32: {  	s10 =	sld [smem:$0x3FA4];
	_ =	sdelay $0x3  }
0x33: {  	p0 =	seq.s32 s10, $0x1;
	s10 =	sld [smem:$0x3FA6];
	_ =	sdelay $0x3  }
0x34: {  	[smem:$0x3FA6] =	sst s10  }
0x35: {  	s10 =	sld [smem:$0x3FA5];
	_ =	sdelay $0x3  }
0x36: {  	p1 =	seq.s32 s10, $0x1;
	s10 =	sld [smem:$0x3FA6];
	_ =	sdelay $0x3  }
0x37: {  	[smem:$0x3FA6] =	sst s10  }
0x38: {  	s10 =	sld [smem:$0x3FA7]  }
0x39: {  	_ = 	snop;
	(pc) =	sbr.ind lr, $3  }
0x3a: {  	_ = 	snop  }
0x3b: {  	_ = 	snop  }
0x3c: {  	p2 =	seq.s32 s10, $0x1;
	s10 =	sld [smem:$0x3FA6]  }
0x3d: {  	_ =	shalt  }
0x3e: {  	_ =	shalt  }
0x3f: {  	_ =	shalt  }
0x40: {  	_ =	shalt  }
0x41: {  	_ =	shalt  }
0x42: {  	_ =	shalt  }
0x43: {  	_ =	shalt  }
0x44: {  	_ =	shalt  }
0x45: {  	_ =	shalt  }
0x46: {  	_ =	shalt  }
0x47: {  	_ =	shalt  }
0x48: {  	_ =	shalt  }
0x49: {  	_ =	shalt  }
0x4a: {  	_ =	shalt  }
0x4b: {  	_ =	shalt  }
0x4c: {  	_ =	shalt  }
0x4d: {  	_ =	shalt  }
0x4e: {  	_ =	shalt  }
0x4f: {  	_ =	shalt  }
0x50: {  	_ =	shalt  }
0x51: {  	_ =	shalt  }
0x52: {  	_ =	shalt  }
0x53: {  	_ =	shalt  }
0x54: {  	_ =	shalt  }
0x55: {  	_ =	shalt  }
0x56: {  	_ =	shalt  }
0x57: {  	_ =	shalt  }
0x58: {  	_ =	shalt  }
0x59: {  	_ =	shalt  }
0x5a: {  	_ =	shalt  }
0x5b: {  	_ =	shalt  }
0x5c: {  	_ =	shalt  }
0x5d: {  	_ =	shalt  }
0x5e: {  	_ =	shalt  }
0x5f: {  	_ =	shalt  }
0x60: {  	_ =	shalt  }
0x61: {  	_ =	shalt  }
0x62: {  	_ =	shalt  }
0x63: {  	_ =	shalt  }
0x64: {  	_ =	shalt  }
0x65: {  	_ =	shalt  }
0x66: {  	_ =	shalt  }
0x67: {  	_ =	shalt  }
0x68: {  	_ =	shalt  }
0x69: {  	_ =	shalt  }
0x6a: {  	_ =	shalt  }
0x6b: {  	_ =	shalt  }
0x6c: {  	_ =	shalt  }
0x6d: {  	_ =	shalt  }
0x6e: {  	_ =	shalt  }
0x6f: {  	_ =	shalt  }
0x70: {  	_ =	shalt  }
0x71: {  	_ =	shalt  }
0x72: {  	_ =	shalt  }
0x73: {  	_ =	shalt  }
0x74: {  	_ =	shalt  }
0x75: {  	_ =	shalt  }
0x76: {  	_ =	shalt  }
0x77: {  	_ =	shalt  }
0x78: {  	_ =	shalt  }
0x79: {  	_ =	shalt  }
0x7a: {  	_ =	shalt  }
0x7b: {  	_ =	shalt  }
0x7c: {  	_ =	shalt  }
0x7d: {  	_ =	shalt  }
0x7e: {  	_ =	shalt  }
0x7f: {  	_ =	shalt  }
0x80: {  	_ =	shalt  }
0x81: {  	_ =	shalt  }
0x82: {  	_ =	shalt  }
0x83: {  	_ =	shalt  }
0x84: {  	_ =	shalt  }
0x85: {  	_ =	shalt  }
0x86: {  	_ =	shalt  }
0x87: {  	_ =	shalt  }
.Lfunc_end0:
.L_simem_size_0:
called_computation.1_lowered:
.L_overlay_start_0:
0x88: {  	s2 =	sld [smem:$0x3FD9]  }
0x89: {  	s3 =	sld [smem:$0x3FFE];
	_ =	sdelay $0x1  }
0x8a: {  	s1 =	srdreg.scid  }
0x8b: {  	s0 =	sand.u32 $0x1, s1  }
0x8c: {  	s16 =	sshll.u32 s0, $0xA;
	s2 =	sadd.s32 s3, s2  }
0x8d: {  	s2 =	sadd.s32 s2, s16  }
0x8e: {  	[smem:$0x3FB2] =	sst s2  }
0x8f: {  	_ = 	snop  }
0x90: {  	(tm) =	ssettm $0x1  }
0x91: {  	s17 =	sld [smem:$0x3FFB];
	_ =	sdelay $0x3  }
0x92: {  	_ =	strace s17  }
0x93: {  	s2 =	sld [smem:$0x3FFC];
	_ =	sdelay $0x3  }
0x94: {  	_ =	strace s2  }
0x95: {  	s2 =	sld [smem:$0x3FFD];
	_ =	sdelay $0x3  }
0x96: {  	_ =	strace s2  }
0x97: {  	_ =	strace $0x8FFFFFFF  }
0x98: {  	s18 =	sld [smem:$0x3FDB];
	_ =	sdelay $0x1  }
0x99: {  	s19 =	simm.s32 $_scs_section_size  }
0x9a: {  	s4 =	simm.s32 $_size__tile_overlayer_lowered;
	s5 =	simm.s32 $_tile_overlayer_lowered  }
0x9b: {  	s22 =	simm.s32 $0x1BFF;
	s21 =	sshll.u32 s5, $0x1;
	s2 =	sadd.s32 s19, s18  }
0x9c: {  	s6 =	simm.s32 $0x0;
	s20 =	sshll.u32 s4, $0x1;
	s4 =	sadd.s32 s21, s2  }
0x9d: {  	[timem:s6], [sflag:s22] =	dma.local [hbm:s4], s20  }
0x9e: {  	_ =	swait.ge [sflag:s22], s20  }
0x9f: {  	s3 =	ssub.s32 $0x0, s20;
	[sflag:s22] =	ssyncset.done $0x0  }
0xa0: {  	[sflag:s22] =	ssyncadd.s32 s3;
	_ =	sdelay $0x1  }
0xa1: {  	s23 =	simm.s32 $0x1B8B  }
0xa2: {  	_ =	swait.ge [sflag:s23], $0x1  }
0xa3: {  	[sflag:s23] =	ssyncset.done $0x0  }
0xa4: {  	s25 =	simm.s32 $0x1B8E;
	s24 =	sld [smem:$0x3FFE];
	[sflag:s23] =	ssyncadd.s32 $0xFFFFFFFF  }
0xa5: {  	s26 =	simm.s32 $execute0_lowered;
	[smem:$0x3FD2] =	sst s25  }
0xa6: {  	s4 =	sshll.u32 s26, $0x1;
	_ =	strace $0x80000049;
	[dreg:$0x1] =	wrdreg $0xFFFFFFFF  }
0xa7: {  	s28 =	simm.s32 $_size_execute0_lowered;
	s2 =	sadd.s32 s2, s4;
	[dreg:$0x0] =	wrdreg $0x0  }
0xa8: {  	s4 =	sshll.u32 s28, $0x1;
	[dreg:$0x2] =	wrdreg s2  }
0xa9: {  	[dreg:$0x3] =	wrdreg s4  }
0xaa: {  	[dreg:$0x4] =	wrdreg $0xC0  }
0xab: {  	_ =	task [dreg:s6], $0x5FFFF  }
0xac: {  	[dreg:$0x1] =	wrdreg $0xFFFFFFFF  }
0xad: {  	[dreg:$0x0] =	wrdreg $0x60  }
0xae: {  	[dreg:$0x2] =	wrdreg s24  }
0xaf: {  	[dreg:$0x3] =	wrdreg $0x8AC00  }
0xb0: {  	[dreg:$0x4] =	wrdreg $0x1C8C00  }
0xb1: {  	[dreg:$0x5] =	wrdreg $0x9  }
0xb2: {  	_ =	task.clear_ibuf [dreg:s6], $0x6FFFF;
	_ =	strace $0x90000049  }
0xb3: {  	s29 =	simm.s32 $0x9;
	_ =	strace $0x8000004B  }
0xb4: {  	_ =	swait.ge [sflag:s29], $0x1  }
0xb5: {  	[sflag:s29] =	ssyncadd.s32 $0xFFFFFFFF  }
0xb6: {  	_ =	strace $0x9000004B  }
0xb7: {  	_ =	sfence  }
0xb8: {  	s30 =	sld [smem:$0x0];
	_ =	sdelay $0x2  }
0xb9: {  	s31 =	sshll.u32 s1, $0xD;
	s1 =	sshrl.u32 s1, $0x2  }
0xba: {  	s3 =	sand.u32 $0x4000, s31;
	s1 =	sadd.s32 s1, s30  }
0xbb: {  	s0 =	sor.u32 s3, s0;
	s1 =	sshll.u32 s1, $0x11  }
0xbc: {  	s0 =	sor.u32 s1, s0  }
0xbd: {  	s0 =	sadd.s32 $0x8F2B, s0  }
0xbe: {  	[sflag:s0] =	ssyncadd.remote.s32 $0x1  }
0xbf: {  	_ =	sfence.sel $0xFFFF  }
0xc0: {  	[dreg:$0x0] =	wrdreg $0xFFFFFFFF;
	(pc) =	sbr.abs _section_cstart, $3  }
0xc1: {  	[dreg:$0x1] =	wrdreg $0xFFFFFFFF  }
0xc2: {  	_ =	task.clear_ibuf [dreg:s6], $0x2FFFF;
	_ =	strace $0x9FFFFFFF  }
0xc3: {  	(tm) =	ssettm $0x7FFFFFFF  }
tec
execute0_lowered:
.L_overlay_start_1:
0x0: {  	(tag) =	ssettag $0x1  }
0x1: {  	s9 =	rddreg [dreg:$0x0]  }
0x2: {  	s2 =	rddreg [dreg:$0x1];
	s1 =	stileid.u32  }
0x3: {  	s0 =	srdreg.scid;
	s8 =	smul.u32 $0x13E00, s1  }
0x4: {  	s3 =	rddreg [dreg:$0x2];
	s4 =	simm.s32 $0x0;
	s12 =	smul.u32 $0x27C0, s1  }
0x5: {  	s18 =	simm.s32 $0x60;
	s19 =	simm.s32 $0x7E00;
	s28 =	smul.u32 $0x9F00, s1  }
0x6: {  	s10 =	sand.u32 $0x1, s0;
	s0 =	rddreg [dreg:$0x3];
	s16 =	smul.u32 $0x4F800, s1  }
0x7: {  	[smem:$0x7FF] =	sst s4;
	s5 =	sadd.s32 $0x3600, s9;
	s7 =	smul.u32 $0x13E000, s10  }
0x8: {  	s6 =	sadd.s32 $0x2B200, s9;
	s11 =	smul.u32 $0x27C00, s10;
	s26 =	ssub.s32 $0x2, s10  }
0x9: {  	_ =	strace $0x8000004A;
	s10 =	sshll.u32 s10, $0x4;
	s15 =	sshrl.u32 s26, $0x1  }
0xa: {  	s10 =	sor.u32 s1, s10;
	s30 =	sshrl.u32 s28, $0x2;
	s31 =	sshrl.u32 s16, $0x2  }
0xb: {  	s16 =	simm.s32 $0x8A00;
	s8 =	sadd.s32 s8, s7;
	s7 =	sadd.s32 $0x30200, s9  }
0xc: {  	s11 =	sadd.s32 s12, s11;
	s29 =	ssub.s32 s26, s15;
	s12 =	sadd.s32 s31, s2  }
0xd: {  	s15 =	simm.s32 $0x8400;
	s13 =	sshrl.u32 s8, $0x3;
	s11 =	sshrl.u32 s11, $0x3  }
0xe: {  	s8 =	sadd.s32 $0x35200, s9;
	s14 =	sadd.s32 s13, s9;
	s17 =	sadd.s32 s11, s9  }
0xf: {  	v6 =	vimm.s32 $0x3;
	v2 =	vimm.s32 $0x4;
	v8 =	vimm.s32 $0x5;
	s9 =	smul.u32 $0x6C, s10;
	s10 =	smax.u32 s29, $0x1;
	s11 =	sadd.s32 s30, s3  }
0x10: {  	v3 =	vimm.s32 $0x6;
	v5 =	vimm.s32 $0x2;
	v7 =	vimm.s32 $0x4;
	s13 =	sadd.s32 $0x3F400, s17;
	s14 =	sadd.s32 $0x49400, s14;
	s17 =	simm.s32 $0x1  }
.LBB2_1:
0x11: {  	v0 =	vimm.f32 $0.0e+00  }
0x12: {  	[tilespmem:$0x8400] =	vst v0  }
0x13: {  	[tilespmem:$0x8410] =	vst v0  }
0x14: {  	[tilespmem:$0x8420] =	vst v0  }
0x15: {  	[tilespmem:$0x8430] =	vst v0  }
0x16: {  	[tilespmem:$0x8440] =	vst v0  }
0x17: {  	[tilespmem:$0x8450] =	vst v0  }
0x18: {  	[tilespmem:$0x8460] =	vst v0  }
0x19: {  	[tilespmem:$0x8470] =	vst v0  }
0x1a: {  	[tilespmem:$0x8A00] =	vst v0  }
0x1b: {  	[tilespmem:$0x8480] =	vst v0  }
0x1c: {  	[tilespmem:$0x8490] =	vst v0  }
0x1d: {  	[tilespmem:$0x84A0] =	vst v0  }
0x1e: {  	[tilespmem:$0x84B0] =	vst v0  }
0x1f: {  	[tilespmem:$0x84C0] =	vst v0  }
0x20: {  	[tilespmem:$0x84D0] =	vst v0  }
0x21: {  	[tilespmem:$0x84E0] =	vst v0  }
0x22: {  	[tilespmem:$0x84F0] =	vst v0  }
0x23: {  	[tilespmem:$0x8A10] =	vst v0  }
0x24: {  	[tilespmem:$0x8500] =	vst v0  }
0x25: {  	[tilespmem:$0x8510] =	vst v0  }
0x26: {  	[tilespmem:$0x8520] =	vst v0  }
0x27: {  	[tilespmem:$0x8530] =	vst v0  }
0x28: {  	[tilespmem:$0x8540] =	vst v0  }
0x29: {  	[tilespmem:$0x8550] =	vst v0  }
0x2a: {  	[tilespmem:$0x8560] =	vst v0  }
0x2b: {  	[tilespmem:$0x8570] =	vst v0  }
0x2c: {  	[tilespmem:$0x8A20] =	vst v0  }
0x2d: {  	[tilespmem:$0x8580] =	vst v0  }
0x2e: {  	[tilespmem:$0x8590] =	vst v0  }
0x2f: {  	[tilespmem:$0x85A0] =	vst v0  }
0x30: {  	[tilespmem:$0x85B0] =	vst v0  }
0x31: {  	[tilespmem:$0x85C0] =	vst v0  }
0x32: {  	[tilespmem:$0x85D0] =	vst v0  }
0x33: {  	[tilespmem:$0x85E0] =	vst v0  }
0x34: {  	[tilespmem:$0x85F0] =	vst v0  }
0x35: {  	[tilespmem:$0x8A30] =	vst v0  }
0x36: {  	[tilespmem:$0x8600] =	vst v0  }
0x37: {  	[tilespmem:$0x8610] =	vst v0  }
0x38: {  	[tilespmem:$0x8620] =	vst v0  }
0x39: {  	[tilespmem:$0x8630] =	vst v0  }
0x3a: {  	[tilespmem:$0x8640] =	vst v0  }
0x3b: {  	[tilespmem:$0x8650] =	vst v0  }
0x3c: {  	[tilespmem:$0x8660] =	vst v0  }
0x3d: {  	[tilespmem:$0x8670] =	vst v0  }
0x3e: {  	[tilespmem:$0x8A40] =	vst v0  }
0x3f: {  	[tilespmem:$0x8680] =	vst v0  }
0x40: {  	[tilespmem:$0x8690] =	vst v0  }
0x41: {  	[tilespmem:$0x86A0] =	vst v0  }
0x42: {  	[tilespmem:$0x86B0] =	vst v0  }
0x43: {  	[tilespmem:$0x86C0] =	vst v0  }
0x44: {  	[tilespmem:$0x86D0] =	vst v0  }
0x45: {  	[tilespmem:$0x86E0] =	vst v0  }
0x46: {  	[tilespmem:$0x86F0] =	vst v0  }
0x47: {  	[tilespmem:$0x8A50] =	vst v0  }
0x48: {  	[tilespmem:$0x8700] =	vst v0  }
0x49: {  	[tilespmem:$0x8710] =	vst v0  }
0x4a: {  	[tilespmem:$0x8720] =	vst v0  }
0x4b: {  	[tilespmem:$0x8730] =	vst v0  }
0x4c: {  	[tilespmem:$0x8740] =	vst v0  }
0x4d: {  	[tilespmem:$0x8750] =	vst v0  }
0x4e: {  	[tilespmem:$0x8760] =	vst v0  }
0x4f: {  	[tilespmem:$0x8770] =	vst v0  }
0x50: {  	[tilespmem:$0x8A60] =	vst v0  }
0x51: {  	[tilespmem:$0x8780] =	vst v0  }
0x52: {  	[tilespmem:$0x8790] =	vst v0  }
0x53: {  	[tilespmem:$0x87A0] =	vst v0  }
0x54: {  	[tilespmem:$0x87B0] =	vst v0  }
0x55: {  	[tilespmem:$0x87C0] =	vst v0  }
0x56: {  	[tilespmem:$0x87D0] =	vst v0  }
0x57: {  	[tilespmem:$0x87E0] =	vst v0  }
0x58: {  	[tilespmem:$0x87F0] =	vst v0  }
0x59: {  	[tilespmem:$0x8A70] =	vst v0  }
0x5a: {  	[tilespmem:$0x8800] =	vst v0  }
0x5b: {  	[tilespmem:$0x8810] =	vst v0  }
0x5c: {  	[tilespmem:$0x8820] =	vst v0  }
0x5d: {  	[tilespmem:$0x8830] =	vst v0  }
0x5e: {  	[tilespmem:$0x8840] =	vst v0  }
0x5f: {  	[tilespmem:$0x8850] =	vst v0  }
0x60: {  	[tilespmem:$0x8860] =	vst v0  }
0x61: {  	[tilespmem:$0x8870] =	vst v0  }
0x62: {  	[tilespmem:$0x8A80] =	vst v0  }
0x63: {  	[tilespmem:$0x8880] =	vst v0  }
0x64: {  	[tilespmem:$0x8890] =	vst v0  }
0x65: {  	[tilespmem:$0x88A0] =	vst v0  }
0x66: {  	[tilespmem:$0x88B0] =	vst v0  }
0x67: {  	[tilespmem:$0x88C0] =	vst v0  }
0x68: {  	[tilespmem:$0x88D0] =	vst v0  }
0x69: {  	[tilespmem:$0x88E0] =	vst v0  }
0x6a: {  	[tilespmem:$0x88F0] =	vst v0  }
0x6b: {  	[tilespmem:$0x8A90] =	vst v0  }
0x6c: {  	[tilespmem:$0x8900] =	vst v0  }
0x6d: {  	[tilespmem:$0x8910] =	vst v0  }
0x6e: {  	[tilespmem:$0x8920] =	vst v0  }
0x6f: {  	[tilespmem:$0x8930] =	vst v0  }
0x70: {  	[tilespmem:$0x8940] =	vst v0  }
0x71: {  	[tilespmem:$0x8950] =	vst v0  }
0x72: {  	[tilespmem:$0x8960] =	vst v0  }
0x73: {  	[tilespmem:$0x8970] =	vst v0  }
0x74: {  	[tilespmem:$0x8AA0] =	vst v0  }
0x75: {  	[tilespmem:$0x8980] =	vst v0  }
0x76: {  	[tilespmem:$0x8990] =	vst v0  }
0x77: {  	[tilespmem:$0x89A0] =	vst v0  }
0x78: {  	[tilespmem:$0x89B0] =	vst v0  }
0x79: {  	[tilespmem:$0x89C0] =	vst v0  }
0x7a: {  	[tilespmem:$0x89D0] =	vst v0  }
0x7b: {  	[tilespmem:$0x89E0] =	vst v0  }
0x7c: {  	[tilespmem:$0x89F0] =	vst v0  }
0x7d: {  	s20 =	simm.s32 $0x300;
	s22 =	sadd.s32 $0x0, s11;
	s21 =	sadd.s32 $0x600, s12;
	[tilespmem:$0x8AB0] =	vst v0  }
0x7e: {  	[spmem:s12] =	stream.linear.scatter [tilespmem:s15], [sflag:$0x1], $0x600, $0x38;
	[tilespmem:$0x1F080] =	vst v63  }
.LBB2_2:
0x7f: {  	[spmem:s22] =	stream.linear.scatter [tilespmem:s16], [sflag:$0x1], $0xC0, $0x38;
	[tilespmem:$0x1F080] =	vst v63  }
0x80: {  	s22 =	smov.u32 s20;
	p0 =	sne.s32 s20, $0x9C00  }
.Ltmp0:
0x81: {  	s20 =	sadd.s32 $0x300, s20;
	(pc) =	sbr.rel @p0 .LBB2_2-.Ltmp0, $4  }
0x82: {  	[spmem:s21] =	stream.linear.scatter [tilespmem:s15], [sflag:$0x1], $0x600, $0x38;
	[tilespmem:$0x1F080] =	vst v63  }
0x83: {  	_ = 	snop  }
0x84: {  	s22 =	sshra.s32 s22, $0x2  }
0x85: {  	s22 =	sadd.s32 s22, s11;
	s21 =	sadd.s32 $0x600, s21  }
0x86: {  	[spmem:s22] =	stream.linear.scatter [tilespmem:s16], [sflag:$0x1], $0xC0, $0x38;
	[tilespmem:$0x1F080] =	vst v63  }
0x87: {  	_ =	swait.ge [sflag:s17], $0x600  }
0x88: {  	[sflag:s17] =	ssyncset.done $0x0  }
0x89: {  	[sflag:s17] =	ssyncadd.s32 $0xFFFFFA00  }
0x8a: {  	_ =	swait.ge [sflag:s17], $0xC0  }
0x8b: {  	s20 =	simm.s32 $0x34;
	[sflag:s17] =	ssyncset.done $0x0  }
.LBB2_4:
0x8c: {  	p0 =	sne.s32 s20, $0x1;
	s20 =	sadd.s32 $0xFFFFFFFF, s20;
	[sflag:s17] =	ssyncadd.s32 $0xFFFFFF40  }
.Ltmp1:
0x8d: {  	_ =	swait.ge [sflag:s17], $0x600;
	(pc) =	sbr.rel @p0 .LBB2_4-.Ltmp1, $4  }
0x8e: {  	[sflag:s17] =	ssyncset.done $0x0  }
0x8f: {  	[sflag:s17] =	ssyncadd.s32 $0xFFFFFA00  }
0x90: {  	_ =	swait.ge [sflag:s17], $0xC0  }
0x91: {  	[sflag:s17] =	ssyncset.done $0x0  }
.Ltmp2:
0x92: {  	(pc) =	sbr.rel .LBB2_6-.Ltmp2, $4  }
0x93: {  	_ = 	snop  }
0x94: {  	[sflag:s17] =	ssyncadd.s32 $0xFFFFFF40  }
0x95: {  	[bflag:$0x0] =	sbarrier.arrive $0xFFFF  }
0x96: {  	s20 =	simm.s32 $0x0;
	p0 =	por $0x1, $0x1  }
.LBB2_12:
0x97: {  	s20 =	sadd.s32 $0x1, s20  }
0x98: {  	p1 =	sne.s32 s20, $0x6E  }
.Ltmp3:
0x99: {  	_ = 	snop;
	(pc) =	sbr.rel @!p1 .LBB2_13-.Ltmp3, $2  }
0x9a: {  	_ =	sdelay $0x2  }
0x9b: {  	p0 =	por !p0, !p0  }
.LBB2_6:
0x9c: {  	p1 =	slt.u32 s20, $0x2  }
0x9d: {  	s21 =	simm.s32 @!p1 $0x2;
	p2 =	sgt.u32 @!p1 s20, $0x6B  }
0x9e: {  	_ =	swait.ge @!p1 [sflag:s21], $0x600;
	p2 =	por p1, !p2  }
.Ltmp4:
0x9f: {  	[sflag:s21] =	ssyncset.done @!p1 $0x0;
	(pc) =	sbr.rel @!p2 .LBB2_8-.Ltmp4, $4  }
0xa0: {  	[sflag:s21] =	ssyncadd.s32 @!p1 $0xFFFFFA00  }
0xa1: {  	_ =	swait.ge @!p1 [sflag:s21], $0x3000  }
0xa2: {  	[sflag:s21] =	ssyncset.done @!p1 $0x0  }
0xa3: {  	s24 =	sand.u32 $0x1, s20;
	[sflag:s21] =	ssyncadd.s32 @!p1 $0xFFFFD000  }
0xa4: {  	s21 =	smul.u32 $0xAB, s20;
	_ =	sdelay $0x1  }
0xa5: {  	s21 =	sshrl.u32 s21, $0xB  }
0xa6: {  	s21 =	sand.u32 $0x1F, s21  }
0xa7: {  	s21 =	smul.u32 $0xC, s21;
	_ =	sdelay $0x1  }
0xa8: {  	s21 =	ssub.s32 s20, s21  }
0xa9: {  	s21 =	sand.u32 $0xFF, s21  }
0xaa: {  	p1 =	sne.s32 s21, $0x0  }
0xab: {  	s22 =	sadd.s32 @!p1 s9, s20  }
0xac: {  	s22 =	smul.u32 @!p1 $0xC, s22;
	_ =	sdelay $0x1  }
0xad: {  	s23 =	simm.s32 @!p1 $0x0;
	s22 =	sadd.s32 @!p1 s8, s22  }
0xae: {  	[tilespmem:s23], [sflag:$0x3] =	stream.linear.gather @!p1 [hbm4b:s22+s23], $0x480, $0x38;
	[tilespmem:$0x1F080] =	vst v63  }
0xaf: {  	s22 =	simm.s32 @!p1 $0x3  }
0xb0: {  	s21 =	smul.u32 $0x180, s21;
	_ =	swait.ge @!p1 [sflag:s22], $0x480  }
0xb1: {  	[sflag:s22] =	ssyncset.done @!p1 $0x0  }
0xb2: {  	s21 =	sshrl.u32 s21, $0x2;
	[sflag:s22] =	ssyncadd.s32 @!p1 $0xFFFFFB80  }
0xb3: {  	v0 =	vld [tilespmem:s21+$0x0];
	_ =	sdelay $0x3  }
0xb4: {  	s23 =	smul.u32 $0x60, s24  }
0xb5: {  	v9 =	vand.u32 $0x3FFF, v0  }
0xb6: {  	v0 =	vshra.s32 v0, $0xE;
	[tilespmem:s23+$0x480] =	vst v9  }
0xb7: {  	[tilespmem:s23+$0x540] =	vst v0  }
0xb8: {  	v0 =	vld [tilespmem:s21+$0x10];
	_ =	sdelay $0x4  }
0xb9: {  	v9 =	vand.u32 $0x3FFF, v0  }
0xba: {  	v0 =	vshra.s32 v0, $0xE;
	[tilespmem:s23+$0x490] =	vst v9  }
0xbb: {  	[tilespmem:s23+$0x550] =	vst v0  }
0xbc: {  	v0 =	vld [tilespmem:s21+$0x20];
	_ =	sdelay $0x4  }
0xbd: {  	v9 =	vand.u32 $0x3FFF, v0  }
0xbe: {  	v0 =	vshra.s32 v0, $0xE;
	[tilespmem:s23+$0x4A0] =	vst v9  }
0xbf: {  	[tilespmem:s23+$0x560] =	vst v0  }
0xc0: {  	v0 =	vld [tilespmem:s21+$0x30];
	_ =	sdelay $0x4  }
0xc1: {  	v9 =	vand.u32 $0x3FFF, v0  }
0xc2: {  	v0 =	vshra.s32 v0, $0xE;
	[tilespmem:s23+$0x4B0] =	vst v9  }
0xc3: {  	[tilespmem:s23+$0x570] =	vst v0  }
0xc4: {  	v0 =	vld [tilespmem:s21+$0x40];
	_ =	sdelay $0x4  }
0xc5: {  	v9 =	vand.u32 $0x3FFF, v0  }
0xc6: {  	v0 =	vshra.s32 v0, $0xE;
	[tilespmem:s23+$0x4C0] =	vst v9  }
0xc7: {  	[tilespmem:s23+$0x580] =	vst v0  }
0xc8: {  	v0 =	vld [tilespmem:s21+$0x50];
	_ =	sdelay $0x3  }
0xc9: {  	s26 =	smul.u32 $0xC000, s24  }
0xca: {  	v9 =	vand.u32 $0x3FFF, v0  }
0xcb: {  	s21 =	sshrl.u32 s26, $0x2;
	v0 =	vshra.s32 v0, $0xE;
	[tilespmem:s23+$0x4D0] =	vst v9  }
0xcc: {  	s25 =	smul.u32 $0x600, s24;
	s28 =	sor.u32 $0x480, s23;
	s21 =	sor.u32 $0x600, s21;
	[tilespmem:s23+$0x590] =	vst v0  }
0xcd: {  	[tilespmem:s21], [sflag:$0x1] =	stream.indirect.gather [hbm4b:s5+s18], $0x80, s28, s18, $0xb8;
	[tilespmem:$0x1F080] =	vst v63  }
0xce: {  	s30 =	sadd.s32 $0x6600, s25;
	s29 =	sadd.s32 $0x540, s23  }
0xcf: {  	[tilespmem:s30], [sflag:$0x1] =	stream.indirect.gather [hbm4b:s6+s18], $0x10, s29, s18, $0xb8;
	[tilespmem:$0x1F080] =	vst v63  }
0xd0: {  	s31 =	sadd.s32 $0x7200, s25  }
0xd1: {  	[tilespmem:s31], [sflag:$0x1] =	stream.indirect.gather [hbm4b:s7+s18], $0x10, s28, s18, $0xb8;
	[tilespmem:$0x1F080] =	vst v63  }
.LBB2_8:
0xd2: {  	p1 =	seq.s32 s20, $0x0  }
0xd3: {  	p2 =	seq.s32 @!p1 s20, $0x6D  }
0xd4: {  	p1 =	por p1, p2  }
.Ltmp5:
0xd5: {  	_ = 	snop;
	(pc) =	sbr.rel @p1 .LBB2_12-.Ltmp5, $1  }
0xd6: {  	_ =	sdelay $0x3  }
0xd7: {  	_ =	swait.ge [sflag:s17], $0x3000  }
0xd8: {  	[sflag:s17] =	ssyncset.done $0x0  }
0xd9: {  	[sflag:s17] =	ssyncadd.s32 $0xFFFFD000  }
0xda: {  	s21 =	simm.s32 $0x1;
	_ =	swait.ge [sflag:s17], $0x600  }
0xdb: {  	s21 =	simm.s32 @!p0 $0x0;
	[sflag:s17] =	ssyncset.done $0x0  }
0xdc: {  	s22 =	smul.u32 $0x1800, s21;
	[sflag:s17] =	ssyncadd.s32 $0xFFFFFA00  }
0xdd: {  	_ =	swait.ge [sflag:s17], $0x600  }
0xde: {  	s22 =	sshrl.u32 s22, $0x2;
	[sflag:s17] =	ssyncset.done $0x0  }
0xdf: {  	s23 =	sadd.s32 $0x6620, s22;
	[sflag:s17] =	ssyncadd.s32 $0xFFFFFA00  }
0xe0: {  	s22 =	sadd.s32 $0x7220, s22;
	v0 =	vld [tilespmem:s23+$0x10]  }
0xe1: {  	v9 =	vld [tilespmem:s22+$0x10];
	_ =	sdelay $0x1  }
0xe2: {  	v10 =	vld [tilespmem:s22+$0xFFFFFFE0]  }
0xe3: {  	v11 =	vld [tilespmem:s23+$0xFFFFFFF0]  }
0xe4: {  	v12 =	vld [tilespmem:s22+$0xFFFFFFF0]  }
0xe5: {  	v13 =	vld [tilespmem:s23+$0x0];
	v0 =	vadd.f32 v9, v0  }
0xe6: {  	v14 =	vld [tilespmem:s22+$0x0]  }
0xe7: {  	v9 =	vld [tilespmem:s23+$0xFFFFFFE0];
	v15 =	vmul.f32 $2.000000030e-01, v0  }
0xe8: {  	vm0 =	vge.f32 v0, $0.0e+00  }
0xe9: {  	v11 =	vadd.f32 v12, v11;
	v0 =	vsel vm0, v0, v15  }
0xea: {  	v0 =	vmul.f32 $1.442695020e+00, v0  }
0xeb: {  	v12 =	vadd.f32 v14, v13;
	v13 =	vmul.f32 $2.000000030e-01, v11  }
0xec: {  	vm11 =	vge.f32 v11, $0.0e+00;
	v9 =	vadd.f32 v10, v9;
	(erf) = vpow2.f32 v0  }
0xed: {  	v11 =	vsel vm11, v11, v13;
	v10 =	vmul.f32 $2.000000030e-01, v12  }
0xee: {  	v11 =	vmul.f32 $1.442695020e+00, v11;
	v0 =	vmul.f32 $2.000000030e-01, v9  }
0xef: {  	vm1 =	vge.f32 v12, $0.0e+00;
	vm12 =	vge.f32 v9, $0.0e+00  }
0xf0: {  	s26 =	sadd.s32 $0x40, s23;
	v10 =	vsel vm1, v12, v10;
	(erf) = vpow2.f32 v11;
	v0 =	vsel vm12, v9, v0  }
0xf1: {  	v49 =	vld [tilespmem:s26+$0x10];
	v9 =	vmul.f32 $1.442695020e+00, v10;
	v0 =	vmul.f32 $1.442695020e+00, v0  }
0xf2: {  	v58 =	vld [tilespmem:s26+$0xFFFFFFF0]  }
0xf3: {  	s22 =	sadd.s32 $0x40, s22;
	v61 =	vld [tilespmem:s26+$0x0];
	(erf) = vpow2.f32 v9  }
0xf4: {  	s21 =	smul.u32 $0xC000, s21;
	v52 =	vld [tilespmem:s22+$0x10]  }
0xf5: {  	v4 =	vimm.s32 $0x0;
	v55 =	vld [tilespmem:s22+$0xFFFFFFE0];
	(erf) = vpow2.f32 v0;
	v0 =	vpop (erf)  }
0xf6: {  	s25 =	simm.s32 $0x7E20;
	v1 =	vimm.s32 $0x1;
	s21 =	sshrl.u32 s21, $0x2;
	v60 =	vld [tilespmem:s22+$0xFFFFFFF0];
	v19 =	vperm.xlane v0, v4  }
0xf7: {  	s21 =	sor.u32 $0x700, s21;
	v62 =	vld [tilespmem:s22+$0x0];
	[tilespmem:s25+$0x10] =	vst v0;
	v22 =	vperm.xlane v0, v1;
	v23 =	vperm.xlane v0, v5  }
0xf8: {  	v10 =	vperm.xlane v0, v6;
	v9 =	vperm.xlane v0, v2;
	v13 =	vld [tilespmem:s21+$0xF0]  }
0xf9: {  	v16 =	vpop (erf);
	v12 =	vperm.xlane v0, v8;
	v11 =	vperm.xlane v0, v3;
	v2 =	vimm.s32 $0x7;
	v14 =	vld [tilespmem:s21+$0x80]  }
0xfa: {  	v15 =	vld [tilespmem:s21+$0x90];
	v27 =	vperm.xlane v16, v4;
	v0 =	vperm.xlane v0, v2  }
0xfb: {  	v6 =	vimm.s32 $0x3;
	[tilespmem:s25+$0xFFFFFFF0] =	vst v16;
	v17 =	vld [tilespmem:s21+$0xA0];
	v29 =	vperm.xlane v16, v1;
	v30 =	vperm.xlane v16, v5  }
0xfc: {  	v8 =	vimm.s32 $0x5;
	v43 =	vperm.xlane v16, v6;
	v45 =	vperm.xlane v16, v7;
	v20 =	vld [tilespmem:s21+$0xFFFFFF80];
	v18 =	vpop (erf)  }
0xfd: {  	v46 =	vperm.xlane v16, v8;
	v24 =	vld [tilespmem:s21+$0xFFFFFF90];
	v50 =	vperm.xlane v18, v4  }
0xfe: {  	v44 =	vld [tilespmem:s21+$0xFFFFFFA0];
	v21 =	vpop (erf);
	v51 =	vperm.xlane v18, v1;
	v53 =	vperm.xlane v18, v5  }
0xff: {  	v3 =	vimm.s32 $0x6;
	v47 =	vld [tilespmem:s21+$0xFFFFFFB0];
	v54 =	vperm.xlane v18, v6;
	v56 =	vperm.xlane v18, v7;
	[tilespmem:s25+$0xFFFFFFE0] =	vst v21  }
0x100: {  	v57 =	vperm.xlane v18, v8;
	v59 =	vperm.xlane v18, v3;
	v25 =	vld [tilespmem:s21+$0xFFFFFF00]  }
0x101: {  	v32 =	vperm.xlane v21, v4;
	v34 =	vperm.xlane v21, v1;
	v26 =	vld [tilespmem:s21+$0xFFFFFF10]  }
0x102: {  	v35 =	vperm.xlane v21, v5;
	v37 =	vperm.xlane v21, v6;
	v28 =	vld [tilespmem:s21+$0xFFFFFF20]  }
0x103: {  	v38 =	vperm.xlane v21, v7;
	v40 =	vperm.xlane v21, v8;
	v42 =	vld [tilespmem:s21+$0xFFFFFF70]  }
0x104: {  	v41 =	vperm.xlane v21, v3;
	v21 =	vperm.xlane v21, v2;
	v31 =	vld [tilespmem:s21+$0xFFFFFF30]  }
0x105: {  	v0 =	vmul.f32 v13, v0;
	v33 =	vld [tilespmem:s21+$0xFFFFFF40];
	v13 =	vperm.xlane v18, v2  }
0x106: {  	v36 =	vld [tilespmem:s21+$0xFFFFFF50];
	v14 =	vmul.f32 v14, v19;
	v15 =	vmul.f32 v15, v22  }
0x107: {  	[tilespmem:s25+$0x0] =	vst v18;
	v39 =	vld [tilespmem:s21+$0xFFFFFF60];
	v17 =	vmul.f32 v17, v23;
	v20 =	vmul.f32 v20, v27;
	v27 =	vadd.f32 v52, v49  }
0x108: {  	v19 =	vld [tilespmem:s21+$0xFFFFFFE0];
	[tilespmem:s21+$0xF0] =	vst v0;
	v18 =	vmul.f32 v42, v21;
	v21 =	vmul.f32 v24, v29  }
0x109: {  	v23 =	vld [tilespmem:s21+$0xFFFFFFF0];
	[tilespmem:s21+$0x80] =	vst v14;
	v29 =	vmul.f32 v44, v30;
	v30 =	vmul.f32 $2.000000030e-01, v27  }
0x10a: {  	v48 =	vperm.xlane v16, v3;
	v49 =	vld [tilespmem:s21+$0xFFFFFFC0];
	v0 =	vmul.f32 v47, v43;
	[tilespmem:s21+$0x90] =	vst v15;
	vm13 =	vge.f32 v27, $0.0e+00  }
0x10b: {  	v15 =	vld [tilespmem:s21+$0xB0];
	[tilespmem:s21+$0xFFFFFF80] =	vst v20;
	v20 =	vadd.f32 v60, v58;
	v25 =	vmul.f32 v25, v32;
	v22 =	vsel vm13, v27, v30  }
0x10c: {  	[tilespmem:s21+$0xA0] =	vst v17;
	v63 =	vmul.f32 v36, v40;
	v40 =	vld [tilespmem:s26+$0xFFFFFFE0];
	v22 =	vmul.f32 $1.442695020e+00, v22  }
0x10d: {  	v16 =	vperm.xlane v16, v2;
	v17 =	vld [tilespmem:s21+$0xE0];
	[tilespmem:s21+$0xFFFFFF00] =	vst v25;
	v25 =	vmul.f32 $2.000000030e-01, v20  }
0x10e: {  	[tilespmem:s21+$0xFFFFFFB0] =	vst v0;
	v26 =	vmul.f32 v26, v34;
	v24 =	vld [tilespmem:s21+$0xFFFFFFD0];
	vm14 =	vge.f32 v20, $0.0e+00;
	(erf) = vpow2.f32 v22  }
0x10f: {  	v28 =	vmul.f32 v28, v35;
	v58 =	vmul.f32 v23, v16;
	v16 =	vld [tilespmem:s21+$0xD0];
	[tilespmem:s21+$0xFFFFFF90] =	vst v21;
	v20 =	vsel vm14, v20, v25  }
0x110: {  	v31 =	vmul.f32 v31, v37;
	v21 =	vadd.f32 v62, v61;
	[tilespmem:s21+$0xFFFFFF10] =	vst v26;
	v27 =	vld [tilespmem:s21+$0x0];
	v20 =	vmul.f32 $1.442695020e+00, v20  }
0x111: {  	v33 =	vmul.f32 v33, v38;
	[tilespmem:s21+$0xFFFFFF20] =	vst v28;
	v30 =	vld [tilespmem:s21+$0x10];
	v26 =	vadd.f32 v55, v40  }
0x112: {  	[tilespmem:s21+$0xFFFFFF30] =	vst v31;
	v31 =	vld [tilespmem:s21+$0x30];
	v28 =	vmul.f32 $2.000000030e-01, v21;
	(erf) = vpow2.f32 v20  }
0x113: {  	v41 =	vmul.f32 v39, v41;
	[tilespmem:s21+$0xFFFFFF40] =	vst v33;
	vm15 =	vge.f32 v21, $0.0e+00;
	v25 =	vld [tilespmem:s21+$0x20];
	v22 =	vmul.f32 $2.000000030e-01, v26  }
0x114: {  	[tilespmem:s21+$0xFFFFFF50] =	vst v63;
	v55 =	vld [tilespmem:s21+$0x60];
	v21 =	vsel vm15, v21, v28;
	vm2 =	vge.f32 v26, $0.0e+00  }
0x115: {  	[tilespmem:s21+$0xFFFFFF60] =	vst v41;
	v21 =	vmul.f32 $1.442695020e+00, v21;
	v20 =	vld [tilespmem:s21+$0x50];
	v22 =	vsel vm2, v26, v22  }
0x116: {  	[tilespmem:s21+$0xFFFFFF70] =	vst v18;
	v26 =	vmul.f32 v24, v46;
	v24 =	vld [tilespmem:s21+$0x40];
	v14 =	vmul.f32 $1.442695020e+00, v22  }
0x117: {  	s28 =	simm.s32 $0x7E60;
	[tilespmem:s21+$0xFFFFFFA0] =	vst v29;
	v28 =	vmul.f32 v49, v45;
	(erf) = vpow2.f32 v21;
	v22 =	vld [tilespmem:s21+$0x70];
	v29 =	vpop (erf)  }
0x118: {  	s23 =	sadd.s32 $0x200, s21;
	(erf) = vpow2.f32 v14;
	v14 =	vld [tilespmem:s21+$0xC0];
	[tilespmem:s28+$0x10] =	vst v29  }
0x119: {  	[tilespmem:s21+$0xFFFFFFC0] =	vst v28;
	v33 =	vmul.f32 v55, v59;
	v0 =	vld [tilespmem:s23+$0xF0]  }
0x11a: {  	v52 =	vmul.f32 v19, v48;
	v36 =	vmul.f32 v27, v50;
	[tilespmem:s21+$0xFFFFFFD0] =	vst v26;
	v27 =	vld [tilespmem:s23+$0x80]  }
0x11b: {  	v30 =	vmul.f32 v30, v51;
	v31 =	vmul.f32 v31, v54;
	v28 =	vld [tilespmem:s23+$0x90];
	v26 =	vpop (erf);
	[tilespmem:$0x1FFF0] =	vst v33  }
0x11c: {  	v37 =	vmul.f32 v25, v53;
	v63 =	vmul.f32 v20, v57;
	[tilespmem:s28+$0xFFFFFFF0] =	vst v26  }
0x11d: {  	v46 =	vmul.f32 v24, v56;
	v25 =	vperm.xlane v29, v4;
	[tilespmem:s21+$0xFFFFFFE0] =	vst v52  }
0x11e: {  	v24 =	vperm.xlane v29, v1;
	v23 =	vperm.xlane v29, v5;
	[tilespmem:s21+$0xFFFFFFF0] =	vst v58  }
0x11f: {  	v20 =	vperm.xlane v29, v6;
	v21 =	vperm.xlane v29, v7;
	[tilespmem:s21+$0x0] =	vst v36  }
0x120: {  	v18 =	vperm.xlane v29, v8;
	v19 =	vperm.xlane v29, v3;
	v34 =	vld [tilespmem:s23+$0xA0];
	[tilespmem:s21+$0x10] =	vst v30  }
0x121: {  	v29 =	vperm.xlane v29, v2;
	v41 =	vperm.xlane v26, v4;
	[tilespmem:s21+$0x20] =	vst v37;
	v44 =	vpop (erf);
	v43 =	vld [tilespmem:s23+$0xFFFFFF80]  }
0x122: {  	v42 =	vperm.xlane v26, v1;
	v40 =	vperm.xlane v26, v5;
	[tilespmem:s21+$0x50] =	vst v63;
	v47 =	vld [tilespmem:s23+$0xFFFFFF90];
	v39 =	vpop (erf)  }
0x123: {  	v49 =	vperm.xlane v26, v6;
	v38 =	vperm.xlane v26, v8;
	v63 =	vld [tilespmem:s23+$0xFFFFFFA0];
	[tilespmem:s28+$0xFFFFFFE0] =	vst v39  }
0x124: {  	[tilespmem:s21+$0x30] =	vst v31;
	v37 =	vperm.xlane v26, v3;
	v35 =	vperm.xlane v26, v2;
	v56 =	vld [tilespmem:s23+$0xFFFFFF00]  }
0x125: {  	[tilespmem:s21+$0x40] =	vst v46;
	v31 =	vperm.xlane v44, v4;
	v0 =	vmul.f32 v0, v29;
	v59 =	vld [tilespmem:s23+$0xFFFFFF10]  }
0x126: {  	[tilespmem:s28+$0x0] =	vst v44;
	v32 =	vperm.xlane v44, v5;
	v30 =	vperm.xlane v44, v6;
	v60 =	vld [tilespmem:s23+$0xFFFFFF20]  }
0x127: {  	v36 =	vperm.xlane v44, v7;
	v33 =	vperm.xlane v44, v8;
	v61 =	vld [tilespmem:s23+$0xFFFFFF30];
	[tilespmem:s23+$0xF0] =	vst v0  }
0x128: {  	v29 =	vperm.xlane v44, v1;
	v50 =	vperm.xlane v39, v4;
	v0 =	vld [tilespmem:$0x1FFF0]  }
0x129: {  	v57 =	vperm.xlane v39, v1;
	v54 =	vperm.xlane v39, v5;
	v62 =	vld [tilespmem:s23+$0xFFFFFF40]  }
0x12a: {  	v58 =	vperm.xlane v39, v6;
	v53 =	vperm.xlane v39, v7;
	v45 =	vld [tilespmem:s23+$0xFFFFFF50]  }
0x12b: {  	v55 =	vperm.xlane v39, v8;
	v51 =	vperm.xlane v39, v3;
	v46 =	vld [tilespmem:s23+$0xFFFFFF60]  }
0x12c: {  	s24 =	sxor.u32 $0x1, s24;
	s29 =	simm.s32 $0x4;
	v52 =	vperm.xlane v39, v2;
	v39 =	vperm.xlane v26, v7;
	v48 =	vld [tilespmem:s23+$0xFFFFFF70]  }
0x12d: {  	s30 =	sadd.s32 $0x40, s26;
	s25 =	smul.u32 $0x60, s24;
	s26 =	smov.u32 s23;
	v26 =	vperm.xlane v44, v3;
	v44 =	vperm.xlane v44, v2;
	[tilespmem:s21+$0x60] =	vst v0;
	v0 =	vld [tilespmem:s23+$0xFFFFFFB0]  }
.LBB2_10:
0x12e: {  	v1 =	vld [tilespmem:s30+$0x10];
	v50 =	vmul.f32 v56, v50;
	v56 =	vmul.f32 v59, v57;
	s22 =	sadd.s32 $0x40, s22  }
0x12f: {  	s29 =	sadd.s32 $0x4, s29;
	v54 =	vmul.f32 v60, v54;
	v58 =	vmul.f32 v61, v58;
	v57 =	vld [tilespmem:s22+$0x10]  }
0x130: {  	v45 =	vmul.f32 v45, v55;
	p1 =	slt.u32 s29, $0x5C;
	v59 =	vld [tilespmem:s22+$0xFFFFFFE0];
	[tilespmem:s23+$0xFFFFFF00] =	vst v50;
	v50 =	vmul.f32 v62, v53  }
0x131: {  	v46 =	vmul.f32 v46, v51;
	v48 =	vmul.f32 v48, v52;
	v53 =	vld [tilespmem:s30+$0xFFFFFFF0];
	[tilespmem:s23+$0xFFFFFF10] =	vst v56  }
0x132: {  	v41 =	vmul.f32 v43, v41;
	v42 =	vmul.f32 v47, v42;
	v51 =	vld [tilespmem:s22+$0xFFFFFFF0];
	[tilespmem:s23+$0xFFFFFF20] =	vst v54  }
0x133: {  	v40 =	vmul.f32 v63, v40;
	v0 =	vmul.f32 v0, v49;
	v43 =	vld [tilespmem:s30+$0x0];
	[tilespmem:s23+$0xFFFFFF30] =	vst v58  }
0x134: {  	v25 =	vmul.f32 v27, v25;
	v22 =	vmul.f32 v22, v13;
	v47 =	vld [tilespmem:s22+$0x0];
	v1 =	vadd.f32 v57, v1;
	[tilespmem:s23+$0xFFFFFF40] =	vst v50  }
0x135: {  	v24 =	vmul.f32 v28, v24;
	v23 =	vmul.f32 v34, v23;
	v13 =	vmov v44;
	v27 =	vld [tilespmem:s30+$0xFFFFFFE0];
	[tilespmem:s23+$0xFFFFFF50] =	vst v45  }
0x136: {  	v45 =	vmul.f32 v15, v10;
	v10 =	vmov v20;
	v28 =	vmul.f32 $2.000000030e-01, v1;
	[tilespmem:s23+$0xFFFFFF60] =	vst v46;
	v34 =	vld [tilespmem:s23+$0xFFFFFFC0]  }
0x137: {  	vm0 =	vge.f32 v1, $0.0e+00;
	v46 =	vmul.f32 v14, v9;
	v9 =	vmovc v21;
	v15 =	vadd.f32 v51, v53;
	[tilespmem:s23+$0xFFFFFF70] =	vst v48;
	v20 =	vld [tilespmem:s23+$0xFFFFFFD0]  }
0x138: {  	v44 =	vmul.f32 v17, v11;
	v48 =	vmul.f32 v16, v12;
	v1 =	vsel vm0, v1, v28;
	[tilespmem:s23+$0xFFFFFF80] =	vst v41;
	v14 =	vld [tilespmem:s23+$0xFFFFFFE0]  }
0x139: {  	v11 =	vmovc v19;
	v12 =	vmovc v18;
	v16 =	vmul.f32 $2.000000030e-01, v15;
	v17 =	vadd.f32 v47, v43;
	v1 =	vmul.f32 $1.442695020e+00, v1;
	[tilespmem:s23+$0xFFFFFF90] =	vst v42;
	v21 =	vld [tilespmem:s23+$0xFFFFFFF0]  }
0x13a: {  	vm0 =	vge.f32 v15, $0.0e+00;
	v18 =	vadd.f32 v59, v27;
	[tilespmem:s23+$0xFFFFFFA0] =	vst v40;
	v19 =	vld [tilespmem:s23+$0x0]  }
0x13b: {  	vm1 =	vge.f32 v17, $0.0e+00;
	v27 =	vmul.f32 $2.000000030e-01, v17;
	(erf) = vpow2.f32 v1;
	[tilespmem:s23+$0xFFFFFFB0] =	vst v0;
	v0 =	vld [tilespmem:s23+$0x10]  }
0x13c: {  	v15 =	vsel vm0, v15, v16;
	vm2 =	vge.f32 v18, $0.0e+00;
	v1 =	vmul.f32 $2.000000030e-01, v18;
	v16 =	vld [tilespmem:s23+$0x20];
	[tilespmem:s21+$0x70] =	vst v22  }
0x13d: {  	v15 =	vmul.f32 $1.442695020e+00, v15;
	v22 =	vmul.f32 v34, v39;
	v17 =	vsel vm1, v17, v27;
	v27 =	vld [tilespmem:s23+$0x30];
	[tilespmem:s23+$0x80] =	vst v25  }
0x13e: {  	v1 =	vsel vm2, v18, v1;
	v17 =	vmul.f32 $1.442695020e+00, v17;
	v18 =	vmul.f32 v20, v38;
	v20 =	vld [tilespmem:s23+$0x40];
	[tilespmem:s23+$0x90] =	vst v24  }
0x13f: {  	v1 =	vmul.f32 $1.442695020e+00, v1;
	(erf) = vpow2.f32 v15;
	[tilespmem:s23+$0xFFFFFFC0] =	vst v22;
	v24 =	vld [tilespmem:s23+$0x50]  }
0x140: {  	v14 =	vmul.f32 v14, v37;
	(erf) = vpow2.f32 v17;
	[tilespmem:s23+$0xFFFFFFD0] =	vst v18;
	v34 =	vld [tilespmem:s23+$0x60]  }
0x141: {  	(erf) = vpow2.f32 v1;
	v1 =	vmul.f32 v21, v35;
	v22 =	vld [tilespmem:s23+$0x70];
	[tilespmem:s23+$0xA0] =	vst v23  }
0x142: {  	v17 =	vmul.f32 v19, v31;
	v0 =	vmul.f32 v0, v29;
	[tilespmem:s23+$0xFFFFFFE0] =	vst v14;
	v15 =	vld [tilespmem:s23+$0xB0]  }
0x143: {  	v63 =	vimm.s32 $0x1;
	v29 =	vmul.f32 v27, v30;
	[tilespmem:s23+$0xFFFFFFF0] =	vst v1;
	v1 =	vmul.f32 v16, v32;
	v14 =	vld [tilespmem:s23+$0xC0]  }
0x144: {  	s28 =	sadd.s32 $0x40, s28;
	v31 =	vmul.f32 v20, v36;
	v36 =	vimm.s32 $0x0;
	v30 =	vpop (erf);
	[tilespmem:s23+$0x0] =	vst v17;
	v32 =	vmul.f32 v24, v33;
	v16 =	vld [tilespmem:s23+$0xD0]  }
0x145: {  	s23 =	sadd.s32 $0x200, s23;
	[tilespmem:s28+$0x10] =	vst v30;
	v25 =	vperm.xlane v30, v36;
	v24 =	vperm.xlane v30, v63;
	v17 =	vld [tilespmem:s26+$0xE0]  }
0x146: {  	v23 =	vperm.xlane v30, v5;
	v20 =	vperm.xlane v30, v6;
	v33 =	vld [tilespmem:s23+$0xF0];
	[tilespmem:s26+$0x10] =	vst v0  }
0x147: {  	v21 =	vperm.xlane v30, v7;
	v18 =	vperm.xlane v30, v8;
	v27 =	vld [tilespmem:s23+$0x80];
	[tilespmem:s26+$0x20] =	vst v1  }
0x148: {  	v19 =	vperm.xlane v30, v3;
	v1 =	vmul.f32 v34, v26;
	v28 =	vld [tilespmem:s23+$0x90];
	v0 =	vpop (erf);
	[tilespmem:s26+$0x30] =	vst v29  }
0x149: {  	v4 =	vimm.s32 $0x7;
	v26 =	vperm.xlane v30, v2;
	[tilespmem:s28+$0xFFFFFFF0] =	vst v0;
	v41 =	vperm.xlane v0, v36;
	v34 =	vld [tilespmem:s23+$0xA0];
	v2 =	vpop (erf)  }
0x14a: {  	v42 =	vperm.xlane v0, v63;
	v40 =	vperm.xlane v0, v5;
	v43 =	vld [tilespmem:s23+$0xFFFFFF80];
	[tilespmem:s28+$0x0] =	vst v2;
	v29 =	vpop (erf)  }
0x14b: {  	[tilespmem:s28+$0xFFFFFFE0] =	vst v29;
	v50 =	vperm.xlane v29, v36;
	v47 =	vld [tilespmem:s23+$0xFFFFFF90];
	v26 =	vmul.f32 v33, v26  }
0x14c: {  	v57 =	vperm.xlane v29, v63;
	v54 =	vperm.xlane v29, v5;
	v56 =	vld [tilespmem:s23+$0xFFFFFF00];
	[tilespmem:s26+$0x40] =	vst v31  }
0x14d: {  	v58 =	vperm.xlane v29, v6;
	v53 =	vperm.xlane v29, v7;
	v59 =	vld [tilespmem:s23+$0xFFFFFF10];
	[tilespmem:s23+$0xF0] =	vst v26  }
0x14e: {  	v55 =	vperm.xlane v29, v8;
	v51 =	vperm.xlane v29, v3;
	v60 =	vld [tilespmem:s23+$0xFFFFFF20];
	[tilespmem:s26+$0x50] =	vst v32  }
0x14f: {  	v49 =	vperm.xlane v0, v6;
	v52 =	vperm.xlane v29, v4;
	v61 =	vld [tilespmem:s23+$0xFFFFFF30];
	[tilespmem:s26+$0x60] =	vst v1  }
0x150: {  	v39 =	vperm.xlane v0, v7;
	v38 =	vperm.xlane v0, v8;
	v62 =	vld [tilespmem:s23+$0xFFFFFF40];
	[tilespmem:s21+$0xB0] =	vst v45  }
.Ltmp6:
0x151: {  	v37 =	vperm.xlane v0, v3;
	v35 =	vperm.xlane v0, v4;
	v45 =	vld [tilespmem:s23+$0xFFFFFF50];
	[tilespmem:s21+$0xC0] =	vst v46;
	(pc) =	sbr.rel @p1 .LBB2_10-.Ltmp6, $4  }
0x152: {  	v29 =	vperm.xlane v2, v63;
	v31 =	vperm.xlane v2, v36;
	v46 =	vld [tilespmem:s23+$0xFFFFFF60];
	[tilespmem:s21+$0xD0] =	vst v48  }
0x153: {  	v30 =	vperm.xlane v2, v6;
	v32 =	vperm.xlane v2, v5;
	v48 =	vld [tilespmem:s23+$0xFFFFFF70];
	[tilespmem:s21+$0xE0] =	vst v44;
	s21 =	smov.u32 s26;
	s26 =	smov.u32 s23  }
0x154: {  	v33 =	vperm.xlane v2, v8;
	v36 =	vperm.xlane v2, v7;
	v63 =	vld [tilespmem:s23+$0xFFFFFFA0]  }
0x155: {  	s30 =	sadd.s32 $0x40, s30;
	v26 =	vperm.xlane v2, v3;
	v44 =	vperm.xlane v2, v4;
	v2 =	vimm.s32 $0x7;
	v0 =	vld [tilespmem:s23+$0xFFFFFFB0]  }
0x156: {  	v1 =	vmul.f32 v56, v50  }
0x157: {  	v2 =	vmul.f32 v59, v57  }
0x158: {  	v60 =	vmul.f32 v60, v54;
	[tilespmem:s23+$0xFFFFFF00] =	vst v1  }
0x159: {  	v45 =	vmul.f32 v45, v55;
	[tilespmem:s23+$0xFFFFFF10] =	vst v2  }
0x15a: {  	v42 =	vmul.f32 v47, v42;
	[tilespmem:s23+$0xFFFFFF20] =	vst v60  }
0x15b: {  	v13 =	vmul.f32 v22, v13;
	[tilespmem:s23+$0xFFFFFF50] =	vst v45  }
0x15c: {  	v50 =	vmul.f32 v46, v51;
	[tilespmem:s23+$0xFFFFFF90] =	vst v42  }
0x15d: {  	v1 =	vmul.f32 v61, v58;
	[tilespmem:s21+$0x70] =	vst v13  }
0x15e: {  	v2 =	vmul.f32 v62, v53;
	[tilespmem:s23+$0xFFFFFF60] =	vst v50  }
0x15f: {  	v53 =	vmul.f32 v27, v25;
	[tilespmem:s23+$0xFFFFFF30] =	vst v1  }
0x160: {  	v51 =	vld [tilespmem:s23+$0xFFFFFFD0];
	v40 =	vmul.f32 v63, v40;
	[tilespmem:s23+$0xFFFFFF40] =	vst v2  }
0x161: {  	v54 =	vld [tilespmem:s23+$0x0];
	v1 =	vmul.f32 v43, v41;
	[tilespmem:s23+$0x80] =	vst v53  }
0x162: {  	v55 =	vld [tilespmem:s23+$0x10];
	v0 =	vmul.f32 v0, v49;
	[tilespmem:s23+$0xFFFFFFA0] =	vst v40  }
0x163: {  	v2 =	vld [tilespmem:s23+$0xFFFFFFC0];
	[tilespmem:s23+$0xFFFFFF80] =	vst v1;
	v1 =	vmul.f32 v48, v52  }
0x164: {  	v56 =	vld [tilespmem:s23+$0x20];
	[tilespmem:s23+$0xFFFFFFB0] =	vst v0;
	v0 =	vmul.f32 v28, v24  }
0x165: {  	v58 =	vld [tilespmem:s23+$0x30];
	v57 =	vmul.f32 v51, v38;
	[tilespmem:s23+$0xFFFFFF70] =	vst v1  }
0x166: {  	v24 =	vmul.f32 v54, v31;
	v1 =	vld [tilespmem:s23+$0xFFFFFFF0];
	[tilespmem:s23+$0x90] =	vst v0  }
0x167: {  	v52 =	vld [tilespmem:s23+$0xFFFFFFE0];
	v0 =	vmul.f32 v34, v23;
	[tilespmem:s23+$0xFFFFFFD0] =	vst v57  }
0x168: {  	v60 =	vld [tilespmem:s23+$0x50];
	[tilespmem:s23+$0x0] =	vst v24;
	v2 =	vmul.f32 v2, v39  }
0x169: {  	v13 =	vmul.f32 v55, v29;
	[tilespmem:s23+$0xA0] =	vst v0;
	v0 =	vld [tilespmem:s23+$0x60]  }
0x16a: {  	v62 =	vmul.f32 v58, v30;
	[tilespmem:s23+$0xFFFFFFC0] =	vst v2;
	v2 =	vld [tilespmem:s23+$0x40]  }
0x16b: {  	v61 =	vld [tilespmem:s23+$0x70];
	[tilespmem:s26+$0x10] =	vst v13;
	v1 =	vmul.f32 v1, v35  }
0x16c: {  	v59 =	vmul.f32 v52, v37;
	[tilespmem:s26+$0x30] =	vst v62  }
0x16d: {  	[tilespmem:s23+$0xFFFFFFF0] =	vst v1;
	v1 =	vmul.f32 v56, v32  }
0x16e: {  	[tilespmem:s23+$0xFFFFFFE0] =	vst v59;
	v0 =	vmul.f32 v0, v26  }
0x16f: {  	v2 =	vmul.f32 v2, v36;
	[tilespmem:s26+$0x20] =	vst v1  }
0x170: {  	v1 =	vmul.f32 v60, v33;
	[tilespmem:s26+$0x60] =	vst v0  }
0x171: {  	v63 =	vld [tilespmem:s23+$0xD0];
	v0 =	vmul.f32 v16, v12;
	[tilespmem:s26+$0x40] =	vst v2  }
0x172: {  	v2 =	vmul.f32 v15, v10;
	v10 =	vld [tilespmem:s23+$0xB0];
	[tilespmem:s26+$0x50] =	vst v1  }
0x173: {  	v1 =	vmul.f32 v14, v9;
	v9 =	vld [tilespmem:s23+$0xC0];
	[tilespmem:s21+$0xD0] =	vst v0  }
0x174: {  	v0 =	vmul.f32 v61, v44;
	[tilespmem:s21+$0xB0] =	vst v2;
	v2 =	vmul.f32 v17, v11;
	v11 =	vld [tilespmem:s26+$0xE0]  }
0x175: {  	[tilespmem:s21+$0xC0] =	vst v1  }
0x176: {  	[tilespmem:s26+$0x70] =	vst v0;
	v0 =	vmul.f32 v63, v18  }
0x177: {  	[tilespmem:s21+$0xE0] =	vst v2;
	v1 =	vmul.f32 v10, v20  }
0x178: {  	[tilespmem:s26+$0xD0] =	vst v0;
	v2 =	vmul.f32 v9, v21  }
0x179: {  	s31 =	smul.u32 $0xC000, s24;
	[tilespmem:s26+$0xB0] =	vst v1;
	v1 =	vmul.f32 v11, v19  }
.Ltmp7:
0x17a: {  	[tilespmem:s26+$0xC0] =	vst v2;
	(pc) =	sbr.rel .LBB2_12-.Ltmp7, $4  }
0x17b: {  	s22 =	sadd.s32 $0x540, s25;
	s21 =	sshrl.u32 s31, $0x2;
	[tilespmem:s26+$0xE0] =	vst v1  }
0x17c: {  	[spmem:s3] =	stream.indirect.scatter.add.f32 [tilespmem:s19], [sflag:$0x2], $0x10, s22, s18, $0xb8;
	[tilespmem:$0x1F080] =	vst v63  }
0x17d: {  	v6 =	vimm.s32 $0x3;
	s21 =	sor.u32 $0x600, s21  }
0x17e: {  	v8 =	vimm.s32 $0x5;
	v3 =	vimm.s32 $0x6;
	v2 =	vimm.s32 $0x4;
	[spmem:s2] =	stream.indirect.scatter.add.f32 [tilespmem:s21], [sflag:$0x2], $0x80, s22, s18, $0xb8;
	[tilespmem:$0x1F080] =	vst v63  }
.LBB2_13:
0x17f: {  	[bflag:$0x0] =	sbarrier.arrive $0xFFFF  }
0x180: {  	s21 =	sadd.s32 $0x0, s13;
	s20 =	sshll.u32 s1, $0x6;
	s22 =	sshrl.u32 s12, $0x3  }
0x181: {  	s23 =	sshrl.u32 s11, $0x3;
	s24 =	smov.u32 s12;
	s20 =	sor.u32 $0x1C01, s20  }
0x182: {  	[hbm:s14], [sflag:s20] =	dma.local [spmem:s22], $0xC0  }
0x183: {  	[hbm:s21], [sflag:s20] =	dma.local [spmem:s23], $0x18  }
0x184: {  	s22 =	sadd.s32 $0xC0, s11;
	s21 =	simm.s32 $0x18;
	s23 =	smov.u32 s14  }
.LBB2_14:
0x185: {  	s25 =	sadd.s32 s21, s13  }
0x186: {  	s23 =	sadd.s32 $0xC0, s23;
	s24 =	sadd.s32 $0x600, s24;
	p0 =	sne.s32 s21, $0x4E0  }
.Ltmp8:
0x187: {  	s21 =	sadd.s32 $0x18, s21;
	(pc) =	sbr.rel @p0 .LBB2_14-.Ltmp8, $4  }
0x188: {  	s28 =	sshrl.u32 s22, $0x3;
	s26 =	sshrl.u32 s24, $0x3  }
0x189: {  	[hbm:s23], [sflag:s20] =	dma.local [spmem:s26], $0xC0  }
0x18a: {  	[hbm:s25], [sflag:s20] =	dma.local [spmem:s28], $0x18  }
0x18b: {  	s22 =	sadd.s32 $0xC0, s22  }
0x18c: {  	_ =	swait.ge [sflag:s17], $0xC0  }
0x18d: {  	[sflag:s17] =	ssyncset.done $0x0  }
0x18e: {  	[sflag:s17] =	ssyncadd.s32 $0xFFFFFF40  }
0x18f: {  	_ =	swait.ge [sflag:s17], $0x18  }
0x190: {  	s20 =	simm.s32 $0x34;
	[sflag:s17] =	ssyncset.done $0x0  }
.LBB2_16:
0x191: {  	p0 =	sne.s32 s20, $0x1;
	s20 =	sadd.s32 $0xFFFFFFFF, s20;
	[sflag:s17] =	ssyncadd.s32 $0xFFFFFFE8  }
.Ltmp9:
0x192: {  	_ =	swait.ge [sflag:s17], $0xC0;
	(pc) =	sbr.rel @p0 .LBB2_16-.Ltmp9, $4  }
0x193: {  	[sflag:s17] =	ssyncset.done $0x0  }
0x194: {  	[sflag:s17] =	ssyncadd.s32 $0xFFFFFF40  }
0x195: {  	_ =	swait.ge [sflag:s17], $0x18  }
0x196: {  	[sflag:s17] =	ssyncset.done $0x0  }
0x197: {  	s4 =	sadd.s32 $0x1, s4  }
0x198: {  	p0 =	sne.s32 s4, s10  }
.Ltmp10:
0x199: {  	_ = 	snop;
	(pc) =	sbr.rel @p0 .LBB2_1-.Ltmp10, $2  }
0x19a: {  	_ =	sdelay $0x2  }
0x19b: {  	[sflag:s17] =	ssyncadd.s32 $0xFFFFFFE8  }
0x19c: {  	_ =	sfence.sel $0x180000  }
0x19d: {  	[bflag:$0x0] =	sbarrier.arrive $0xFFFF  }
0x19e: {  	p0 =	sne.s32 s1, $0x0;
	_ =	strace $0x9000004A  }
0x19f: {  	s0 =	sadd.s32 @!p0 $0x100000, s0;
	[bflag:$0x2] =	sbarrier.arrive $0xFFFF  }
0x1a0: {  	[sflag:s0] =	ssyncadd.tile.s32 @!p0 $0x1;
	_ =	shalt  }
.Lfunc_end2:
_tile_overlayer_lowered:
.L_overlay_start_2:
0x1a1: {  	(tag) =	ssettag $0x2  }
0x1a2: {  	s0 =	rddreg [dreg:$0x0];
	s2 =	stileid.u32  }
0x1a3: {  	s1 =	rddreg [dreg:$0x1];
	p0 =	sne.s32 s2, $0x0  }
0x1a4: {  	s3 =	rddreg [dreg:$0x2];
	[bflag:$0x3] =	sbarrier.arrive $0xFFFF;
	s2 =	simm.s32 @!p0 $0x1C03  }
0x1a5: {  	[timem:s3], [sflag:s2] =	dma.local @!p0 [hbm:s0], s1  }
0x1a6: {  	s0 =	simm.s32 @!p0 $0x3  }
0x1a7: {  	_ =	swait.ge @!p0 [sflag:s0], s1  }
0x1a8: {  	s1 =	ssub.s32 @!p0 $0x0, s1;
	[sflag:s0] =	ssyncset.done @!p0 $0x0  }
0x1a9: {  	[sflag:s0] =	ssyncadd.s32 @!p0 s1  }
0x1aa: {  	[bflag:$0x3] =	sbarrier.arrive $0xFFFF  }
0x1ab: {  	_ =	shalt  }

// kernel: kernel.7.cloned.1.call-start
scs
__scs_entry_jumppad:
0x0: {  	(pc) =	sbr.rel $0x88, $3  }
0x1: {  	(tag) =	ssettag $0x0;
	lr =	simm.s32 $0x1  }
0x2: {  	[smem:$0x3F8B] =	sst lr;
	_ =	strace $0xD0000000  }
0x3: {  	_ = 	snop  }
0x4: {  	_ = 	snop  }
0x5: {  	_ = 	snop  }
0x6: {  	_ = 	snop  }
0x7: {  	_ = 	snop  }
__scs_overlays_trampoline_lowered:
0x8: {  	[smem:$0x3F9A] =	sst s0  }
0x9: {  	[smem:$0x3F9B] =	sst s1  }
0xa: {  	[smem:$0x3F9C] =	sst s2  }
0xb: {  	[smem:$0x3F9D] =	sst s3  }
0xc: {  	[smem:$0x3F9E] =	sst s4  }
0xd: {  	[smem:$0x3F9F] =	sst s5  }
0xe: {  	[smem:$0x3FA0] =	sst s6  }
0xf: {  	[smem:$0x3FA1] =	sst s7  }
0x10: {  	[smem:$0x3FA2] =	sst s8  }
0x11: {  	[smem:$0x3FA3] =	sst s9;
	s0 =	simm.s32 @!p0 $0x0  }
0x12: {  	s1 =	sld [smem:$0x3F89];
	s0 =	simm.s32 @p0 $0x1  }
0x13: {  	[smem:$0x3FA4] =	sst s0;
	s0 =	simm.s32 @!p1 $0x0  }
0x14: {  	s2 =	sld [smem:$0x3F88];
	s0 =	simm.s32 @p1 $0x1  }
0x15: {  	[smem:$0x3FA5] =	sst s0;
	s0 =	simm.s32 @!p2 $0x0  }
0x16: {  	s3 =	sld [smem:$0x3FDB];
	s0 =	simm.s32 @p2 $0x1  }
0x17: {  	s4 =	simm.s32 $0x1BF5;
	[smem:$0x3FA7] =	sst s0  }
0x18: {  	s0 =	sld [smem:$0x3F8A];
	_ =	swait.ge [sflag:s4], $0x0  }
0x19: {  	s7 =	sld [smem:$0x3F8B]  }
0x1a: {  	s8 =	sadd.s32 $0xFFFFE003, lr  }
0x1b: {  	s9 =	sadd.s32 $0xFFFFFEF7, lr;
	s5 =	simm.s32 $0xFFFFFFFF;
	p2 =	slt.u32 s8, $0xFFFFF086  }
0x1c: {  	p1 =	slt.u32 s9, $0xF7A;
	s5 =	simm.s32 @!p2 $0x0  }
0x1d: {  	s5 =	simm.s32 @p1 $0x1;
	p0 =	seq.s32 s7, s2  }
0x1e: {  	s7 =	smul.u32 @!p0 $0xF7A, s2;
	p2 =	seq.s32 @!p0 s5, $0x0  }
0x1f: {  	s9 =	smul.u32 $0xF7A, s1;
	s8 =	simm.s32 @!p0 $0x1BF5;
	p2 =	por !p2, p0  }
0x20: {  	[sflag:s8] =	ssyncset.s32 @!p0 $0xFFFFF086;
	s6 =	sadd.s32 @!p0 s3, s7;
	s7 =	simm.s32 @!p0 $0x108  }
0x21: {  	s3 =	sadd.s32 s3, s9;
	s6 =	sadd.s32 @!p0 $0x88, s6;
	s7 =	simm.s32 @p2 $0x1082  }
0x22: {  	[simem:s7], [sflag:s8] =	dma.local @!p0 [hbm:s6], $0xF7A  }
0x23: {  	s9 =	sor.u32 $0xD0000000, s2;
	s6 =	simm.s32 $0x108;
	_ =	swait.ge @!p0 [sflag:s8], $0x0  }
0x24: {  	s3 =	sadd.s32 $0x88, s3;
	s6 =	simm.s32 @!p1 $0x1082;
	[sflag:s4] =	ssyncset.s32 $0xFFFFF086  }
0x25: {  	[simem:s6], [sflag:s4] =	dma.local [hbm:s3], $0xF7A  }
0x26: {  	[smem:$0x3F8B] =	sst s1;
	(tag) =	ssettag s2;
	_ =	strace s9  }
0x27: {  	s1 =	sld [smem:$0x3F9B]  }
0x28: {  	s2 =	sld [smem:$0x3F9C]  }
0x29: {  	s4 =	sld [smem:$0x3F9E]  }
0x2a: {  	p0 =	seq.s32 s5, $0x0;
	s5 =	sld [smem:$0x3F9F]  }
0x2b: {  	s6 =	sld [smem:$0x3FA0]  }
0x2c: {  	s7 =	sld [smem:$0x3FA1]  }
0x2d: {  	s3 =	simm.s32 $0x108;
	s8 =	sld [smem:$0x3FA2]  }
0x2e: {  	s3 =	simm.s32 @!p0 $0x1082;
	s9 =	sld [smem:$0x3FA3]  }
0x2f: {  	lr =	sadd.s32 s0, s3;
	s0 =	sld [smem:$0x3F9A]  }
0x30: {  	s3 =	sld [smem:$0x3F9D]  }
0x31: {  	[smem:$0x3FA6] =	sst s10  }
0x32: {  	s10 =	sld [smem:$0x3FA4];
	_ =	sdelay $0x3  }
0x33: {  	p0 =	seq.s32 s10, $0x1;
	s10 =	sld [smem:$0x3FA6];
	_ =	sdelay $0x3  }
0x34: {  	[smem:$0x3FA6] =	sst s10  }
0x35: {  	s10 =	sld [smem:$0x3FA5];
	_ =	sdelay $0x3  }
0x36: {  	p1 =	seq.s32 s10, $0x1;
	s10 =	sld [smem:$0x3FA6];
	_ =	sdelay $0x3  }
0x37: {  	[smem:$0x3FA6] =	sst s10  }
0x38: {  	s10 =	sld [smem:$0x3FA7]  }
0x39: {  	_ = 	snop;
	(pc) =	sbr.ind lr, $3  }
0x3a: {  	_ = 	snop  }
0x3b: {  	_ = 	snop  }
0x3c: {  	p2 =	seq.s32 s10, $0x1;
	s10 =	sld [smem:$0x3FA6]  }
0x3d: {  	_ =	shalt  }
0x3e: {  	_ =	shalt  }
0x3f: {  	_ =	shalt  }
0x40: {  	_ =	shalt  }
0x41: {  	_ =	shalt  }
0x42: {  	_ =	shalt  }
0x43: {  	_ =	shalt  }
0x44: {  	_ =	shalt  }
0x45: {  	_ =	shalt  }
0x46: {  	_ =	shalt  }
0x47: {  	_ =	shalt  }
0x48: {  	_ =	shalt  }
0x49: {  	_ =	shalt  }
0x4a: {  	_ =	shalt  }
0x4b: {  	_ =	shalt  }
0x4c: {  	_ =	shalt  }
0x4d: {  	_ =	shalt  }
0x4e: {  	_ =	shalt  }
0x4f: {  	_ =	shalt  }
0x50: {  	_ =	shalt  }
0x51: {  	_ =	shalt  }
0x52: {  	_ =	shalt  }
0x53: {  	_ =	shalt  }
0x54: {  	_ =	shalt  }
0x55: {  	_ =	shalt  }
0x56: {  	_ =	shalt  }
0x57: {  	_ =	shalt  }
0x58: {  	_ =	shalt  }
0x59: {  	_ =	shalt  }
0x5a: {  	_ =	shalt  }
0x5b: {  	_ =	shalt  }
0x5c: {  	_ =	shalt  }
0x5d: {  	_ =	shalt  }
0x5e: {  	_ =	shalt  }
0x5f: {  	_ =	shalt  }
0x60: {  	_ =	shalt  }
0x61: {  	_ =	shalt  }
0x62: {  	_ =	shalt  }
0x63: {  	_ =	shalt  }
0x64: {  	_ =	shalt  }
0x65: {  	_ =	shalt  }
0x66: {  	_ =	shalt  }
0x67: {  	_ =	shalt  }
0x68: {  	_ =	shalt  }
0x69: {  	_ =	shalt  }
0x6a: {  	_ =	shalt  }
0x6b: {  	_ =	shalt  }
0x6c: {  	_ =	shalt  }
0x6d: {  	_ =	shalt  }
0x6e: {  	_ =	shalt  }
0x6f: {  	_ =	shalt  }
0x70: {  	_ =	shalt  }
0x71: {  	_ =	shalt  }
0x72: {  	_ =	shalt  }
0x73: {  	_ =	shalt  }
0x74: {  	_ =	shalt  }
0x75: {  	_ =	shalt  }
0x76: {  	_ =	shalt  }
0x77: {  	_ =	shalt  }
0x78: {  	_ =	shalt  }
0x79: {  	_ =	shalt  }
0x7a: {  	_ =	shalt  }
0x7b: {  	_ =	shalt  }
0x7c: {  	_ =	shalt  }
0x7d: {  	_ =	shalt  }
0x7e: {  	_ =	shalt  }
0x7f: {  	_ =	shalt  }
0x80: {  	_ =	shalt  }
0x81: {  	_ =	shalt  }
0x82: {  	_ =	shalt  }
0x83: {  	_ =	shalt  }
0x84: {  	_ =	shalt  }
0x85: {  	_ =	shalt  }
0x86: {  	_ =	shalt  }
0x87: {  	_ =	shalt  }
.Lfunc_end0:
.L_simem_size_0:
called_computation_lowered:
.L_overlay_start_0:
0x88: {  	s2 =	sld [smem:$0x3FD9]  }
0x89: {  	s3 =	sld [smem:$0x3FFE];
	_ =	sdelay $0x1  }
0x8a: {  	s1 =	srdreg.scid  }
0x8b: {  	s0 =	sand.u32 $0x1, s1  }
0x8c: {  	s16 =	sshll.u32 s0, $0xA;
	s2 =	sadd.s32 s3, s2  }
0x8d: {  	s2 =	sadd.s32 s2, s16  }
0x8e: {  	[smem:$0x3FB2] =	sst s2  }
0x8f: {  	_ = 	snop  }
0x90: {  	(tm) =	ssettm $0x1  }
0x91: {  	s17 =	sld [smem:$0x3FFB];
	_ =	sdelay $0x3  }
0x92: {  	_ =	strace s17  }
0x93: {  	s2 =	sld [smem:$0x3FFC];
	_ =	sdelay $0x3  }
0x94: {  	_ =	strace s2  }
0x95: {  	s2 =	sld [smem:$0x3FFD];
	_ =	sdelay $0x3  }
0x96: {  	_ =	strace s2  }
0x97: {  	_ =	strace $0x8FFFFFFF  }
0x98: {  	s18 =	sld [smem:$0x3FDB];
	_ =	sdelay $0x1  }
0x99: {  	s19 =	simm.s32 $_scs_section_size  }
0x9a: {  	s4 =	simm.s32 $_size__tile_overlayer_lowered;
	s5 =	simm.s32 $_tile_overlayer_lowered  }
0x9b: {  	s22 =	simm.s32 $0x1BFF;
	s21 =	sshll.u32 s5, $0x1;
	s2 =	sadd.s32 s19, s18  }
0x9c: {  	s6 =	simm.s32 $0x0;
	s20 =	sshll.u32 s4, $0x1;
	s4 =	sadd.s32 s21, s2  }
0x9d: {  	[timem:s6], [sflag:s22] =	dma.local [hbm:s4], s20  }
0x9e: {  	_ =	swait.ge [sflag:s22], s20  }
0x9f: {  	s3 =	ssub.s32 $0x0, s20;
	[sflag:s22] =	ssyncset.done $0x0  }
0xa0: {  	[sflag:s22] =	ssyncadd.s32 s3;
	_ =	sdelay $0x1  }
0xa1: {  	s23 =	simm.s32 $0x1B8B  }
0xa2: {  	_ =	swait.ge [sflag:s23], $0x1  }
0xa3: {  	[sflag:s23] =	ssyncset.done $0x0  }
0xa4: {  	s25 =	simm.s32 $0x1B8E;
	s24 =	sld [smem:$0x3FFE];
	[sflag:s23] =	ssyncadd.s32 $0xFFFFFFFF  }
0xa5: {  	s26 =	simm.s32 $execute0_lowered;
	[smem:$0x3FD2] =	sst s25  }
0xa6: {  	s4 =	sshll.u32 s26, $0x1;
	_ =	strace $0x80000046;
	[dreg:$0x1] =	wrdreg $0xFFFFFFFF  }
0xa7: {  	s28 =	simm.s32 $_size_execute0_lowered;
	s2 =	sadd.s32 s2, s4;
	[dreg:$0x0] =	wrdreg $0x0  }
0xa8: {  	s4 =	sshll.u32 s28, $0x1;
	[dreg:$0x2] =	wrdreg s2  }
0xa9: {  	[dreg:$0x3] =	wrdreg s4  }
0xaa: {  	[dreg:$0x4] =	wrdreg $0xC0  }
0xab: {  	_ =	task [dreg:s6], $0x5FFFF  }
0xac: {  	[dreg:$0x1] =	wrdreg $0xFFFFFFFF  }
0xad: {  	[dreg:$0x0] =	wrdreg $0x60  }
0xae: {  	[dreg:$0x2] =	wrdreg s24  }
0xaf: {  	[dreg:$0x3] =	wrdreg $0x8AC00  }
0xb0: {  	[dreg:$0x4] =	wrdreg $0x1C8C00  }
0xb1: {  	[dreg:$0x5] =	wrdreg $0x9  }
0xb2: {  	_ =	task.clear_ibuf [dreg:s6], $0x6FFFF;
	_ =	strace $0x90000046  }
0xb3: {  	s29 =	simm.s32 $0x9;
	_ =	strace $0x80000048  }
0xb4: {  	_ =	swait.ge [sflag:s29], $0x1  }
0xb5: {  	[sflag:s29] =	ssyncadd.s32 $0xFFFFFFFF  }
0xb6: {  	_ =	strace $0x90000048  }
0xb7: {  	_ =	sfence  }
0xb8: {  	s30 =	sld [smem:$0x0];
	_ =	sdelay $0x2  }
0xb9: {  	s31 =	sshll.u32 s1, $0xD;
	s1 =	sshrl.u32 s1, $0x2  }
0xba: {  	s3 =	sand.u32 $0x4000, s31;
	s1 =	sadd.s32 s1, s30  }
0xbb: {  	s0 =	sor.u32 s3, s0;
	s1 =	sshll.u32 s1, $0x11  }
0xbc: {  	s0 =	sor.u32 s1, s0  }
0xbd: {  	s0 =	sadd.s32 $0x8F2B, s0  }
0xbe: {  	[sflag:s0] =	ssyncadd.remote.s32 $0x1  }
0xbf: {  	_ =	sfence.sel $0xFFFF  }
0xc0: {  	[dreg:$0x0] =	wrdreg $0xFFFFFFFF;
	(pc) =	sbr.abs _section_cstart, $3  }
0xc1: {  	[dreg:$0x1] =	wrdreg $0xFFFFFFFF  }
0xc2: {  	_ =	task.clear_ibuf [dreg:s6], $0x2FFFF;
	_ =	strace $0x9FFFFFFF  }
0xc3: {  	(tm) =	ssettm $0x7FFFFFFF  }
tec
execute0_lowered:
.L_overlay_start_1:
0x0: {  	(tag) =	ssettag $0x1  }
0x1: {  	s9 =	rddreg [dreg:$0x0]  }
0x2: {  	s2 =	rddreg [dreg:$0x1];
	s1 =	stileid.u32  }
0x3: {  	s0 =	srdreg.scid;
	s8 =	smul.u32 $0x13E00, s1  }
0x4: {  	s3 =	rddreg [dreg:$0x2];
	s4 =	simm.s32 $0x0;
	s12 =	smul.u32 $0x27C0, s1  }
0x5: {  	s18 =	simm.s32 $0x60;
	s19 =	simm.s32 $0x7E00;
	s28 =	smul.u32 $0x9F00, s1  }
0x6: {  	s10 =	sand.u32 $0x1, s0;
	s0 =	rddreg [dreg:$0x3];
	s16 =	smul.u32 $0x4F800, s1  }
0x7: {  	[smem:$0x7FF] =	sst s4;
	s5 =	sadd.s32 $0x3600, s9;
	s7 =	smul.u32 $0x13E000, s10  }
0x8: {  	s6 =	sadd.s32 $0x2B200, s9;
	s11 =	smul.u32 $0x27C00, s10;
	s26 =	ssub.s32 $0x2, s10  }
0x9: {  	_ =	strace $0x80000047;
	s10 =	sshll.u32 s10, $0x4;
	s15 =	sshrl.u32 s26, $0x1  }
0xa: {  	s10 =	sor.u32 s1, s10;
	s30 =	sshrl.u32 s28, $0x2;
	s31 =	sshrl.u32 s16, $0x2  }
0xb: {  	s16 =	simm.s32 $0x8A00;
	s8 =	sadd.s32 s8, s7;
	s7 =	sadd.s32 $0x30200, s9  }
0xc: {  	s11 =	sadd.s32 s12, s11;
	s29 =	ssub.s32 s26, s15;
	s12 =	sadd.s32 s31, s2  }
0xd: {  	s15 =	simm.s32 $0x8400;
	s13 =	sshrl.u32 s8, $0x3;
	s11 =	sshrl.u32 s11, $0x3  }
0xe: {  	s8 =	sadd.s32 $0x35200, s9;
	s14 =	sadd.s32 s13, s9;
	s17 =	sadd.s32 s11, s9  }
0xf: {  	v6 =	vimm.s32 $0x3;
	v2 =	vimm.s32 $0x4;
	v8 =	vimm.s32 $0x5;
	s9 =	smul.u32 $0x6C, s10;
	s10 =	smax.u32 s29, $0x1;
	s11 =	sadd.s32 s30, s3  }
0x10: {  	v3 =	vimm.s32 $0x6;
	v5 =	vimm.s32 $0x2;
	v7 =	vimm.s32 $0x4;
	s13 =	sadd.s32 $0x3F400, s17;
	s14 =	sadd.s32 $0x49400, s14;
	s17 =	simm.s32 $0x1  }
.LBB2_1:
0x11: {  	v0 =	vimm.f32 $0.0e+00  }
0x12: {  	[tilespmem:$0x8400] =	vst v0  }
0x13: {  	[tilespmem:$0x8410] =	vst v0  }
0x14: {  	[tilespmem:$0x8420] =	vst v0  }
0x15: {  	[tilespmem:$0x8430] =	vst v0  }
0x16: {  	[tilespmem:$0x8440] =	vst v0  }
0x17: {  	[tilespmem:$0x8450] =	vst v0  }
0x18: {  	[tilespmem:$0x8460] =	vst v0  }
0x19: {  	[tilespmem:$0x8470] =	vst v0  }
0x1a: {  	[tilespmem:$0x8A00] =	vst v0  }
0x1b: {  	[tilespmem:$0x8480] =	vst v0  }
0x1c: {  	[tilespmem:$0x8490] =	vst v0  }
0x1d: {  	[tilespmem:$0x84A0] =	vst v0  }
0x1e: {  	[tilespmem:$0x84B0] =	vst v0  }
0x1f: {  	[tilespmem:$0x84C0] =	vst v0  }
0x20: {  	[tilespmem:$0x84D0] =	vst v0  }
0x21: {  	[tilespmem:$0x84E0] =	vst v0  }
0x22: {  	[tilespmem:$0x84F0] =	vst v0  }
0x23: {  	[tilespmem:$0x8A10] =	vst v0  }
0x24: {  	[tilespmem:$0x8500] =	vst v0  }
0x25: {  	[tilespmem:$0x8510] =	vst v0  }
0x26: {  	[tilespmem:$0x8520] =	vst v0  }
0x27: {  	[tilespmem:$0x8530] =	vst v0  }
0x28: {  	[tilespmem:$0x8540] =	vst v0  }
0x29: {  	[tilespmem:$0x8550] =	vst v0  }
0x2a: {  	[tilespmem:$0x8560] =	vst v0  }
0x2b: {  	[tilespmem:$0x8570] =	vst v0  }
0x2c: {  	[tilespmem:$0x8A20] =	vst v0  }
0x2d: {  	[tilespmem:$0x8580] =	vst v0  }
0x2e: {  	[tilespmem:$0x8590] =	vst v0  }
0x2f: {  	[tilespmem:$0x85A0] =	vst v0  }
0x30: {  	[tilespmem:$0x85B0] =	vst v0  }
0x31: {  	[tilespmem:$0x85C0] =	vst v0  }
0x32: {  	[tilespmem:$0x85D0] =	vst v0  }
0x33: {  	[tilespmem:$0x85E0] =	vst v0  }
0x34: {  	[tilespmem:$0x85F0] =	vst v0  }
0x35: {  	[tilespmem:$0x8A30] =	vst v0  }
0x36: {  	[tilespmem:$0x8600] =	vst v0  }
0x37: {  	[tilespmem:$0x8610] =	vst v0  }
0x38: {  	[tilespmem:$0x8620] =	vst v0  }
0x39: {  	[tilespmem:$0x8630] =	vst v0  }
0x3a: {  	[tilespmem:$0x8640] =	vst v0  }
0x3b: {  	[tilespmem:$0x8650] =	vst v0  }
0x3c: {  	[tilespmem:$0x8660] =	vst v0  }
0x3d: {  	[tilespmem:$0x8670] =	vst v0  }
0x3e: {  	[tilespmem:$0x8A40] =	vst v0  }
0x3f: {  	[tilespmem:$0x8680] =	vst v0  }
0x40: {  	[tilespmem:$0x8690] =	vst v0  }
0x41: {  	[tilespmem:$0x86A0] =	vst v0  }
0x42: {  	[tilespmem:$0x86B0] =	vst v0  }
0x43: {  	[tilespmem:$0x86C0] =	vst v0  }
0x44: {  	[tilespmem:$0x86D0] =	vst v0  }
0x45: {  	[tilespmem:$0x86E0] =	vst v0  }
0x46: {  	[tilespmem:$0x86F0] =	vst v0  }
0x47: {  	[tilespmem:$0x8A50] =	vst v0  }
0x48: {  	[tilespmem:$0x8700] =	vst v0  }
0x49: {  	[tilespmem:$0x8710] =	vst v0  }
0x4a: {  	[tilespmem:$0x8720] =	vst v0  }
0x4b: {  	[tilespmem:$0x8730] =	vst v0  }
0x4c: {  	[tilespmem:$0x8740] =	vst v0  }
0x4d: {  	[tilespmem:$0x8750] =	vst v0  }
0x4e: {  	[tilespmem:$0x8760] =	vst v0  }
0x4f: {  	[tilespmem:$0x8770] =	vst v0  }
0x50: {  	[tilespmem:$0x8A60] =	vst v0  }
0x51: {  	[tilespmem:$0x8780] =	vst v0  }
0x52: {  	[tilespmem:$0x8790] =	vst v0  }
0x53: {  	[tilespmem:$0x87A0] =	vst v0  }
0x54: {  	[tilespmem:$0x87B0] =	vst v0  }
0x55: {  	[tilespmem:$0x87C0] =	vst v0  }
0x56: {  	[tilespmem:$0x87D0] =	vst v0  }
0x57: {  	[tilespmem:$0x87E0] =	vst v0  }
0x58: {  	[tilespmem:$0x87F0] =	vst v0  }
0x59: {  	[tilespmem:$0x8A70] =	vst v0  }
0x5a: {  	[tilespmem:$0x8800] =	vst v0  }
0x5b: {  	[tilespmem:$0x8810] =	vst v0  }
0x5c: {  	[tilespmem:$0x8820] =	vst v0  }
0x5d: {  	[tilespmem:$0x8830] =	vst v0  }
0x5e: {  	[tilespmem:$0x8840] =	vst v0  }
0x5f: {  	[tilespmem:$0x8850] =	vst v0  }
0x60: {  	[tilespmem:$0x8860] =	vst v0  }
0x61: {  	[tilespmem:$0x8870] =	vst v0  }
0x62: {  	[tilespmem:$0x8A80] =	vst v0  }
0x63: {  	[tilespmem:$0x8880] =	vst v0  }
0x64: {  	[tilespmem:$0x8890] =	vst v0  }
0x65: {  	[tilespmem:$0x88A0] =	vst v0  }
0x66: {  	[tilespmem:$0x88B0] =	vst v0  }
0x67: {  	[tilespmem:$0x88C0] =	vst v0  }
0x68: {  	[tilespmem:$0x88D0] =	vst v0  }
0x69: {  	[tilespmem:$0x88E0] =	vst v0  }
0x6a: {  	[tilespmem:$0x88F0] =	vst v0  }
0x6b: {  	[tilespmem:$0x8A90] =	vst v0  }
0x6c: {  	[tilespmem:$0x8900] =	vst v0  }
0x6d: {  	[tilespmem:$0x8910] =	vst v0  }
0x6e: {  	[tilespmem:$0x8920] =	vst v0  }
0x6f: {  	[tilespmem:$0x8930] =	vst v0  }
0x70: {  	[tilespmem:$0x8940] =	vst v0  }
0x71: {  	[tilespmem:$0x8950] =	vst v0  }
0x72: {  	[tilespmem:$0x8960] =	vst v0  }
0x73: {  	[tilespmem:$0x8970] =	vst v0  }
0x74: {  	[tilespmem:$0x8AA0] =	vst v0  }
0x75: {  	[tilespmem:$0x8980] =	vst v0  }
0x76: {  	[tilespmem:$0x8990] =	vst v0  }
0x77: {  	[tilespmem:$0x89A0] =	vst v0  }
0x78: {  	[tilespmem:$0x89B0] =	vst v0  }
0x79: {  	[tilespmem:$0x89C0] =	vst v0  }
0x7a: {  	[tilespmem:$0x89D0] =	vst v0  }
0x7b: {  	[tilespmem:$0x89E0] =	vst v0  }
0x7c: {  	[tilespmem:$0x89F0] =	vst v0  }
0x7d: {  	s20 =	simm.s32 $0x300;
	s22 =	sadd.s32 $0x0, s11;
	s21 =	sadd.s32 $0x600, s12;
	[tilespmem:$0x8AB0] =	vst v0  }
0x7e: {  	[spmem:s12] =	stream.linear.scatter [tilespmem:s15], [sflag:$0x1], $0x600, $0x38;
	[tilespmem:$0x1F080] =	vst v63  }
.LBB2_2:
0x7f: {  	[spmem:s22] =	stream.linear.scatter [tilespmem:s16], [sflag:$0x1], $0xC0, $0x38;
	[tilespmem:$0x1F080] =	vst v63  }
0x80: {  	s22 =	smov.u32 s20;
	p0 =	sne.s32 s20, $0x9C00  }
.Ltmp0:
0x81: {  	s20 =	sadd.s32 $0x300, s20;
	(pc) =	sbr.rel @p0 .LBB2_2-.Ltmp0, $4  }
0x82: {  	[spmem:s21] =	stream.linear.scatter [tilespmem:s15], [sflag:$0x1], $0x600, $0x38;
	[tilespmem:$0x1F080] =	vst v63  }
0x83: {  	_ = 	snop  }
0x84: {  	s22 =	sshra.s32 s22, $0x2  }
0x85: {  	s22 =	sadd.s32 s22, s11;
	s21 =	sadd.s32 $0x600, s21  }
0x86: {  	[spmem:s22] =	stream.linear.scatter [tilespmem:s16], [sflag:$0x1], $0xC0, $0x38;
	[tilespmem:$0x1F080] =	vst v63  }
0x87: {  	_ =	swait.ge [sflag:s17], $0x600  }
0x88: {  	[sflag:s17] =	ssyncset.done $0x0  }
0x89: {  	[sflag:s17] =	ssyncadd.s32 $0xFFFFFA00  }
0x8a: {  	_ =	swait.ge [sflag:s17], $0xC0  }
0x8b: {  	s20 =	simm.s32 $0x34;
	[sflag:s17] =	ssyncset.done $0x0  }
.LBB2_4:
0x8c: {  	p0 =	sne.s32 s20, $0x1;
	s20 =	sadd.s32 $0xFFFFFFFF, s20;
	[sflag:s17] =	ssyncadd.s32 $0xFFFFFF40  }
.Ltmp1:
0x8d: {  	_ =	swait.ge [sflag:s17], $0x600;
	(pc) =	sbr.rel @p0 .LBB2_4-.Ltmp1, $4  }
0x8e: {  	[sflag:s17] =	ssyncset.done $0x0  }
0x8f: {  	[sflag:s17] =	ssyncadd.s32 $0xFFFFFA00  }
0x90: {  	_ =	swait.ge [sflag:s17], $0xC0  }
0x91: {  	[sflag:s17] =	ssyncset.done $0x0  }
.Ltmp2:
0x92: {  	(pc) =	sbr.rel .LBB2_6-.Ltmp2, $4  }
0x93: {  	_ = 	snop  }
0x94: {  	[sflag:s17] =	ssyncadd.s32 $0xFFFFFF40  }
0x95: {  	[bflag:$0x0] =	sbarrier.arrive $0xFFFF  }
0x96: {  	s20 =	simm.s32 $0x0;
	p0 =	por $0x1, $0x1  }
.LBB2_12:
0x97: {  	s20 =	sadd.s32 $0x1, s20  }
0x98: {  	p1 =	sne.s32 s20, $0x6E  }
.Ltmp3:
0x99: {  	_ = 	snop;
	(pc) =	sbr.rel @!p1 .LBB2_13-.Ltmp3, $2  }
0x9a: {  	_ =	sdelay $0x2  }
0x9b: {  	p0 =	por !p0, !p0  }
.LBB2_6:
0x9c: {  	p1 =	slt.u32 s20, $0x2  }
0x9d: {  	s21 =	simm.s32 @!p1 $0x2;
	p2 =	sgt.u32 @!p1 s20, $0x6B  }
0x9e: {  	_ =	swait.ge @!p1 [sflag:s21], $0x600;
	p2 =	por p1, !p2  }
.Ltmp4:
0x9f: {  	[sflag:s21] =	ssyncset.done @!p1 $0x0;
	(pc) =	sbr.rel @!p2 .LBB2_8-.Ltmp4, $4  }
0xa0: {  	[sflag:s21] =	ssyncadd.s32 @!p1 $0xFFFFFA00  }
0xa1: {  	_ =	swait.ge @!p1 [sflag:s21], $0x3000  }
0xa2: {  	[sflag:s21] =	ssyncset.done @!p1 $0x0  }
0xa3: {  	s24 =	sand.u32 $0x1, s20;
	[sflag:s21] =	ssyncadd.s32 @!p1 $0xFFFFD000  }
0xa4: {  	s21 =	smul.u32 $0xAB, s20;
	_ =	sdelay $0x1  }
0xa5: {  	s21 =	sshrl.u32 s21, $0xB  }
0xa6: {  	s21 =	sand.u32 $0x1F, s21  }
0xa7: {  	s21 =	smul.u32 $0xC, s21;
	_ =	sdelay $0x1  }
0xa8: {  	s21 =	ssub.s32 s20, s21  }
0xa9: {  	s21 =	sand.u32 $0xFF, s21  }
0xaa: {  	p1 =	sne.s32 s21, $0x0  }
0xab: {  	s22 =	sadd.s32 @!p1 s9, s20  }
0xac: {  	s22 =	smul.u32 @!p1 $0xC, s22;
	_ =	sdelay $0x1  }
0xad: {  	s23 =	simm.s32 @!p1 $0x0;
	s22 =	sadd.s32 @!p1 s8, s22  }
0xae: {  	[tilespmem:s23], [sflag:$0x3] =	stream.linear.gather @!p1 [hbm4b:s22+s23], $0x480, $0x38;
	[tilespmem:$0x1F080] =	vst v63  }
0xaf: {  	s22 =	simm.s32 @!p1 $0x3  }
0xb0: {  	s21 =	smul.u32 $0x180, s21;
	_ =	swait.ge @!p1 [sflag:s22], $0x480  }
0xb1: {  	[sflag:s22] =	ssyncset.done @!p1 $0x0  }
0xb2: {  	s21 =	sshrl.u32 s21, $0x2;
	[sflag:s22] =	ssyncadd.s32 @!p1 $0xFFFFFB80  }
0xb3: {  	v0 =	vld [tilespmem:s21+$0x0];
	_ =	sdelay $0x3  }
0xb4: {  	s23 =	smul.u32 $0x60, s24  }
0xb5: {  	v9 =	vand.u32 $0x3FFF, v0  }
0xb6: {  	v0 =	vshra.s32 v0, $0xE;
	[tilespmem:s23+$0x480] =	vst v9  }
0xb7: {  	[tilespmem:s23+$0x540] =	vst v0  }
0xb8: {  	v0 =	vld [tilespmem:s21+$0x10];
	_ =	sdelay $0x4  }
0xb9: {  	v9 =	vand.u32 $0x3FFF, v0  }
0xba: {  	v0 =	vshra.s32 v0, $0xE;
	[tilespmem:s23+$0x490] =	vst v9  }
0xbb: {  	[tilespmem:s23+$0x550] =	vst v0  }
0xbc: {  	v0 =	vld [tilespmem:s21+$0x20];
	_ =	sdelay $0x4  }
0xbd: {  	v9 =	vand.u32 $0x3FFF, v0  }
0xbe: {  	v0 =	vshra.s32 v0, $0xE;
	[tilespmem:s23+$0x4A0] =	vst v9  }
0xbf: {  	[tilespmem:s23+$0x560] =	vst v0  }
0xc0: {  	v0 =	vld [tilespmem:s21+$0x30];
	_ =	sdelay $0x4  }
0xc1: {  	v9 =	vand.u32 $0x3FFF, v0  }
0xc2: {  	v0 =	vshra.s32 v0, $0xE;
	[tilespmem:s23+$0x4B0] =	vst v9  }
0xc3: {  	[tilespmem:s23+$0x570] =	vst v0  }
0xc4: {  	v0 =	vld [tilespmem:s21+$0x40];
	_ =	sdelay $0x4  }
0xc5: {  	v9 =	vand.u32 $0x3FFF, v0  }
0xc6: {  	v0 =	vshra.s32 v0, $0xE;
	[tilespmem:s23+$0x4C0] =	vst v9  }
0xc7: {  	[tilespmem:s23+$0x580] =	vst v0  }
0xc8: {  	v0 =	vld [tilespmem:s21+$0x50];
	_ =	sdelay $0x3  }
0xc9: {  	s26 =	smul.u32 $0xC000, s24  }
0xca: {  	v9 =	vand.u32 $0x3FFF, v0  }
0xcb: {  	s21 =	sshrl.u32 s26, $0x2;
	v0 =	vshra.s32 v0, $0xE;
	[tilespmem:s23+$0x4D0] =	vst v9  }
0xcc: {  	s25 =	smul.u32 $0x600, s24;
	s28 =	sor.u32 $0x480, s23;
	s21 =	sor.u32 $0x600, s21;
	[tilespmem:s23+$0x590] =	vst v0  }
0xcd: {  	[tilespmem:s21], [sflag:$0x1] =	stream.indirect.gather [hbm4b:s5+s18], $0x80, s28, s18, $0xb8;
	[tilespmem:$0x1F080] =	vst v63  }
0xce: {  	s30 =	sadd.s32 $0x6600, s25;
	s29 =	sadd.s32 $0x540, s23  }
0xcf: {  	[tilespmem:s30], [sflag:$0x1] =	stream.indirect.gather [hbm4b:s6+s18], $0x10, s29, s18, $0xb8;
	[tilespmem:$0x1F080] =	vst v63  }
0xd0: {  	s31 =	sadd.s32 $0x7200, s25  }
0xd1: {  	[tilespmem:s31], [sflag:$0x1] =	stream.indirect.gather [hbm4b:s7+s18], $0x10, s28, s18, $0xb8;
	[tilespmem:$0x1F080] =	vst v63  }
.LBB2_8:
0xd2: {  	p1 =	seq.s32 s20, $0x0  }
0xd3: {  	p2 =	seq.s32 @!p1 s20, $0x6D  }
0xd4: {  	p1 =	por p1, p2  }
.Ltmp5:
0xd5: {  	_ = 	snop;
	(pc) =	sbr.rel @p1 .LBB2_12-.Ltmp5, $1  }
0xd6: {  	_ =	sdelay $0x3  }
0xd7: {  	_ =	swait.ge [sflag:s17], $0x3000  }
0xd8: {  	[sflag:s17] =	ssyncset.done $0x0  }
0xd9: {  	[sflag:s17] =	ssyncadd.s32 $0xFFFFD000  }
0xda: {  	s21 =	simm.s32 $0x1;
	_ =	swait.ge [sflag:s17], $0x600  }
0xdb: {  	s21 =	simm.s32 @!p0 $0x0;
	[sflag:s17] =	ssyncset.done $0x0  }
0xdc: {  	s22 =	smul.u32 $0x1800, s21;
	[sflag:s17] =	ssyncadd.s32 $0xFFFFFA00  }
0xdd: {  	_ =	swait.ge [sflag:s17], $0x600  }
0xde: {  	s22 =	sshrl.u32 s22, $0x2;
	[sflag:s17] =	ssyncset.done $0x0  }
0xdf: {  	s23 =	sadd.s32 $0x6620, s22;
	[sflag:s17] =	ssyncadd.s32 $0xFFFFFA00  }
0xe0: {  	s22 =	sadd.s32 $0x7220, s22;
	v0 =	vld [tilespmem:s23+$0x10]  }
0xe1: {  	v9 =	vld [tilespmem:s22+$0x10];
	_ =	sdelay $0x1  }
0xe2: {  	v10 =	vld [tilespmem:s22+$0xFFFFFFE0]  }
0xe3: {  	v11 =	vld [tilespmem:s23+$0xFFFFFFF0]  }
0xe4: {  	v12 =	vld [tilespmem:s22+$0xFFFFFFF0]  }
0xe5: {  	v13 =	vld [tilespmem:s23+$0x0];
	v0 =	vadd.f32 v9, v0  }
0xe6: {  	v14 =	vld [tilespmem:s22+$0x0]  }
0xe7: {  	v9 =	vld [tilespmem:s23+$0xFFFFFFE0];
	v15 =	vmul.f32 $2.000000030e-01, v0  }
0xe8: {  	vm0 =	vge.f32 v0, $0.0e+00  }
0xe9: {  	v11 =	vadd.f32 v12, v11;
	v0 =	vsel vm0, v0, v15  }
0xea: {  	v0 =	vmul.f32 $1.442695020e+00, v0  }
0xeb: {  	v12 =	vadd.f32 v14, v13;
	v13 =	vmul.f32 $2.000000030e-01, v11  }
0xec: {  	vm11 =	vge.f32 v11, $0.0e+00;
	v9 =	vadd.f32 v10, v9;
	(erf) = vpow2.f32 v0  }
0xed: {  	v11 =	vsel vm11, v11, v13;
	v10 =	vmul.f32 $2.000000030e-01, v12  }
0xee: {  	v11 =	vmul.f32 $1.442695020e+00, v11;
	v0 =	vmul.f32 $2.000000030e-01, v9  }
0xef: {  	vm1 =	vge.f32 v12, $0.0e+00;
	vm12 =	vge.f32 v9, $0.0e+00  }
0xf0: {  	s26 =	sadd.s32 $0x40, s23;
	v10 =	vsel vm1, v12, v10;
	(erf) = vpow2.f32 v11;
	v0 =	vsel vm12, v9, v0  }
0xf1: {  	v49 =	vld [tilespmem:s26+$0x10];
	v9 =	vmul.f32 $1.442695020e+00, v10;
	v0 =	vmul.f32 $1.442695020e+00, v0  }
0xf2: {  	v58 =	vld [tilespmem:s26+$0xFFFFFFF0]  }
0xf3: {  	s22 =	sadd.s32 $0x40, s22;
	v61 =	vld [tilespmem:s26+$0x0];
	(erf) = vpow2.f32 v9  }
0xf4: {  	s21 =	smul.u32 $0xC000, s21;
	v52 =	vld [tilespmem:s22+$0x10]  }
0xf5: {  	v4 =	vimm.s32 $0x0;
	v55 =	vld [tilespmem:s22+$0xFFFFFFE0];
	(erf) = vpow2.f32 v0;
	v0 =	vpop (erf)  }
0xf6: {  	s25 =	simm.s32 $0x7E20;
	v1 =	vimm.s32 $0x1;
	s21 =	sshrl.u32 s21, $0x2;
	v60 =	vld [tilespmem:s22+$0xFFFFFFF0];
	v19 =	vperm.xlane v0, v4  }
0xf7: {  	s21 =	sor.u32 $0x700, s21;
	v62 =	vld [tilespmem:s22+$0x0];
	[tilespmem:s25+$0x10] =	vst v0;
	v22 =	vperm.xlane v0, v1;
	v23 =	vperm.xlane v0, v5  }
0xf8: {  	v10 =	vperm.xlane v0, v6;
	v9 =	vperm.xlane v0, v2;
	v13 =	vld [tilespmem:s21+$0xF0]  }
0xf9: {  	v16 =	vpop (erf);
	v12 =	vperm.xlane v0, v8;
	v11 =	vperm.xlane v0, v3;
	v2 =	vimm.s32 $0x7;
	v14 =	vld [tilespmem:s21+$0x80]  }
0xfa: {  	v15 =	vld [tilespmem:s21+$0x90];
	v27 =	vperm.xlane v16, v4;
	v0 =	vperm.xlane v0, v2  }
0xfb: {  	v6 =	vimm.s32 $0x3;
	[tilespmem:s25+$0xFFFFFFF0] =	vst v16;
	v17 =	vld [tilespmem:s21+$0xA0];
	v29 =	vperm.xlane v16, v1;
	v30 =	vperm.xlane v16, v5  }
0xfc: {  	v8 =	vimm.s32 $0x5;
	v43 =	vperm.xlane v16, v6;
	v45 =	vperm.xlane v16, v7;
	v20 =	vld [tilespmem:s21+$0xFFFFFF80];
	v18 =	vpop (erf)  }
0xfd: {  	v46 =	vperm.xlane v16, v8;
	v24 =	vld [tilespmem:s21+$0xFFFFFF90];
	v50 =	vperm.xlane v18, v4  }
0xfe: {  	v44 =	vld [tilespmem:s21+$0xFFFFFFA0];
	v21 =	vpop (erf);
	v51 =	vperm.xlane v18, v1;
	v53 =	vperm.xlane v18, v5  }
0xff: {  	v3 =	vimm.s32 $0x6;
	v47 =	vld [tilespmem:s21+$0xFFFFFFB0];
	v54 =	vperm.xlane v18, v6;
	v56 =	vperm.xlane v18, v7;
	[tilespmem:s25+$0xFFFFFFE0] =	vst v21  }
0x100: {  	v57 =	vperm.xlane v18, v8;
	v59 =	vperm.xlane v18, v3;
	v25 =	vld [tilespmem:s21+$0xFFFFFF00]  }
0x101: {  	v32 =	vperm.xlane v21, v4;
	v34 =	vperm.xlane v21, v1;
	v26 =	vld [tilespmem:s21+$0xFFFFFF10]  }
0x102: {  	v35 =	vperm.xlane v21, v5;
	v37 =	vperm.xlane v21, v6;
	v28 =	vld [tilespmem:s21+$0xFFFFFF20]  }
0x103: {  	v38 =	vperm.xlane v21, v7;
	v40 =	vperm.xlane v21, v8;
	v42 =	vld [tilespmem:s21+$0xFFFFFF70]  }
0x104: {  	v41 =	vperm.xlane v21, v3;
	v21 =	vperm.xlane v21, v2;
	v31 =	vld [tilespmem:s21+$0xFFFFFF30]  }
0x105: {  	v0 =	vmul.f32 v13, v0;
	v33 =	vld [tilespmem:s21+$0xFFFFFF40];
	v13 =	vperm.xlane v18, v2  }
0x106: {  	v36 =	vld [tilespmem:s21+$0xFFFFFF50];
	v14 =	vmul.f32 v14, v19;
	v15 =	vmul.f32 v15, v22  }
0x107: {  	[tilespmem:s25+$0x0] =	vst v18;
	v39 =	vld [tilespmem:s21+$0xFFFFFF60];
	v17 =	vmul.f32 v17, v23;
	v20 =	vmul.f32 v20, v27;
	v27 =	vadd.f32 v52, v49  }
0x108: {  	v19 =	vld [tilespmem:s21+$0xFFFFFFE0];
	[tilespmem:s21+$0xF0] =	vst v0;
	v18 =	vmul.f32 v42, v21;
	v21 =	vmul.f32 v24, v29  }
0x109: {  	v23 =	vld [tilespmem:s21+$0xFFFFFFF0];
	[tilespmem:s21+$0x80] =	vst v14;
	v29 =	vmul.f32 v44, v30;
	v30 =	vmul.f32 $2.000000030e-01, v27  }
0x10a: {  	v48 =	vperm.xlane v16, v3;
	v49 =	vld [tilespmem:s21+$0xFFFFFFC0];
	v0 =	vmul.f32 v47, v43;
	[tilespmem:s21+$0x90] =	vst v15;
	vm13 =	vge.f32 v27, $0.0e+00  }
0x10b: {  	v15 =	vld [tilespmem:s21+$0xB0];
	[tilespmem:s21+$0xFFFFFF80] =	vst v20;
	v20 =	vadd.f32 v60, v58;
	v25 =	vmul.f32 v25, v32;
	v22 =	vsel vm13, v27, v30  }
0x10c: {  	[tilespmem:s21+$0xA0] =	vst v17;
	v63 =	vmul.f32 v36, v40;
	v40 =	vld [tilespmem:s26+$0xFFFFFFE0];
	v22 =	vmul.f32 $1.442695020e+00, v22  }
0x10d: {  	v16 =	vperm.xlane v16, v2;
	v17 =	vld [tilespmem:s21+$0xE0];
	[tilespmem:s21+$0xFFFFFF00] =	vst v25;
	v25 =	vmul.f32 $2.000000030e-01, v20  }
0x10e: {  	[tilespmem:s21+$0xFFFFFFB0] =	vst v0;
	v26 =	vmul.f32 v26, v34;
	v24 =	vld [tilespmem:s21+$0xFFFFFFD0];
	vm14 =	vge.f32 v20, $0.0e+00;
	(erf) = vpow2.f32 v22  }
0x10f: {  	v28 =	vmul.f32 v28, v35;
	v58 =	vmul.f32 v23, v16;
	v16 =	vld [tilespmem:s21+$0xD0];
	[tilespmem:s21+$0xFFFFFF90] =	vst v21;
	v20 =	vsel vm14, v20, v25  }
0x110: {  	v31 =	vmul.f32 v31, v37;
	v21 =	vadd.f32 v62, v61;
	[tilespmem:s21+$0xFFFFFF10] =	vst v26;
	v27 =	vld [tilespmem:s21+$0x0];
	v20 =	vmul.f32 $1.442695020e+00, v20  }
0x111: {  	v33 =	vmul.f32 v33, v38;
	[tilespmem:s21+$0xFFFFFF20] =	vst v28;
	v30 =	vld [tilespmem:s21+$0x10];
	v26 =	vadd.f32 v55, v40  }
0x112: {  	[tilespmem:s21+$0xFFFFFF30] =	vst v31;
	v31 =	vld [tilespmem:s21+$0x30];
	v28 =	vmul.f32 $2.000000030e-01, v21;
	(erf) = vpow2.f32 v20  }
0x113: {  	v41 =	vmul.f32 v39, v41;
	[tilespmem:s21+$0xFFFFFF40] =	vst v33;
	vm15 =	vge.f32 v21, $0.0e+00;
	v25 =	vld [tilespmem:s21+$0x20];
	v22 =	vmul.f32 $2.000000030e-01, v26  }
0x114: {  	[tilespmem:s21+$0xFFFFFF50] =	vst v63;
	v55 =	vld [tilespmem:s21+$0x60];
	v21 =	vsel vm15, v21, v28;
	vm2 =	vge.f32 v26, $0.0e+00  }
0x115: {  	[tilespmem:s21+$0xFFFFFF60] =	vst v41;
	v21 =	vmul.f32 $1.442695020e+00, v21;
	v20 =	vld [tilespmem:s21+$0x50];
	v22 =	vsel vm2, v26, v22  }
0x116: {  	[tilespmem:s21+$0xFFFFFF70] =	vst v18;
	v26 =	vmul.f32 v24, v46;
	v24 =	vld [tilespmem:s21+$0x40];
	v14 =	vmul.f32 $1.442695020e+00, v22  }
0x117: {  	s28 =	simm.s32 $0x7E60;
	[tilespmem:s21+$0xFFFFFFA0] =	vst v29;
	v28 =	vmul.f32 v49, v45;
	(erf) = vpow2.f32 v21;
	v22 =	vld [tilespmem:s21+$0x70];
	v29 =	vpop (erf)  }
0x118: {  	s23 =	sadd.s32 $0x200, s21;
	(erf) = vpow2.f32 v14;
	v14 =	vld [tilespmem:s21+$0xC0];
	[tilespmem:s28+$0x10] =	vst v29  }
0x119: {  	[tilespmem:s21+$0xFFFFFFC0] =	vst v28;
	v33 =	vmul.f32 v55, v59;
	v0 =	vld [tilespmem:s23+$0xF0]  }
0x11a: {  	v52 =	vmul.f32 v19, v48;
	v36 =	vmul.f32 v27, v50;
	[tilespmem:s21+$0xFFFFFFD0] =	vst v26;
	v27 =	vld [tilespmem:s23+$0x80]  }
0x11b: {  	v30 =	vmul.f32 v30, v51;
	v31 =	vmul.f32 v31, v54;
	v28 =	vld [tilespmem:s23+$0x90];
	v26 =	vpop (erf);
	[tilespmem:$0x1FFF0] =	vst v33  }
0x11c: {  	v37 =	vmul.f32 v25, v53;
	v63 =	vmul.f32 v20, v57;
	[tilespmem:s28+$0xFFFFFFF0] =	vst v26  }
0x11d: {  	v46 =	vmul.f32 v24, v56;
	v25 =	vperm.xlane v29, v4;
	[tilespmem:s21+$0xFFFFFFE0] =	vst v52  }
0x11e: {  	v24 =	vperm.xlane v29, v1;
	v23 =	vperm.xlane v29, v5;
	[tilespmem:s21+$0xFFFFFFF0] =	vst v58  }
0x11f: {  	v20 =	vperm.xlane v29, v6;
	v21 =	vperm.xlane v29, v7;
	[tilespmem:s21+$0x0] =	vst v36  }
0x120: {  	v18 =	vperm.xlane v29, v8;
	v19 =	vperm.xlane v29, v3;
	v34 =	vld [tilespmem:s23+$0xA0];
	[tilespmem:s21+$0x10] =	vst v30  }
0x121: {  	v29 =	vperm.xlane v29, v2;
	v41 =	vperm.xlane v26, v4;
	[tilespmem:s21+$0x20] =	vst v37;
	v44 =	vpop (erf);
	v43 =	vld [tilespmem:s23+$0xFFFFFF80]  }
0x122: {  	v42 =	vperm.xlane v26, v1;
	v40 =	vperm.xlane v26, v5;
	[tilespmem:s21+$0x50] =	vst v63;
	v47 =	vld [tilespmem:s23+$0xFFFFFF90];
	v39 =	vpop (erf)  }
0x123: {  	v49 =	vperm.xlane v26, v6;
	v38 =	vperm.xlane v26, v8;
	v63 =	vld [tilespmem:s23+$0xFFFFFFA0];
	[tilespmem:s28+$0xFFFFFFE0] =	vst v39  }
0x124: {  	[tilespmem:s21+$0x30] =	vst v31;
	v37 =	vperm.xlane v26, v3;
	v35 =	vperm.xlane v26, v2;
	v56 =	vld [tilespmem:s23+$0xFFFFFF00]  }
0x125: {  	[tilespmem:s21+$0x40] =	vst v46;
	v31 =	vperm.xlane v44, v4;
	v0 =	vmul.f32 v0, v29;
	v59 =	vld [tilespmem:s23+$0xFFFFFF10]  }
0x126: {  	[tilespmem:s28+$0x0] =	vst v44;
	v32 =	vperm.xlane v44, v5;
	v30 =	vperm.xlane v44, v6;
	v60 =	vld [tilespmem:s23+$0xFFFFFF20]  }
0x127: {  	v36 =	vperm.xlane v44, v7;
	v33 =	vperm.xlane v44, v8;
	v61 =	vld [tilespmem:s23+$0xFFFFFF30];
	[tilespmem:s23+$0xF0] =	vst v0  }
0x128: {  	v29 =	vperm.xlane v44, v1;
	v50 =	vperm.xlane v39, v4;
	v0 =	vld [tilespmem:$0x1FFF0]  }
0x129: {  	v57 =	vperm.xlane v39, v1;
	v54 =	vperm.xlane v39, v5;
	v62 =	vld [tilespmem:s23+$0xFFFFFF40]  }
0x12a: {  	v58 =	vperm.xlane v39, v6;
	v53 =	vperm.xlane v39, v7;
	v45 =	vld [tilespmem:s23+$0xFFFFFF50]  }
0x12b: {  	v55 =	vperm.xlane v39, v8;
	v51 =	vperm.xlane v39, v3;
	v46 =	vld [tilespmem:s23+$0xFFFFFF60]  }
0x12c: {  	s24 =	sxor.u32 $0x1, s24;
	s29 =	simm.s32 $0x4;
	v52 =	vperm.xlane v39, v2;
	v39 =	vperm.xlane v26, v7;
	v48 =	vld [tilespmem:s23+$0xFFFFFF70]  }
0x12d: {  	s30 =	sadd.s32 $0x40, s26;
	s25 =	smul.u32 $0x60, s24;
	s26 =	smov.u32 s23;
	v26 =	vperm.xlane v44, v3;
	v44 =	vperm.xlane v44, v2;
	[tilespmem:s21+$0x60] =	vst v0;
	v0 =	vld [tilespmem:s23+$0xFFFFFFB0]  }
.LBB2_10:
0x12e: {  	v1 =	vld [tilespmem:s30+$0x10];
	v50 =	vmul.f32 v56, v50;
	v56 =	vmul.f32 v59, v57;
	s22 =	sadd.s32 $0x40, s22  }
0x12f: {  	s29 =	sadd.s32 $0x4, s29;
	v54 =	vmul.f32 v60, v54;
	v58 =	vmul.f32 v61, v58;
	v57 =	vld [tilespmem:s22+$0x10]  }
0x130: {  	v45 =	vmul.f32 v45, v55;
	p1 =	slt.u32 s29, $0x5C;
	v59 =	vld [tilespmem:s22+$0xFFFFFFE0];
	[tilespmem:s23+$0xFFFFFF00] =	vst v50;
	v50 =	vmul.f32 v62, v53  }
0x131: {  	v46 =	vmul.f32 v46, v51;
	v48 =	vmul.f32 v48, v52;
	v53 =	vld [tilespmem:s30+$0xFFFFFFF0];
	[tilespmem:s23+$0xFFFFFF10] =	vst v56  }
0x132: {  	v41 =	vmul.f32 v43, v41;
	v42 =	vmul.f32 v47, v42;
	v51 =	vld [tilespmem:s22+$0xFFFFFFF0];
	[tilespmem:s23+$0xFFFFFF20] =	vst v54  }
0x133: {  	v40 =	vmul.f32 v63, v40;
	v0 =	vmul.f32 v0, v49;
	v43 =	vld [tilespmem:s30+$0x0];
	[tilespmem:s23+$0xFFFFFF30] =	vst v58  }
0x134: {  	v25 =	vmul.f32 v27, v25;
	v22 =	vmul.f32 v22, v13;
	v47 =	vld [tilespmem:s22+$0x0];
	v1 =	vadd.f32 v57, v1;
	[tilespmem:s23+$0xFFFFFF40] =	vst v50  }
0x135: {  	v24 =	vmul.f32 v28, v24;
	v23 =	vmul.f32 v34, v23;
	v13 =	vmov v44;
	v27 =	vld [tilespmem:s30+$0xFFFFFFE0];
	[tilespmem:s23+$0xFFFFFF50] =	vst v45  }
0x136: {  	v45 =	vmul.f32 v15, v10;
	v10 =	vmov v20;
	v28 =	vmul.f32 $2.000000030e-01, v1;
	[tilespmem:s23+$0xFFFFFF60] =	vst v46;
	v34 =	vld [tilespmem:s23+$0xFFFFFFC0]  }
0x137: {  	vm0 =	vge.f32 v1, $0.0e+00;
	v46 =	vmul.f32 v14, v9;
	v9 =	vmovc v21;
	v15 =	vadd.f32 v51, v53;
	[tilespmem:s23+$0xFFFFFF70] =	vst v48;
	v20 =	vld [tilespmem:s23+$0xFFFFFFD0]  }
0x138: {  	v44 =	vmul.f32 v17, v11;
	v48 =	vmul.f32 v16, v12;
	v1 =	vsel vm0, v1, v28;
	[tilespmem:s23+$0xFFFFFF80] =	vst v41;
	v14 =	vld [tilespmem:s23+$0xFFFFFFE0]  }
0x139: {  	v11 =	vmovc v19;
	v12 =	vmovc v18;
	v16 =	vmul.f32 $2.000000030e-01, v15;
	v17 =	vadd.f32 v47, v43;
	v1 =	vmul.f32 $1.442695020e+00, v1;
	[tilespmem:s23+$0xFFFFFF90] =	vst v42;
	v21 =	vld [tilespmem:s23+$0xFFFFFFF0]  }
0x13a: {  	vm0 =	vge.f32 v15, $0.0e+00;
	v18 =	vadd.f32 v59, v27;
	[tilespmem:s23+$0xFFFFFFA0] =	vst v40;
	v19 =	vld [tilespmem:s23+$0x0]  }
0x13b: {  	vm1 =	vge.f32 v17, $0.0e+00;
	v27 =	vmul.f32 $2.000000030e-01, v17;
	(erf) = vpow2.f32 v1;
	[tilespmem:s23+$0xFFFFFFB0] =	vst v0;
	v0 =	vld [tilespmem:s23+$0x10]  }
0x13c: {  	v15 =	vsel vm0, v15, v16;
	vm2 =	vge.f32 v18, $0.0e+00;
	v1 =	vmul.f32 $2.000000030e-01, v18;
	v16 =	vld [tilespmem:s23+$0x20];
	[tilespmem:s21+$0x70] =	vst v22  }
0x13d: {  	v15 =	vmul.f32 $1.442695020e+00, v15;
	v22 =	vmul.f32 v34, v39;
	v17 =	vsel vm1, v17, v27;
	v27 =	vld [tilespmem:s23+$0x30];
	[tilespmem:s23+$0x80] =	vst v25  }
0x13e: {  	v1 =	vsel vm2, v18, v1;
	v17 =	vmul.f32 $1.442695020e+00, v17;
	v18 =	vmul.f32 v20, v38;
	v20 =	vld [tilespmem:s23+$0x40];
	[tilespmem:s23+$0x90] =	vst v24  }
0x13f: {  	v1 =	vmul.f32 $1.442695020e+00, v1;
	(erf) = vpow2.f32 v15;
	[tilespmem:s23+$0xFFFFFFC0] =	vst v22;
	v24 =	vld [tilespmem:s23+$0x50]  }
0x140: {  	v14 =	vmul.f32 v14, v37;
	(erf) = vpow2.f32 v17;
	[tilespmem:s23+$0xFFFFFFD0] =	vst v18;
	v34 =	vld [tilespmem:s23+$0x60]  }
0x141: {  	(erf) = vpow2.f32 v1;
	v1 =	vmul.f32 v21, v35;
	v22 =	vld [tilespmem:s23+$0x70];
	[tilespmem:s23+$0xA0] =	vst v23  }
0x142: {  	v17 =	vmul.f32 v19, v31;
	v0 =	vmul.f32 v0, v29;
	[tilespmem:s23+$0xFFFFFFE0] =	vst v14;
	v15 =	vld [tilespmem:s23+$0xB0]  }
0x143: {  	v63 =	vimm.s32 $0x1;
	v29 =	vmul.f32 v27, v30;
	[tilespmem:s23+$0xFFFFFFF0] =	vst v1;
	v1 =	vmul.f32 v16, v32;
	v14 =	vld [tilespmem:s23+$0xC0]  }
0x144: {  	s28 =	sadd.s32 $0x40, s28;
	v31 =	vmul.f32 v20, v36;
	v36 =	vimm.s32 $0x0;
	v30 =	vpop (erf);
	[tilespmem:s23+$0x0] =	vst v17;
	v32 =	vmul.f32 v24, v33;
	v16 =	vld [tilespmem:s23+$0xD0]  }
0x145: {  	s23 =	sadd.s32 $0x200, s23;
	[tilespmem:s28+$0x10] =	vst v30;
	v25 =	vperm.xlane v30, v36;
	v24 =	vperm.xlane v30, v63;
	v17 =	vld [tilespmem:s26+$0xE0]  }
0x146: {  	v23 =	vperm.xlane v30, v5;
	v20 =	vperm.xlane v30, v6;
	v33 =	vld [tilespmem:s23+$0xF0];
	[tilespmem:s26+$0x10] =	vst v0  }
0x147: {  	v21 =	vperm.xlane v30, v7;
	v18 =	vperm.xlane v30, v8;
	v27 =	vld [tilespmem:s23+$0x80];
	[tilespmem:s26+$0x20] =	vst v1  }
0x148: {  	v19 =	vperm.xlane v30, v3;
	v1 =	vmul.f32 v34, v26;
	v28 =	vld [tilespmem:s23+$0x90];
	v0 =	vpop (erf);
	[tilespmem:s26+$0x30] =	vst v29  }
0x149: {  	v4 =	vimm.s32 $0x7;
	v26 =	vperm.xlane v30, v2;
	[tilespmem:s28+$0xFFFFFFF0] =	vst v0;
	v41 =	vperm.xlane v0, v36;
	v34 =	vld [tilespmem:s23+$0xA0];
	v2 =	vpop (erf)  }
0x14a: {  	v42 =	vperm.xlane v0, v63;
	v40 =	vperm.xlane v0, v5;
	v43 =	vld [tilespmem:s23+$0xFFFFFF80];
	[tilespmem:s28+$0x0] =	vst v2;
	v29 =	vpop (erf)  }
0x14b: {  	[tilespmem:s28+$0xFFFFFFE0] =	vst v29;
	v50 =	vperm.xlane v29, v36;
	v47 =	vld [tilespmem:s23+$0xFFFFFF90];
	v26 =	vmul.f32 v33, v26  }
0x14c: {  	v57 =	vperm.xlane v29, v63;
	v54 =	vperm.xlane v29, v5;
	v56 =	vld [tilespmem:s23+$0xFFFFFF00];
	[tilespmem:s26+$0x40] =	vst v31  }
0x14d: {  	v58 =	vperm.xlane v29, v6;
	v53 =	vperm.xlane v29, v7;
	v59 =	vld [tilespmem:s23+$0xFFFFFF10];
	[tilespmem:s23+$0xF0] =	vst v26  }
0x14e: {  	v55 =	vperm.xlane v29, v8;
	v51 =	vperm.xlane v29, v3;
	v60 =	vld [tilespmem:s23+$0xFFFFFF20];
	[tilespmem:s26+$0x50] =	vst v32  }
0x14f: {  	v49 =	vperm.xlane v0, v6;
	v52 =	vperm.xlane v29, v4;
	v61 =	vld [tilespmem:s23+$0xFFFFFF30];
	[tilespmem:s26+$0x60] =	vst v1  }
0x150: {  	v39 =	vperm.xlane v0, v7;
	v38 =	vperm.xlane v0, v8;
	v62 =	vld [tilespmem:s23+$0xFFFFFF40];
	[tilespmem:s21+$0xB0] =	vst v45  }
.Ltmp6:
0x151: {  	v37 =	vperm.xlane v0, v3;
	v35 =	vperm.xlane v0, v4;
	v45 =	vld [tilespmem:s23+$0xFFFFFF50];
	[tilespmem:s21+$0xC0] =	vst v46;
	(pc) =	sbr.rel @p1 .LBB2_10-.Ltmp6, $4  }
0x152: {  	v29 =	vperm.xlane v2, v63;
	v31 =	vperm.xlane v2, v36;
	v46 =	vld [tilespmem:s23+$0xFFFFFF60];
	[tilespmem:s21+$0xD0] =	vst v48  }
0x153: {  	v30 =	vperm.xlane v2, v6;
	v32 =	vperm.xlane v2, v5;
	v48 =	vld [tilespmem:s23+$0xFFFFFF70];
	[tilespmem:s21+$0xE0] =	vst v44;
	s21 =	smov.u32 s26;
	s26 =	smov.u32 s23  }
0x154: {  	v33 =	vperm.xlane v2, v8;
	v36 =	vperm.xlane v2, v7;
	v63 =	vld [tilespmem:s23+$0xFFFFFFA0]  }
0x155: {  	s30 =	sadd.s32 $0x40, s30;
	v26 =	vperm.xlane v2, v3;
	v44 =	vperm.xlane v2, v4;
	v2 =	vimm.s32 $0x7;
	v0 =	vld [tilespmem:s23+$0xFFFFFFB0]  }
0x156: {  	v1 =	vmul.f32 v56, v50  }
0x157: {  	v2 =	vmul.f32 v59, v57  }
0x158: {  	v60 =	vmul.f32 v60, v54;
	[tilespmem:s23+$0xFFFFFF00] =	vst v1  }
0x159: {  	v45 =	vmul.f32 v45, v55;
	[tilespmem:s23+$0xFFFFFF10] =	vst v2  }
0x15a: {  	v42 =	vmul.f32 v47, v42;
	[tilespmem:s23+$0xFFFFFF20] =	vst v60  }
0x15b: {  	v13 =	vmul.f32 v22, v13;
	[tilespmem:s23+$0xFFFFFF50] =	vst v45  }
0x15c: {  	v50 =	vmul.f32 v46, v51;
	[tilespmem:s23+$0xFFFFFF90] =	vst v42  }
0x15d: {  	v1 =	vmul.f32 v61, v58;
	[tilespmem:s21+$0x70] =	vst v13  }
0x15e: {  	v2 =	vmul.f32 v62, v53;
	[tilespmem:s23+$0xFFFFFF60] =	vst v50  }
0x15f: {  	v53 =	vmul.f32 v27, v25;
	[tilespmem:s23+$0xFFFFFF30] =	vst v1  }
0x160: {  	v51 =	vld [tilespmem:s23+$0xFFFFFFD0];
	v40 =	vmul.f32 v63, v40;
	[tilespmem:s23+$0xFFFFFF40] =	vst v2  }
0x161: {  	v54 =	vld [tilespmem:s23+$0x0];
	v1 =	vmul.f32 v43, v41;
	[tilespmem:s23+$0x80] =	vst v53  }
0x162: {  	v55 =	vld [tilespmem:s23+$0x10];
	v0 =	vmul.f32 v0, v49;
	[tilespmem:s23+$0xFFFFFFA0] =	vst v40  }
0x163: {  	v2 =	vld [tilespmem:s23+$0xFFFFFFC0];
	[tilespmem:s23+$0xFFFFFF80] =	vst v1;
	v1 =	vmul.f32 v48, v52  }
0x164: {  	v56 =	vld [tilespmem:s23+$0x20];
	[tilespmem:s23+$0xFFFFFFB0] =	vst v0;
	v0 =	vmul.f32 v28, v24  }
0x165: {  	v58 =	vld [tilespmem:s23+$0x30];
	v57 =	vmul.f32 v51, v38;
	[tilespmem:s23+$0xFFFFFF70] =	vst v1  }
0x166: {  	v24 =	vmul.f32 v54, v31;
	v1 =	vld [tilespmem:s23+$0xFFFFFFF0];
	[tilespmem:s23+$0x90] =	vst v0  }
0x167: {  	v52 =	vld [tilespmem:s23+$0xFFFFFFE0];
	v0 =	vmul.f32 v34, v23;
	[tilespmem:s23+$0xFFFFFFD0] =	vst v57  }
0x168: {  	v60 =	vld [tilespmem:s23+$0x50];
	[tilespmem:s23+$0x0] =	vst v24;
	v2 =	vmul.f32 v2, v39  }
0x169: {  	v13 =	vmul.f32 v55, v29;
	[tilespmem:s23+$0xA0] =	vst v0;
	v0 =	vld [tilespmem:s23+$0x60]  }
0x16a: {  	v62 =	vmul.f32 v58, v30;
	[tilespmem:s23+$0xFFFFFFC0] =	vst v2;
	v2 =	vld [tilespmem:s23+$0x40]  }
0x16b: {  	v61 =	vld [tilespmem:s23+$0x70];
	[tilespmem:s26+$0x10] =	vst v13;
	v1 =	vmul.f32 v1, v35  }
0x16c: {  	v59 =	vmul.f32 v52, v37;
	[tilespmem:s26+$0x30] =	vst v62  }
0x16d: {  	[tilespmem:s23+$0xFFFFFFF0] =	vst v1;
	v1 =	vmul.f32 v56, v32  }
0x16e: {  	[tilespmem:s23+$0xFFFFFFE0] =	vst v59;
	v0 =	vmul.f32 v0, v26  }
0x16f: {  	v2 =	vmul.f32 v2, v36;
	[tilespmem:s26+$0x20] =	vst v1  }
0x170: {  	v1 =	vmul.f32 v60, v33;
	[tilespmem:s26+$0x60] =	vst v0  }
0x171: {  	v63 =	vld [tilespmem:s23+$0xD0];
	v0 =	vmul.f32 v16, v12;
	[tilespmem:s26+$0x40] =	vst v2  }
0x172: {  	v2 =	vmul.f32 v15, v10;
	v10 =	vld [tilespmem:s23+$0xB0];
	[tilespmem:s26+$0x50] =	vst v1  }
0x173: {  	v1 =	vmul.f32 v14, v9;
	v9 =	vld [tilespmem:s23+$0xC0];
	[tilespmem:s21+$0xD0] =	vst v0  }
0x174: {  	v0 =	vmul.f32 v61, v44;
	[tilespmem:s21+$0xB0] =	vst v2;
	v2 =	vmul.f32 v17, v11;
	v11 =	vld [tilespmem:s26+$0xE0]  }
0x175: {  	[tilespmem:s21+$0xC0] =	vst v1  }
0x176: {  	[tilespmem:s26+$0x70] =	vst v0;
	v0 =	vmul.f32 v63, v18  }
0x177: {  	[tilespmem:s21+$0xE0] =	vst v2;
	v1 =	vmul.f32 v10, v20  }
0x178: {  	[tilespmem:s26+$0xD0] =	vst v0;
	v2 =	vmul.f32 v9, v21  }
0x179: {  	s31 =	smul.u32 $0xC000, s24;
	[tilespmem:s26+$0xB0] =	vst v1;
	v1 =	vmul.f32 v11, v19  }
.Ltmp7:
0x17a: {  	[tilespmem:s26+$0xC0] =	vst v2;
	(pc) =	sbr.rel .LBB2_12-.Ltmp7, $4  }
0x17b: {  	s22 =	sadd.s32 $0x540, s25;
	s21 =	sshrl.u32 s31, $0x2;
	[tilespmem:s26+$0xE0] =	vst v1  }
0x17c: {  	[spmem:s3] =	stream.indirect.scatter.add.f32 [tilespmem:s19], [sflag:$0x2], $0x10, s22, s18, $0xb8;
	[tilespmem:$0x1F080] =	vst v63  }
0x17d: {  	v6 =	vimm.s32 $0x3;
	s21 =	sor.u32 $0x600, s21  }
0x17e: {  	v8 =	vimm.s32 $0x5;
	v3 =	vimm.s32 $0x6;
	v2 =	vimm.s32 $0x4;
	[spmem:s2] =	stream.indirect.scatter.add.f32 [tilespmem:s21], [sflag:$0x2], $0x80, s22, s18, $0xb8;
	[tilespmem:$0x1F080] =	vst v63  }
.LBB2_13:
0x17f: {  	[bflag:$0x0] =	sbarrier.arrive $0xFFFF  }
0x180: {  	s21 =	sadd.s32 $0x0, s13;
	s20 =	sshll.u32 s1, $0x6;
	s22 =	sshrl.u32 s12, $0x3  }
0x181: {  	s23 =	sshrl.u32 s11, $0x3;
	s24 =	smov.u32 s12;
	s20 =	sor.u32 $0x1C01, s20  }
0x182: {  	[hbm:s14], [sflag:s20] =	dma.local [spmem:s22], $0xC0  }
0x183: {  	[hbm:s21], [sflag:s20] =	dma.local [spmem:s23], $0x18  }
0x184: {  	s22 =	sadd.s32 $0xC0, s11;
	s21 =	simm.s32 $0x18;
	s23 =	smov.u32 s14  }
.LBB2_14:
0x185: {  	s25 =	sadd.s32 s21, s13  }
0x186: {  	s23 =	sadd.s32 $0xC0, s23;
	s24 =	sadd.s32 $0x600, s24;
	p0 =	sne.s32 s21, $0x4E0  }
.Ltmp8:
0x187: {  	s21 =	sadd.s32 $0x18, s21;
	(pc) =	sbr.rel @p0 .LBB2_14-.Ltmp8, $4  }
0x188: {  	s28 =	sshrl.u32 s22, $0x3;
	s26 =	sshrl.u32 s24, $0x3  }
0x189: {  	[hbm:s23], [sflag:s20] =	dma.local [spmem:s26], $0xC0  }
0x18a: {  	[hbm:s25], [sflag:s20] =	dma.local [spmem:s28], $0x18  }
0x18b: {  	s22 =	sadd.s32 $0xC0, s22  }
0x18c: {  	_ =	swait.ge [sflag:s17], $0xC0  }
0x18d: {  	[sflag:s17] =	ssyncset.done $0x0  }
0x18e: {  	[sflag:s17] =	ssyncadd.s32 $0xFFFFFF40  }
0x18f: {  	_ =	swait.ge [sflag:s17], $0x18  }
0x190: {  	s20 =	simm.s32 $0x34;
	[sflag:s17] =	ssyncset.done $0x0  }
.LBB2_16:
0x191: {  	p0 =	sne.s32 s20, $0x1;
	s20 =	sadd.s32 $0xFFFFFFFF, s20;
	[sflag:s17] =	ssyncadd.s32 $0xFFFFFFE8  }
.Ltmp9:
0x192: {  	_ =	swait.ge [sflag:s17], $0xC0;
	(pc) =	sbr.rel @p0 .LBB2_16-.Ltmp9, $4  }
0x193: {  	[sflag:s17] =	ssyncset.done $0x0  }
0x194: {  	[sflag:s17] =	ssyncadd.s32 $0xFFFFFF40  }
0x195: {  	_ =	swait.ge [sflag:s17], $0x18  }
0x196: {  	[sflag:s17] =	ssyncset.done $0x0  }
0x197: {  	s4 =	sadd.s32 $0x1, s4  }
0x198: {  	p0 =	sne.s32 s4, s10  }
.Ltmp10:
0x199: {  	_ = 	snop;
	(pc) =	sbr.rel @p0 .LBB2_1-.Ltmp10, $2  }
0x19a: {  	_ =	sdelay $0x2  }
0x19b: {  	[sflag:s17] =	ssyncadd.s32 $0xFFFFFFE8  }
0x19c: {  	_ =	sfence.sel $0x180000  }
0x19d: {  	[bflag:$0x0] =	sbarrier.arrive $0xFFFF  }
0x19e: {  	p0 =	sne.s32 s1, $0x0;
	_ =	strace $0x90000047  }
0x19f: {  	s0 =	sadd.s32 @!p0 $0x100000, s0;
	[bflag:$0x2] =	sbarrier.arrive $0xFFFF  }
0x1a0: {  	[sflag:s0] =	ssyncadd.tile.s32 @!p0 $0x1;
	_ =	shalt  }
.Lfunc_end2:
_tile_overlayer_lowered:
.L_overlay_start_2:
0x1a1: {  	(tag) =	ssettag $0x2  }
0x1a2: {  	s0 =	rddreg [dreg:$0x0];
	s2 =	stileid.u32  }
0x1a3: {  	s1 =	rddreg [dreg:$0x1];
	p0 =	sne.s32 s2, $0x0  }
0x1a4: {  	s3 =	rddreg [dreg:$0x2];
	[bflag:$0x3] =	sbarrier.arrive $0xFFFF;
	s2 =	simm.s32 @!p0 $0x1C03  }
0x1a5: {  	[timem:s3], [sflag:s2] =	dma.local @!p0 [hbm:s0], s1  }
0x1a6: {  	s0 =	simm.s32 @!p0 $0x3  }
0x1a7: {  	_ =	swait.ge @!p0 [sflag:s0], s1  }
0x1a8: {  	s1 =	ssub.s32 @!p0 $0x0, s1;
	[sflag:s0] =	ssyncset.done @!p0 $0x0  }
0x1a9: {  	[sflag:s0] =	ssyncadd.s32 @!p0 s1  }
0x1aa: {  	[bflag:$0x3] =	sbarrier.arrive $0xFFFF  }
0x1ab: {  	_ =	shalt  }

</sc_bundles>
